<compile_context>
chip_gen: v7x
topology: tpu7x:2x2x1
jax: 0.10.2.dev20260603
libtpu: 0.0.44.dev20260713+nightly
codegen_flags: <defaults>
</compile_context>

<pallas_src>
import numpy as np
import jax
import jax.numpy as jnp
from jax.experimental import pallas as pl

N = 10000
D_IN = 128
HID = 128
OUT = 128
HEADS = 4
L = 5
NCLS = 2

BN = 1000


def _make_pe_row(d, pos):
    pe = np.zeros((d,), dtype=np.float32)
    div = np.exp(np.arange(0, d, 2, dtype=np.float32) * (-np.log(10000.0) / d))
    pe[0::2] = np.sin(pos * div)
    pe[1::2] = np.cos(pos * div)
    return pe

_PE4 = _make_pe_row(OUT, float(L - 1))


def _ka_body(x_ref, w_ref, as_ref, ad_ref, h0_ref, als_ref, ald_ref):
    h0 = jnp.dot(x_ref[...], w_ref[...], preferred_element_type=jnp.float32)
    h0_ref[...] = h0
    als = []
    ald = []
    for h in range(HEADS):
        sl = h0[:, h * OUT:(h + 1) * OUT]
        als.append((sl * as_ref[h, :][None, :]).sum(-1, keepdims=True))
        ald.append((sl * ad_ref[h, :][None, :]).sum(-1, keepdims=True))
    als_ref[...] = jnp.concatenate(als, axis=-1)
    ald_ref[...] = jnp.concatenate(ald, axis=-1)


def _stage_a(x, W, a_s, a_d, d_in, d_out):
    return pl.pallas_call(
        _ka_body,
        grid=(N // BN,),
        in_specs=[
            pl.BlockSpec((BN, d_in), lambda i: (i, 0)),
            pl.BlockSpec((d_in, d_out), lambda i: (0, 0)),
            pl.BlockSpec((HEADS, OUT), lambda i: (0, 0)),
            pl.BlockSpec((HEADS, OUT), lambda i: (0, 0)),
        ],
        out_specs=[
            pl.BlockSpec((BN, d_out), lambda i: (i, 0)),
            pl.BlockSpec((BN, HEADS), lambda i: (i, 0)),
            pl.BlockSpec((BN, HEADS), lambda i: (i, 0)),
        ],
        out_shape=[
            jax.ShapeDtypeStruct((N, d_out), jnp.float32),
            jax.ShapeDtypeStruct((N, HEADS), jnp.float32),
            jax.ShapeDtypeStruct((N, HEADS), jnp.float32),
        ],
    )(x, W, a_s, a_d)


def _kb_body(agg_ref, b_ref, w_ref, as_ref, ad_ref, h_ref, h1_ref, als_ref, ald_ref):
    a = agg_ref[...] + b_ref[...]
    h = jnp.where(a > 0, a, jnp.exp(jnp.minimum(a, 0.0)) - 1.0)
    h_ref[...] = h
    h1 = jnp.dot(h, w_ref[...], preferred_element_type=jnp.float32)
    h1_ref[...] = h1
    als = []
    ald = []
    for hh in range(HEADS):
        sl = h1[:, hh * OUT:(hh + 1) * OUT]
        als.append((sl * as_ref[hh, :][None, :]).sum(-1, keepdims=True))
        ald.append((sl * ad_ref[hh, :][None, :]).sum(-1, keepdims=True))
    als_ref[...] = jnp.concatenate(als, axis=-1)
    ald_ref[...] = jnp.concatenate(ald, axis=-1)


def _stage_b(agg, b1g, W2, as2, ad2):
    return pl.pallas_call(
        _kb_body,
        grid=(N // BN,),
        in_specs=[
            pl.BlockSpec((BN, HEADS * HID), lambda i: (i, 0)),
            pl.BlockSpec((1, HEADS * HID), lambda i: (0, 0)),
            pl.BlockSpec((HEADS * HID, HEADS * OUT), lambda i: (0, 0)),
            pl.BlockSpec((HEADS, OUT), lambda i: (0, 0)),
            pl.BlockSpec((HEADS, OUT), lambda i: (0, 0)),
        ],
        out_specs=[
            pl.BlockSpec((BN, HEADS * HID), lambda i: (i, 0)),
            pl.BlockSpec((BN, HEADS * OUT), lambda i: (i, 0)),
            pl.BlockSpec((BN, HEADS), lambda i: (i, 0)),
            pl.BlockSpec((BN, HEADS), lambda i: (i, 0)),
        ],
        out_shape=[
            jax.ShapeDtypeStruct((N, HEADS * HID), jnp.float32),
            jax.ShapeDtypeStruct((N, HEADS * OUT), jnp.float32),
            jax.ShapeDtypeStruct((N, HEADS), jnp.float32),
            jax.ShapeDtypeStruct((N, HEADS), jnp.float32),
        ],
    )(agg, b1g.reshape(1, -1), W2, as2, ad2)


def _ln(x, g, b):
    m = x.mean(-1, keepdims=True)
    v = ((x - m) ** 2).mean(-1, keepdims=True)
    return (x - m) * jax.lax.rsqrt(v + 1e-5) * g + b


def _kc_body(ht_ref, pe_ref, wv_ref, bv_ref, wo_ref, bo_ref, g_ref, b_ref,
             wf1_ref, bf1_ref, wf2_ref, bf2_ref, wc_ref, bc_ref, out_ref):
    u = ht_ref[...] + pe_ref[...]
    v = jnp.dot(u, wv_ref[...], preferred_element_type=jnp.float32) + bv_ref[...]
    attn = jnp.dot(v, wo_ref[...], preferred_element_type=jnp.float32) + bo_ref[...]
    g = g_ref[...]
    b = b_ref[...]
    y = _ln(u + attn, g, b)
    f = jnp.dot(y, wf1_ref[...], preferred_element_type=jnp.float32) + bf1_ref[...]
    f = jnp.maximum(f, 0.0)
    f = jnp.dot(f, wf2_ref[...], preferred_element_type=jnp.float32) + bf2_ref[...]
    y = _ln(y + f, g, b)
    out_ref[...] = jnp.dot(y, wc_ref[...], preferred_element_type=jnp.float32) + bc_ref[...]


def _stage_c(h_t, Wv, bv, Wo, bo, ln_g, ln_b, Wf1, bf1, Wf2, bf2, Wc, bc):
    pe = jnp.asarray(_PE4).reshape(1, OUT)
    row = lambda a: a.reshape(1, -1)
    full = lambda shape: pl.BlockSpec(shape, lambda i: tuple(0 for _ in shape))
    return pl.pallas_call(
        _kc_body,
        grid=(N // BN,),
        in_specs=[
            pl.BlockSpec((BN, OUT), lambda i: (i, 0)),
            full((1, OUT)),
            full((OUT, OUT)), full((1, OUT)),
            full((OUT, OUT)), full((1, OUT)),
            full((1, OUT)), full((1, OUT)),
            full((OUT, 4 * OUT)), full((1, 4 * OUT)),
            full((4 * OUT, OUT)), full((1, OUT)),
            full((OUT, NCLS)), full((1, NCLS)),
        ],
        out_specs=pl.BlockSpec((BN, NCLS), lambda i: (i, 0)),
        out_shape=jax.ShapeDtypeStruct((N, NCLS), jnp.float32),
    )(h_t, pe, Wv, row(bv), Wo, row(bo), row(ln_g), row(ln_b),
      Wf1, row(bf1), Wf2, row(bf2), Wc, row(bc))


def _edge_aggregate(h0, als, ald, src, dst, keep):
    al = als[src] + ald[dst]
    al = jnp.where(al >= 0, al, 0.2 * al)
    ex = jnp.where(keep[:, None], jnp.exp(al), 0.0)
    den = jax.ops.segment_sum(ex, dst, num_segments=N)
    w = ex / (den[dst] + 1e-16)
    hr = h0.reshape(-1, HEADS, OUT)
    agg = jax.ops.segment_sum(hr[src] * w[:, :, None], dst, num_segments=N)
    return agg.reshape(N, -1)


def kernel(x, edge_index, time_step, W1, as1, ad1, b1g, W2, as2, ad2, b2g,
           Wqkv, bqkv, Wo, bo, ln_g, ln_b, Wf1, bf1, Wf2, bf2, Wc, bc):
    src0, dst0 = edge_index[0], edge_index[1]
    loops = jnp.arange(N, dtype=src0.dtype)
    src = jnp.concatenate([src0, dst0, loops])
    dst = jnp.concatenate([dst0, src0, loops])
    key = dst * N + src
    order = jnp.argsort(key)
    src = src[order]
    dst = dst[order]
    key_s = key[order]
    first = jnp.concatenate([jnp.ones((1,), bool), key_s[1:] != key_s[:-1]])
    keep = first & (time_step[src] == time_step[dst])

    h0, als1, ald1 = _stage_a(x, W1, as1, ad1, D_IN, HEADS * HID)
    agg1 = _edge_aggregate(h0, als1, ald1, src, dst, keep)
    h, h1, als2, ald2 = _stage_b(agg1, b1g, W2, as2, ad2)
    agg2 = _edge_aggregate(h1, als2, ald2, src, dst, keep)
    h_t = agg2.reshape(N, HEADS, OUT).mean(axis=1) + b2g

    Wv = Wqkv[:, 2 * OUT:]
    bv = bqkv[2 * OUT:]
    return _stage_c(h_t, Wv, bv, Wo, bo, ln_g, ln_b, Wf1, bf1, Wf2, bf2, Wc, bc)

# --- scband reference (transcript-rebuilt; emitter-appended) ---
"""Pipeline reference for scband-dy-sat-8899172237850 (READ-ONLY COPY).

The authoritative reference and input builder live on the scoring server;
editing this copy changes nothing except your own understanding.
"""

import jax, jax.numpy as jnp
import numpy as np

N_NODES = 10000
N_EDGES = 320000
D_IN = 128
HID = 128
OUT = 128
G_HEADS = 4
T_HEADS = 4
L = 5
NCLS = 2

def _make_pe(max_len, d):
    pe = np.zeros((max_len, d), dtype=np.float32)
    pos = np.arange(max_len, dtype=np.float32)[:, None]
    div = np.exp(np.arange(0, d, 2, dtype=np.float32) * (-np.log(10000.0) / d))
    pe[:, 0::2] = np.sin(pos * div)
    pe[:, 1::2] = np.cos(pos * div)
    return pe

_PE = _make_pe(128, OUT)

def setup_inputs(seed: int = 0):
    key = jax.random.key(seed)
    ks = jax.random.split(key, 32)
    def nrm(i, shape, s):
        return jax.random.normal(ks[i], shape, dtype=jnp.float32) * s
    inp = {}
    inp["x"] = jax.random.normal(ks[0], (N_NODES, D_IN), dtype=jnp.float32)
    inp["edge_index"] = jax.random.randint(ks[1], (2, N_EDGES), 0, N_NODES)
    inp["time_step"] = jax.random.randint(ks[2], (N_NODES,), 0, L)
    inp["W1"] = nrm(3, (D_IN, G_HEADS * HID), 0.08)
    inp["as1"] = nrm(4, (G_HEADS, HID), 0.1)
    inp["ad1"] = nrm(5, (G_HEADS, HID), 0.1)
    inp["b1g"] = jnp.zeros((G_HEADS * HID,), jnp.float32)
    inp["W2"] = nrm(6, (G_HEADS * HID, G_HEADS * OUT), 0.04)
    inp["as2"] = nrm(7, (G_HEADS, OUT), 0.1)
    inp["ad2"] = nrm(8, (G_HEADS, OUT), 0.1)
    inp["b2g"] = jnp.zeros((OUT,), jnp.float32)
    inp["Wqkv"] = nrm(9, (OUT, 3 * OUT), 0.08)
    inp["bqkv"] = jnp.zeros((3 * OUT,), jnp.float32)
    inp["Wo"] = nrm(10, (OUT, OUT), 0.08)
    inp["bo"] = jnp.zeros((OUT,), jnp.float32)
    inp["ln_g"] = jnp.ones((OUT,), jnp.float32)
    inp["ln_b"] = jnp.zeros((OUT,), jnp.float32)
    inp["Wf1"] = nrm(11, (OUT, 4 * OUT), 0.08)
    inp["bf1"] = jnp.zeros((4 * OUT,), jnp.float32)
    inp["Wf2"] = nrm(12, (4 * OUT, OUT), 0.04)
    inp["bf2"] = jnp.zeros((OUT,), jnp.float32)
    inp["Wc"] = nrm(13, (OUT, NCLS), 0.08)
    inp["bc"] = jnp.zeros((NCLS,), jnp.float32)
    return inp

def _gat(x, src, dst, keep, n, W, a_s, a_d, bias, heads, out_ch, concat):
    h = (x @ W).reshape(n, heads, out_ch)
    al = (h * a_s[None, :, :]).sum(-1)[src] + (h * a_d[None, :, :]).sum(-1)[dst]
    al = jax.nn.leaky_relu(al, 0.2)
    al_m = jnp.where(keep[:, None], al, -jnp.inf)
    amax = jax.lax.stop_gradient(jax.ops.segment_max(al_m, dst, num_segments=n))
    ex = jnp.where(keep[:, None], jnp.exp(al - amax[dst]), 0.0)
    den = jax.ops.segment_sum(ex, dst, num_segments=n)
    w = ex / (den[dst] + 1e-16)
    out = jax.ops.segment_sum(h[src] * w[:, :, None], dst, num_segments=n)
    out = out.reshape(n, heads * out_ch) if concat else out.mean(axis=1)
    return out + bias

def _ln(x, g, b):
    m = x.mean(-1, keepdims=True)
    v = ((x - m) ** 2).mean(-1, keepdims=True)
    return (x - m) / jnp.sqrt(v + 1e-5) * g + b

def _mha(x, pad, Wqkv, bqkv, Wo, bo, nh):
    B, Lx, D = x.shape
    qkv = x @ Wqkv + bqkv
    q, k, v = jnp.split(qkv, 3, axis=-1)
    hd = D // nh
    q = q.reshape(B, Lx, nh, hd).transpose(0, 2, 1, 3)
    k = k.reshape(B, Lx, nh, hd).transpose(0, 2, 1, 3)
    v = v.reshape(B, Lx, nh, hd).transpose(0, 2, 1, 3)
    sc = (q @ k.transpose(0, 1, 3, 2)) * float(1.0 / np.sqrt(hd))
    sc = jnp.where(jnp.asarray(pad)[:, None, None, :], -1e9, sc)
    a = jax.nn.softmax(sc, axis=-1)
    o = (a @ v).transpose(0, 2, 1, 3).reshape(B, Lx, D)
    return o @ Wo + bo

def _temporal(seq, pad, Wqkv, bqkv, Wo, bo, g, b, Wf1, bf1, Wf2, bf2):
    x = seq + jnp.asarray(_PE[: seq.shape[1]])[None]
    x = _ln(x + _mha(x, pad, Wqkv, bqkv, Wo, bo, T_HEADS), g, b)
    x = _ln(x + (jax.nn.relu(x @ Wf1 + bf1) @ Wf2 + bf2), g, b)
    return x[:, -1, :]

def _partition(edge_index):
    src0 = edge_index[0]
    dst0 = edge_index[1]
    loops = jnp.arange(N_NODES, dtype=src0.dtype)
    src = jnp.concatenate([src0, dst0, loops])
    dst = jnp.concatenate([dst0, src0, loops])
    key = src * N_NODES + dst
    order = jnp.argsort(key)
    src = src[order]
    dst = dst[order]
    key_s = key[order]
    first = jnp.concatenate(
        [jnp.ones((1,), dtype=bool), key_s[1:] != key_s[:-1]]
    )
    return src, dst, first

def _forward(x, W1, as1, ad1, b1g, W2, as2, ad2, b2g, Wqkv, bqkv, Wo, bo, ln_g, ln_b, Wf1, bf1, Wf2, bf2, Wc, bc, src, dst, first, time_step):
    n = x.shape[0]
    logits = jnp.zeros((n, NCLS), jnp.float32)
    pad = np.ones((n, L), dtype=bool)
    pad[:, L - 1] = False
    for t in range(L):
        node_mask = time_step == t
        keep = first & node_mask[src] & node_mask[dst]
        h = jax.nn.elu(_gat(x, src, dst, keep, n, W1, as1, ad1, b1g, G_HEADS, HID, True))
        h_t = _gat(h, src, dst, keep, n, W2, as2, ad2, b2g, G_HEADS, OUT, False)
        seq = jnp.zeros((n, L, OUT), jnp.float32).at[:, L - 1, :].set(h_t)
        z = _temporal(seq, pad, Wqkv, bqkv, Wo, bo, ln_g, ln_b, Wf1, bf1, Wf2, bf2)
        logits = jnp.where(node_mask[:, None], z @ Wc + bc, logits)
    return logits

def reference(x, edge_index, time_step, W1, as1, ad1, b1g, W2, as2, ad2, b2g, Wqkv, bqkv, Wo, bo, ln_g, ln_b, Wf1, bf1, Wf2, bf2, Wc, bc):
    src, dst, first = _partition(edge_index)
    return _forward(x, W1, as1, ad1, b1g, W2, as2, ad2, b2g, Wqkv, bqkv, Wo, bo, ln_g, ln_b, Wf1, bf1, Wf2, bf2, Wc, bc, src, dst, first, time_step)

if __name__ == "__main__":
    import jax
    _d = setup_inputs()
    print(jax.jit(kernel)(*tuple(_d.values())))

</pallas_src>

<mosaic_0001>
module attributes {stable_mosaic.version = 14 : i64} {
  func.func @_ka_body(%arg0: i32, %arg1: memref<1000x128xf32, #tpu.memory_space<vmem>>, %arg2: memref<128x512xf32, #tpu.memory_space<vmem>>, %arg3: memref<4x128xf32, #tpu.memory_space<vmem>>, %arg4: memref<4x128xf32, #tpu.memory_space<vmem>>, %arg5: memref<1000x512xf32, #tpu.memory_space<vmem>>, %arg6: memref<1000x4xf32, #tpu.memory_space<vmem>>, %arg7: memref<1000x4xf32, #tpu.memory_space<vmem>>) attributes {dimension_semantics = [#tpu.dimension_semantics<arbitrary>], iteration_bounds = array<i64: 10>, scalar_prefetch = 0 : i64, scratch_operands = 0 : i64, tpu.core_type = #tpu.core_type<tc>, window_params = [{transform_indices = @transform_0, window_bounds = array<i64: 1000, 128>}, {pipeline_mode = #tpu.pipeline_mode<synchronous>, transform_indices = @transform_1, window_bounds = array<i64: 128, 512>}, {pipeline_mode = #tpu.pipeline_mode<synchronous>, transform_indices = @transform_2, window_bounds = array<i64: 4, 128>}, {pipeline_mode = #tpu.pipeline_mode<synchronous>, transform_indices = @transform_3, window_bounds = array<i64: 4, 128>}, {transform_indices = @transform_4, window_bounds = array<i64: 1000, 512>}, {transform_indices = @transform_5, window_bounds = array<i64: 1000, 4>}, {transform_indices = @transform_6, window_bounds = array<i64: 1000, 4>}]} {
    %get3A = arith.constant 0 : index
    %get3A_0 = arith.constant 0 : index
    %get3A_1 = vector.load %arg1[%get3A, %get3A_0] : memref<1000x128xf32, #tpu.memory_space<vmem>>, vector<1000x128xf32>
    %get3A_2 = arith.constant 0 : index
    %get3A_3 = arith.constant 0 : index
    %get3A_4 = vector.load %arg2[%get3A_2, %get3A_3] : memref<128x512xf32, #tpu.memory_space<vmem>>, vector<128x512xf32>
    %dot_general3A = arith.constant dense<0.000000e+00> : vector<1000x512xf32>
    %dot_general3A_5 = tpu.matmul %get3A_1, %get3A_4, %dot_general3A {dimension_numbers = #tpu.dot_dimension_numbers<[1], [0], [0], [1], [0, 0, 1, 1], [], []>, transpose_lhs_hint = false} : vector<1000x128xf32>, vector<128x512xf32>, vector<1000x512xf32> -> vector<1000x512xf32>
    %swap3A = arith.constant 0 : index
    %swap3A_6 = arith.constant 0 : index
    %swap3A_7 = vector.load %arg5[%swap3A, %swap3A_6] : memref<1000x512xf32, #tpu.memory_space<vmem>>, vector<1000x512xf32>
    tpu.vector_store %arg5[%swap3A, %swap3A_6], %dot_general3A_5 {strides = array<i32>} : memref<1000x512xf32, #tpu.memory_space<vmem>>, vector<1000x512xf32>,
    %slice3A = vector.extract_strided_slice %dot_general3A_5 {offsets = [0, 0], sizes = [1000, 128], strides = [1, 1]} : vector<1000x512xf32> to vector<1000x128xf32>
    %get3A_8 = arith.constant 0 : index
    %get3A_9 = arith.constant 0 : index
    %get3A_10 = vector.load %arg3[%get3A_8, %get3A_9] : memref<4x128xf32, #tpu.memory_space<vmem>>, vector<1x128xf32>
    %get3A_11 = vector.shape_cast %get3A_10 : vector<1x128xf32> to vector<128xf32>
    %broadcast_in_dim3A = vector.shape_cast %get3A_11 : vector<128xf32> to vector<1x128xf32>
    %mul3A = vector.broadcast %broadcast_in_dim3A : vector<1x128xf32> to vector<1000x128xf32>
    %mul3A_12 = arith.mulf %slice3A, %mul3A : vector<1000x128xf32>
    %reduce_sum3A = arith.constant dense<0.000000e+00> : vector<1000xf32>
    %reduce_sum3A_13 = vector.multi_reduction <add>, %mul3A_12, %reduce_sum3A [1] : vector<1000x128xf32> to vector<1000xf32>
    %broadcast_in_dim3A_14 = vector.shape_cast %reduce_sum3A_13 : vector<1000xf32> to vector<1000x1xf32>
    %get3A_15 = arith.constant 0 : index
    %get3A_16 = arith.constant 0 : index
    %get3A_17 = vector.load %arg4[%get3A_15, %get3A_16] : memref<4x128xf32, #tpu.memory_space<vmem>>, vector<1x128xf32>
    %get3A_18 = vector.shape_cast %get3A_17 : vector<1x128xf32> to vector<128xf32>
    %broadcast_in_dim3A_19 = vector.shape_cast %get3A_18 : vector<128xf32> to vector<1x128xf32>
    %mul3A_20 = vector.broadcast %broadcast_in_dim3A_19 : vector<1x128xf32> to vector<1000x128xf32>
    %mul3A_21 = arith.mulf %slice3A, %mul3A_20 : vector<1000x128xf32>
    %reduce_sum3A_22 = arith.constant dense<0.000000e+00> : vector<1000xf32>
    %reduce_sum3A_23 = vector.multi_reduction <add>, %mul3A_21, %reduce_sum3A_22 [1] : vector<1000x128xf32> to vector<1000xf32>
    %broadcast_in_dim3A_24 = vector.shape_cast %reduce_sum3A_23 : vector<1000xf32> to vector<1000x1xf32>
    %slice3A_25 = vector.extract_strided_slice %dot_general3A_5 {offsets = [0, 128], sizes = [1000, 128], strides = [1, 1]} : vector<1000x512xf32> to vector<1000x128xf32>
    %get3A_26 = arith.constant 1 : index
    %get3A_27 = arith.constant 0 : index
    %get3A_28 = vector.load %arg3[%get3A_26, %get3A_27] : memref<4x128xf32, #tpu.memory_space<vmem>>, vector<1x128xf32>
    %get3A_29 = vector.shape_cast %get3A_28 : vector<1x128xf32> to vector<128xf32>
    %broadcast_in_dim3A_30 = vector.shape_cast %get3A_29 : vector<128xf32> to vector<1x128xf32>
    %mul3A_31 = vector.broadcast %broadcast_in_dim3A_30 : vector<1x128xf32> to vector<1000x128xf32>
    %mul3A_32 = arith.mulf %slice3A_25, %mul3A_31 : vector<1000x128xf32>
    %reduce_sum3A_33 = arith.constant dense<0.000000e+00> : vector<1000xf32>
    %reduce_sum3A_34 = vector.multi_reduction <add>, %mul3A_32, %reduce_sum3A_33 [1] : vector<1000x128xf32> to vector<1000xf32>
    %broadcast_in_dim3A_35 = vector.shape_cast %reduce_sum3A_34 : vector<1000xf32> to vector<1000x1xf32>
    %get3A_36 = arith.constant 1 : index
    %get3A_37 = arith.constant 0 : index
    %get3A_38 = vector.load %arg4[%get3A_36, %get3A_37] : memref<4x128xf32, #tpu.memory_space<vmem>>, vector<1x128xf32>
    %get3A_39 = vector.shape_cast %get3A_38 : vector<1x128xf32> to vector<128xf32>
    %broadcast_in_dim3A_40 = vector.shape_cast %get3A_39 : vector<128xf32> to vector<1x128xf32>
    %mul3A_41 = vector.broadcast %broadcast_in_dim3A_40 : vector<1x128xf32> to vector<1000x128xf32>
    %mul3A_42 = arith.mulf %slice3A_25, %mul3A_41 : vector<1000x128xf32>
    %reduce_sum3A_43 = arith.constant dense<0.000000e+00> : vector<1000xf32>
    %reduce_sum3A_44 = vector.multi_reduction <add>, %mul3A_42, %reduce_sum3A_43 [1] : vector<1000x128xf32> to vector<1000xf32>
    %broadcast_in_dim3A_45 = vector.shape_cast %reduce_sum3A_44 : vector<1000xf32> to vector<1000x1xf32>
    %slice3A_46 = vector.extract_strided_slice %dot_general3A_5 {offsets = [0, 256], sizes = [1000, 128], strides = [1, 1]} : vector<1000x512xf32> to vector<1000x128xf32>
    %get3A_47 = arith.constant 2 : index
    %get3A_48 = arith.constant 0 : index
    %get3A_49 = vector.load %arg3[%get3A_47, %get3A_48] : memref<4x128xf32, #tpu.memory_space<vmem>>, vector<1x128xf32>
    %get3A_50 = vector.shape_cast %get3A_49 : vector<1x128xf32> to vector<128xf32>
    %broadcast_in_dim3A_51 = vector.shape_cast %get3A_50 : vector<128xf32> to vector<1x128xf32>
    %mul3A_52 = vector.broadcast %broadcast_in_dim3A_51 : vector<1x128xf32> to vector<1000x128xf32>
    %mul3A_53 = arith.mulf %slice3A_46, %mul3A_52 : vector<1000x128xf32>
    %reduce_sum3A_54 = arith.constant dense<0.000000e+00> : vector<1000xf32>
    %reduce_sum3A_55 = vector.multi_reduction <add>, %mul3A_53, %reduce_sum3A_54 [1] : vector<1000x128xf32> to vector<1000xf32>
    %broadcast_in_dim3A_56 = vector.shape_cast %reduce_sum3A_55 : vector<1000xf32> to vector<1000x1xf32>
    %get3A_57 = arith.constant 2 : index
    %get3A_58 = arith.constant 0 : index
    %get3A_59 = vector.load %arg4[%get3A_57, %get3A_58] : memref<4x128xf32, #tpu.memory_space<vmem>>, vector<1x128xf32>
    %get3A_60 = vector.shape_cast %get3A_59 : vector<1x128xf32> to vector<128xf32>
    %broadcast_in_dim3A_61 = vector.shape_cast %get3A_60 : vector<128xf32> to vector<1x128xf32>
    %mul3A_62 = vector.broadcast %broadcast_in_dim3A_61 : vector<1x128xf32> to vector<1000x128xf32>
    %mul3A_63 = arith.mulf %slice3A_46, %mul3A_62 : vector<1000x128xf32>
    %reduce_sum3A_64 = arith.constant dense<0.000000e+00> : vector<1000xf32>
    %reduce_sum3A_65 = vector.multi_reduction <add>, %mul3A_63, %reduce_sum3A_64 [1] : vector<1000x128xf32> to vector<1000xf32>
    %broadcast_in_dim3A_66 = vector.shape_cast %reduce_sum3A_65 : vector<1000xf32> to vector<1000x1xf32>
    %slice3A_67 = vector.extract_strided_slice %dot_general3A_5 {offsets = [0, 384], sizes = [1000, 128], strides = [1, 1]} : vector<1000x512xf32> to vector<1000x128xf32>
    %get3A_68 = arith.constant 3 : index
    %get3A_69 = arith.constant 0 : index
    %get3A_70 = vector.load %arg3[%get3A_68, %get3A_69] : memref<4x128xf32, #tpu.memory_space<vmem>>, vector<1x128xf32>
    %get3A_71 = vector.shape_cast %get3A_70 : vector<1x128xf32> to vector<128xf32>
    %broadcast_in_dim3A_72 = vector.shape_cast %get3A_71 : vector<128xf32> to vector<1x128xf32>
    %mul3A_73 = vector.broadcast %broadcast_in_dim3A_72 : vector<1x128xf32> to vector<1000x128xf32>
    %mul3A_74 = arith.mulf %slice3A_67, %mul3A_73 : vector<1000x128xf32>
    %reduce_sum3A_75 = arith.constant dense<0.000000e+00> : vector<1000xf32>
    %reduce_sum3A_76 = vector.multi_reduction <add>, %mul3A_74, %reduce_sum3A_75 [1] : vector<1000x128xf32> to vector<1000xf32>
    %broadcast_in_dim3A_77 = vector.shape_cast %reduce_sum3A_76 : vector<1000xf32> to vector<1000x1xf32>
    %get3A_78 = arith.constant 3 : index
    %get3A_79 = arith.constant 0 : index
    %get3A_80 = vector.load %arg4[%get3A_78, %get3A_79] : memref<4x128xf32, #tpu.memory_space<vmem>>, vector<1x128xf32>
    %get3A_81 = vector.shape_cast %get3A_80 : vector<1x128xf32> to vector<128xf32>
    %broadcast_in_dim3A_82 = vector.shape_cast %get3A_81 : vector<128xf32> to vector<1x128xf32>
    %mul3A_83 = vector.broadcast %broadcast_in_dim3A_82 : vector<1x128xf32> to vector<1000x128xf32>
    %mul3A_84 = arith.mulf %slice3A_67, %mul3A_83 : vector<1000x128xf32>
    %reduce_sum3A_85 = arith.constant dense<0.000000e+00> : vector<1000xf32>
    %reduce_sum3A_86 = vector.multi_reduction <add>, %mul3A_84, %reduce_sum3A_85 [1] : vector<1000x128xf32> to vector<1000xf32>
    %broadcast_in_dim3A_87 = vector.shape_cast %reduce_sum3A_86 : vector<1000xf32> to vector<1000x1xf32>
    %concatenate3A = tpu.concatenate %broadcast_in_dim3A_14, %broadcast_in_dim3A_35, %broadcast_in_dim3A_56, %broadcast_in_dim3A_77 in 1 : vector<1000x1xf32>, vector<1000x1xf32>, vector<1000x1xf32>, vector<1000x1xf32> -> vector<1000x4xf32>
    %swap3A_88 = arith.constant 0 : index
    %swap3A_89 = arith.constant 0 : index
    %swap3A_90 = vector.load %arg6[%swap3A_88, %swap3A_89] : memref<1000x4xf32, #tpu.memory_space<vmem>>, vector<1000x4xf32>
    tpu.vector_store %arg6[%swap3A_88, %swap3A_89], %concatenate3A {strides = array<i32>} : memref<1000x4xf32, #tpu.memory_space<vmem>>, vector<1000x4xf32>,
    %concatenate3A_91 = tpu.concatenate %broadcast_in_dim3A_24, %broadcast_in_dim3A_45, %broadcast_in_dim3A_66, %broadcast_in_dim3A_87 in 1 : vector<1000x1xf32>, vector<1000x1xf32>, vector<1000x1xf32>, vector<1000x1xf32> -> vector<1000x4xf32>
    %swap3A_92 = arith.constant 0 : index
    %swap3A_93 = arith.constant 0 : index
    %swap3A_94 = vector.load %arg7[%swap3A_92, %swap3A_93] : memref<1000x4xf32, #tpu.memory_space<vmem>>, vector<1000x4xf32>
    tpu.vector_store %arg7[%swap3A_92, %swap3A_93], %concatenate3A_91 {strides = array<i32>} : memref<1000x4xf32, #tpu.memory_space<vmem>>, vector<1000x4xf32>,
    return
  }
  func.func @transform_0(%arg0: i32) -> (i32, i32) {
    %c0_i32 = arith.constant 0 : i32
    %c0_i32_0 = arith.constant 0 : i32
    return %arg0, %c0_i32 : i32, i32
  }
  func.func @transform_1(%arg0: i32) -> (i32, i32) {
    %c0_i32 = arith.constant 0 : i32
    %c0_i32_0 = arith.constant 0 : i32
    %c0_i32_1 = arith.constant 0 : i32
    return %c0_i32, %c0_i32_0 : i32, i32
  }
  func.func @transform_2(%arg0: i32) -> (i32, i32) {
    %c0_i32 = arith.constant 0 : i32
    %c0_i32_0 = arith.constant 0 : i32
    %c0_i32_1 = arith.constant 0 : i32
    return %c0_i32, %c0_i32_0 : i32, i32
  }
  func.func @transform_3(%arg0: i32) -> (i32, i32) {
    %c0_i32 = arith.constant 0 : i32
    %c0_i32_0 = arith.constant 0 : i32
    %c0_i32_1 = arith.constant 0 : i32
    return %c0_i32, %c0_i32_0 : i32, i32
  }
  func.func @transform_4(%arg0: i32) -> (i32, i32) {
    %c0_i32 = arith.constant 0 : i32
    %c0_i32_0 = arith.constant 0 : i32
    return %arg0, %c0_i32 : i32, i32
  }
  func.func @transform_5(%arg0: i32) -> (i32, i32) {
    %c0_i32 = arith.constant 0 : i32
    %c0_i32_0 = arith.constant 0 : i32
    return %arg0, %c0_i32 : i32, i32
  }
  func.func @transform_6(%arg0: i32) -> (i32, i32) {
    %c0_i32 = arith.constant 0 : i32
    %c0_i32_0 = arith.constant 0 : i32
    return %arg0, %c0_i32 : i32, i32
  }
}

module attributes {stable_mosaic.version = 14 : i64} {
  func.func @_kb_body(%arg0: i32, %arg1: memref<1000x512xf32, #tpu.memory_space<vmem>>, %arg2: memref<1x512xf32, #tpu.memory_space<vmem>>, %arg3: memref<512x512xf32, #tpu.memory_space<vmem>>, %arg4: memref<4x128xf32, #tpu.memory_space<vmem>>, %arg5: memref<4x128xf32, #tpu.memory_space<vmem>>, %arg6: memref<1000x512xf32, #tpu.memory_space<vmem>>, %arg7: memref<1000x512xf32, #tpu.memory_space<vmem>>, %arg8: memref<1000x4xf32, #tpu.memory_space<vmem>>, %arg9: memref<1000x4xf32, #tpu.memory_space<vmem>>) attributes {dimension_semantics = [#tpu.dimension_semantics<arbitrary>], iteration_bounds = array<i64: 10>, scalar_prefetch = 0 : i64, scratch_operands = 0 : i64, tpu.core_type = #tpu.core_type<tc>, window_params = [{transform_indices = @transform_0, window_bounds = array<i64: 1000, 512>}, {pipeline_mode = #tpu.pipeline_mode<synchronous>, transform_indices = @transform_1, window_bounds = array<i64: 1, 512>}, {pipeline_mode = #tpu.pipeline_mode<synchronous>, transform_indices = @transform_2, window_bounds = array<i64: 512, 512>}, {pipeline_mode = #tpu.pipeline_mode<synchronous>, transform_indices = @transform_3, window_bounds = array<i64: 4, 128>}, {pipeline_mode = #tpu.pipeline_mode<synchronous>, transform_indices = @transform_4, window_bounds = array<i64: 4, 128>}, {transform_indices = @transform_5, window_bounds = array<i64: 1000, 512>}, {transform_indices = @transform_6, window_bounds = array<i64: 1000, 512>}, {transform_indices = @transform_7, window_bounds = array<i64: 1000, 4>}, {transform_indices = @transform_8, window_bounds = array<i64: 1000, 4>}]} {
    %get3A = arith.constant 0 : index
    %get3A_0 = arith.constant 0 : index
    %get3A_1 = vector.load %arg1[%get3A, %get3A_0] : memref<1000x512xf32, #tpu.memory_space<vmem>>, vector<1000x512xf32>
    %get3A_2 = arith.constant 0 : index
    %get3A_3 = arith.constant 0 : index
    %get3A_4 = vector.load %arg2[%get3A_2, %get3A_3] : memref<1x512xf32, #tpu.memory_space<vmem>>, vector<1x512xf32>
    %add3A = vector.broadcast %get3A_4 : vector<1x512xf32> to vector<1000x512xf32>
    %add3A_5 = arith.addf %get3A_1, %add3A : vector<1000x512xf32>
    %gt3A = arith.constant 0.000000e+00 : f32
    %gt3A_6 = vector.broadcast %gt3A : f32 to vector<1000x512xf32>
    %gt3A_7 = arith.cmpf ogt, %add3A_5, %gt3A_6 : vector<1000x512xf32>
    %min3A = arith.constant 0.000000e+00 : f32
    %min3A_8 = vector.broadcast %min3A : f32 to vector<1000x512xf32>
    %min3A_9 = arith.minimumf %add3A_5, %min3A_8 : vector<1000x512xf32>
    %exp3A = math.exp %min3A_9 : vector<1000x512xf32>
    %sub3A = arith.constant 1.000000e+00 : f32
    %sub3A_10 = vector.broadcast %sub3A : f32 to vector<1000x512xf32>
    %sub3A_11 = arith.subf %exp3A, %sub3A_10 : vector<1000x512xf32>
    %select_n3A = arith.select %gt3A_7, %add3A_5, %sub3A_11 : vector<1000x512xi1>, vector<1000x512xf32>
    %swap3A = arith.constant 0 : index
    %swap3A_12 = arith.constant 0 : index
    %swap3A_13 = vector.load %arg6[%swap3A, %swap3A_12] : memref<1000x512xf32, #tpu.memory_space<vmem>>, vector<1000x512xf32>
    tpu.vector_store %arg6[%swap3A, %swap3A_12], %select_n3A {strides = array<i32>} : memref<1000x512xf32, #tpu.memory_space<vmem>>, vector<1000x512xf32>,
    %get3A_14 = arith.constant 0 : index
    %get3A_15 = arith.constant 0 : index
    %get3A_16 = vector.load %arg3[%get3A_14, %get3A_15] : memref<512x512xf32, #tpu.memory_space<vmem>>, vector<512x512xf32>
    %dot_general3A = arith.constant dense<0.000000e+00> : vector<1000x512xf32>
    %dot_general3A_17 = tpu.matmul %select_n3A, %get3A_16, %dot_general3A {dimension_numbers = #tpu.dot_dimension_numbers<[1], [0], [0], [1], [0, 0, 1, 1], [], []>, transpose_lhs_hint = false} : vector<1000x512xf32>, vector<512x512xf32>, vector<1000x512xf32> -> vector<1000x512xf32>
    %swap3A_18 = arith.constant 0 : index
    %swap3A_19 = arith.constant 0 : index
    %swap3A_20 = vector.load %arg7[%swap3A_18, %swap3A_19] : memref<1000x512xf32, #tpu.memory_space<vmem>>, vector<1000x512xf32>
    tpu.vector_store %arg7[%swap3A_18, %swap3A_19], %dot_general3A_17 {strides = array<i32>} : memref<1000x512xf32, #tpu.memory_space<vmem>>, vector<1000x512xf32>,
    %slice3A = vector.extract_strided_slice %dot_general3A_17 {offsets = [0, 0], sizes = [1000, 128], strides = [1, 1]} : vector<1000x512xf32> to vector<1000x128xf32>
    %get3A_21 = arith.constant 0 : index
    %get3A_22 = arith.constant 0 : index
    %get3A_23 = vector.load %arg4[%get3A_21, %get3A_22] : memref<4x128xf32, #tpu.memory_space<vmem>>, vector<1x128xf32>
    %get3A_24 = vector.shape_cast %get3A_23 : vector<1x128xf32> to vector<128xf32>
    %broadcast_in_dim3A = vector.shape_cast %get3A_24 : vector<128xf32> to vector<1x128xf32>
    %mul3A = vector.broadcast %broadcast_in_dim3A : vector<1x128xf32> to vector<1000x128xf32>
    %mul3A_25 = arith.mulf %slice3A, %mul3A : vector<1000x128xf32>
    %reduce_sum3A = arith.constant dense<0.000000e+00> : vector<1000xf32>
    %reduce_sum3A_26 = vector.multi_reduction <add>, %mul3A_25, %reduce_sum3A [1] : vector<1000x128xf32> to vector<1000xf32>
    %broadcast_in_dim3A_27 = vector.shape_cast %reduce_sum3A_26 : vector<1000xf32> to vector<1000x1xf32>
    %get3A_28 = arith.constant 0 : index
    %get3A_29 = arith.constant 0 : index
    %get3A_30 = vector.load %arg5[%get3A_28, %get3A_29] : memref<4x128xf32, #tpu.memory_space<vmem>>, vector<1x128xf32>
    %get3A_31 = vector.shape_cast %get3A_30 : vector<1x128xf32> to vector<128xf32>
    %broadcast_in_dim3A_32 = vector.shape_cast %get3A_31 : vector<128xf32> to vector<1x128xf32>
    %mul3A_33 = vector.broadcast %broadcast_in_dim3A_32 : vector<1x128xf32> to vector<1000x128xf32>
    %mul3A_34 = arith.mulf %slice3A, %mul3A_33 : vector<1000x128xf32>
    %reduce_sum3A_35 = arith.constant dense<0.000000e+00> : vector<1000xf32>
    %reduce_sum3A_36 = vector.multi_reduction <add>, %mul3A_34, %reduce_sum3A_35 [1] : vector<1000x128xf32> to vector<1000xf32>
    %broadcast_in_dim3A_37 = vector.shape_cast %reduce_sum3A_36 : vector<1000xf32> to vector<1000x1xf32>
    %slice3A_38 = vector.extract_strided_slice %dot_general3A_17 {offsets = [0, 128], sizes = [1000, 128], strides = [1, 1]} : vector<1000x512xf32> to vector<1000x128xf32>
    %get3A_39 = arith.constant 1 : index
    %get3A_40 = arith.constant 0 : index
    %get3A_41 = vector.load %arg4[%get3A_39, %get3A_40] : memref<4x128xf32, #tpu.memory_space<vmem>>, vector<1x128xf32>
    %get3A_42 = vector.shape_cast %get3A_41 : vector<1x128xf32> to vector<128xf32>
    %broadcast_in_dim3A_43 = vector.shape_cast %get3A_42 : vector<128xf32> to vector<1x128xf32>
    %mul3A_44 = vector.broadcast %broadcast_in_dim3A_43 : vector<1x128xf32> to vector<1000x128xf32>
    %mul3A_45 = arith.mulf %slice3A_38, %mul3A_44 : vector<1000x128xf32>
    %reduce_sum3A_46 = arith.constant dense<0.000000e+00> : vector<1000xf32>
    %reduce_sum3A_47 = vector.multi_reduction <add>, %mul3A_45, %reduce_sum3A_46 [1] : vector<1000x128xf32> to vector<1000xf32>
    %broadcast_in_dim3A_48 = vector.shape_cast %reduce_sum3A_47 : vector<1000xf32> to vector<1000x1xf32>
    %get3A_49 = arith.constant 1 : index
    %get3A_50 = arith.constant 0 : index
    %get3A_51 = vector.load %arg5[%get3A_49, %get3A_50] : memref<4x128xf32, #tpu.memory_space<vmem>>, vector<1x128xf32>
    %get3A_52 = vector.shape_cast %get3A_51 : vector<1x128xf32> to vector<128xf32>
    %broadcast_in_dim3A_53 = vector.shape_cast %get3A_52 : vector<128xf32> to vector<1x128xf32>
    %mul3A_54 = vector.broadcast %broadcast_in_dim3A_53 : vector<1x128xf32> to vector<1000x128xf32>
    %mul3A_55 = arith.mulf %slice3A_38, %mul3A_54 : vector<1000x128xf32>
    %reduce_sum3A_56 = arith.constant dense<0.000000e+00> : vector<1000xf32>
    %reduce_sum3A_57 = vector.multi_reduction <add>, %mul3A_55, %reduce_sum3A_56 [1] : vector<1000x128xf32> to vector<1000xf32>
    %broadcast_in_dim3A_58 = vector.shape_cast %reduce_sum3A_57 : vector<1000xf32> to vector<1000x1xf32>
    %slice3A_59 = vector.extract_strided_slice %dot_general3A_17 {offsets = [0, 256], sizes = [1000, 128], strides = [1, 1]} : vector<1000x512xf32> to vector<1000x128xf32>
    %get3A_60 = arith.constant 2 : index
    %get3A_61 = arith.constant 0 : index
    %get3A_62 = vector.load %arg4[%get3A_60, %get3A_61] : memref<4x128xf32, #tpu.memory_space<vmem>>, vector<1x128xf32>
    %get3A_63 = vector.shape_cast %get3A_62 : vector<1x128xf32> to vector<128xf32>
    %broadcast_in_dim3A_64 = vector.shape_cast %get3A_63 : vector<128xf32> to vector<1x128xf32>
    %mul3A_65 = vector.broadcast %broadcast_in_dim3A_64 : vector<1x128xf32> to vector<1000x128xf32>
    %mul3A_66 = arith.mulf %slice3A_59, %mul3A_65 : vector<1000x128xf32>
    %reduce_sum3A_67 = arith.constant dense<0.000000e+00> : vector<1000xf32>
    %reduce_sum3A_68 = vector.multi_reduction <add>, %mul3A_66, %reduce_sum3A_67 [1] : vector<1000x128xf32> to vector<1000xf32>
    %broadcast_in_dim3A_69 = vector.shape_cast %reduce_sum3A_68 : vector<1000xf32> to vector<1000x1xf32>
    %get3A_70 = arith.constant 2 : index
    %get3A_71 = arith.constant 0 : index
    %get3A_72 = vector.load %arg5[%get3A_70, %get3A_71] : memref<4x128xf32, #tpu.memory_space<vmem>>, vector<1x128xf32>
    %get3A_73 = vector.shape_cast %get3A_72 : vector<1x128xf32> to vector<128xf32>
    %broadcast_in_dim3A_74 = vector.shape_cast %get3A_73 : vector<128xf32> to vector<1x128xf32>
    %mul3A_75 = vector.broadcast %broadcast_in_dim3A_74 : vector<1x128xf32> to vector<1000x128xf32>
    %mul3A_76 = arith.mulf %slice3A_59, %mul3A_75 : vector<1000x128xf32>
    %reduce_sum3A_77 = arith.constant dense<0.000000e+00> : vector<1000xf32>
    %reduce_sum3A_78 = vector.multi_reduction <add>, %mul3A_76, %reduce_sum3A_77 [1] : vector<1000x128xf32> to vector<1000xf32>
    %broadcast_in_dim3A_79 = vector.shape_cast %reduce_sum3A_78 : vector<1000xf32> to vector<1000x1xf32>
    %slice3A_80 = vector.extract_strided_slice %dot_general3A_17 {offsets = [0, 384], sizes = [1000, 128], strides = [1, 1]} : vector<1000x512xf32> to vector<1000x128xf32>
    %get3A_81 = arith.constant 3 : index
    %get3A_82 = arith.constant 0 : index
    %get3A_83 = vector.load %arg4[%get3A_81, %get3A_82] : memref<4x128xf32, #tpu.memory_space<vmem>>, vector<1x128xf32>
    %get3A_84 = vector.shape_cast %get3A_83 : vector<1x128xf32> to vector<128xf32>
    %broadcast_in_dim3A_85 = vector.shape_cast %get3A_84 : vector<128xf32> to vector<1x128xf32>
    %mul3A_86 = vector.broadcast %broadcast_in_dim3A_85 : vector<1x128xf32> to vector<1000x128xf32>
    %mul3A_87 = arith.mulf %slice3A_80, %mul3A_86 : vector<1000x128xf32>
    %reduce_sum3A_88 = arith.constant dense<0.000000e+00> : vector<1000xf32>
    %reduce_sum3A_89 = vector.multi_reduction <add>, %mul3A_87, %reduce_sum3A_88 [1] : vector<1000x128xf32> to vector<1000xf32>
    %broadcast_in_dim3A_90 = vector.shape_cast %reduce_sum3A_89 : vector<1000xf32> to vector<1000x1xf32>
    %get3A_91 = arith.constant 3 : index
    %get3A_92 = arith.constant 0 : index
    %get3A_93 = vector.load %arg5[%get3A_91, %get3A_92] : memref<4x128xf32, #tpu.memory_space<vmem>>, vector<1x128xf32>
    %get3A_94 = vector.shape_cast %get3A_93 : vector<1x128xf32> to vector<128xf32>
    %broadcast_in_dim3A_95 = vector.shape_cast %get3A_94 : vector<128xf32> to vector<1x128xf32>
    %mul3A_96 = vector.broadcast %broadcast_in_dim3A_95 : vector<1x128xf32> to vector<1000x128xf32>
    %mul3A_97 = arith.mulf %slice3A_80, %mul3A_96 : vector<1000x128xf32>
    %reduce_sum3A_98 = arith.constant dense<0.000000e+00> : vector<1000xf32>
    %reduce_sum3A_99 = vector.multi_reduction <add>, %mul3A_97, %reduce_sum3A_98 [1] : vector<1000x128xf32> to vector<1000xf32>
    %broadcast_in_dim3A_100 = vector.shape_cast %reduce_sum3A_99 : vector<1000xf32> to vector<1000x1xf32>
    %concatenate3A = tpu.concatenate %broadcast_in_dim3A_27, %broadcast_in_dim3A_48, %broadcast_in_dim3A_69, %broadcast_in_dim3A_90 in 1 : vector<1000x1xf32>, vector<1000x1xf32>, vector<1000x1xf32>, vector<1000x1xf32> -> vector<1000x4xf32>
    %swap3A_101 = arith.constant 0 : index
    %swap3A_102 = arith.constant 0 : index
    %swap3A_103 = vector.load %arg8[%swap3A_101, %swap3A_102] : memref<1000x4xf32, #tpu.memory_space<vmem>>, vector<1000x4xf32>
    tpu.vector_store %arg8[%swap3A_101, %swap3A_102], %concatenate3A {strides = array<i32>} : memref<1000x4xf32, #tpu.memory_space<vmem>>, vector<1000x4xf32>,
    %concatenate3A_104 = tpu.concatenate %broadcast_in_dim3A_37, %broadcast_in_dim3A_58, %broadcast_in_dim3A_79, %broadcast_in_dim3A_100 in 1 : vector<1000x1xf32>, vector<1000x1xf32>, vector<1000x1xf32>, vector<1000x1xf32> -> vector<1000x4xf32>
    %swap3A_105 = arith.constant 0 : index
    %swap3A_106 = arith.constant 0 : index
    %swap3A_107 = vector.load %arg9[%swap3A_105, %swap3A_106] : memref<1000x4xf32, #tpu.memory_space<vmem>>, vector<1000x4xf32>
    tpu.vector_store %arg9[%swap3A_105, %swap3A_106], %concatenate3A_104 {strides = array<i32>} : memref<1000x4xf32, #tpu.memory_space<vmem>>, vector<1000x4xf32>,
    return
  }
  func.func @transform_0(%arg0: i32) -> (i32, i32) {
    %c0_i32 = arith.constant 0 : i32
    %c0_i32_0 = arith.constant 0 : i32
    return %arg0, %c0_i32 : i32, i32
  }
  func.func @transform_1(%arg0: i32) -> (i32, i32) {
    %c0_i32 = arith.constant 0 : i32
    %c0_i32_0 = arith.constant 0 : i32
    %c0_i32_1 = arith.constant 0 : i32
    return %c0_i32, %c0_i32_0 : i32, i32
  }
  func.func @transform_2(%arg0: i32) -> (i32, i32) {
    %c0_i32 = arith.constant 0 : i32
    %c0_i32_0 = arith.constant 0 : i32
    %c0_i32_1 = arith.constant 0 : i32
    return %c0_i32, %c0_i32_0 : i32, i32
  }
  func.func @transform_3(%arg0: i32) -> (i32, i32) {
    %c0_i32 = arith.constant 0 : i32
    %c0_i32_0 = arith.constant 0 : i32
    %c0_i32_1 = arith.constant 0 : i32
    return %c0_i32, %c0_i32_0 : i32, i32
  }
  func.func @transform_4(%arg0: i32) -> (i32, i32) {
    %c0_i32 = arith.constant 0 : i32
    %c0_i32_0 = arith.constant 0 : i32
    %c0_i32_1 = arith.constant 0 : i32
    return %c0_i32, %c0_i32_0 : i32, i32
  }
  func.func @transform_5(%arg0: i32) -> (i32, i32) {
    %c0_i32 = arith.constant 0 : i32
    %c0_i32_0 = arith.constant 0 : i32
    return %arg0, %c0_i32 : i32, i32
  }
  func.func @transform_6(%arg0: i32) -> (i32, i32) {
    %c0_i32 = arith.constant 0 : i32
    %c0_i32_0 = arith.constant 0 : i32
    return %arg0, %c0_i32 : i32, i32
  }
  func.func @transform_7(%arg0: i32) -> (i32, i32) {
    %c0_i32 = arith.constant 0 : i32
    %c0_i32_0 = arith.constant 0 : i32
    return %arg0, %c0_i32 : i32, i32
  }
  func.func @transform_8(%arg0: i32) -> (i32, i32) {
    %c0_i32 = arith.constant 0 : i32
    %c0_i32_0 = arith.constant 0 : i32
    return %arg0, %c0_i32 : i32, i32
  }
}

module attributes {stable_mosaic.version = 14 : i64} {
  func.func @_kc_body(%arg0: i32, %arg1: memref<1000x128xf32, #tpu.memory_space<vmem>>, %arg2: memref<1x128xf32, #tpu.memory_space<vmem>>, %arg3: memref<128x128xf32, #tpu.memory_space<vmem>>, %arg4: memref<1x128xf32, #tpu.memory_space<vmem>>, %arg5: memref<128x128xf32, #tpu.memory_space<vmem>>, %arg6: memref<1x128xf32, #tpu.memory_space<vmem>>, %arg7: memref<1x128xf32, #tpu.memory_space<vmem>>, %arg8: memref<1x128xf32, #tpu.memory_space<vmem>>, %arg9: memref<128x512xf32, #tpu.memory_space<vmem>>, %arg10: memref<1x512xf32, #tpu.memory_space<vmem>>, %arg11: memref<512x128xf32, #tpu.memory_space<vmem>>, %arg12: memref<1x128xf32, #tpu.memory_space<vmem>>, %arg13: memref<128x2xf32, #tpu.memory_space<vmem>>, %arg14: memref<1x2xf32, #tpu.memory_space<vmem>>, %arg15: memref<1000x2xf32, #tpu.memory_space<vmem>>) attributes {dimension_semantics = [#tpu.dimension_semantics<arbitrary>], iteration_bounds = array<i64: 10>, scalar_prefetch = 0 : i64, scratch_operands = 0 : i64, tpu.core_type = #tpu.core_type<tc>, window_params = [{transform_indices = @transform_0, window_bounds = array<i64: 1000, 128>}, {pipeline_mode = #tpu.pipeline_mode<synchronous>, transform_indices = @transform_1, window_bounds = array<i64: 1, 128>}, {pipeline_mode = #tpu.pipeline_mode<synchronous>, transform_indices = @transform_2, window_bounds = array<i64: 128, 128>}, {pipeline_mode = #tpu.pipeline_mode<synchronous>, transform_indices = @transform_3, window_bounds = array<i64: 1, 128>}, {pipeline_mode = #tpu.pipeline_mode<synchronous>, transform_indices = @transform_4, window_bounds = array<i64: 128, 128>}, {pipeline_mode = #tpu.pipeline_mode<synchronous>, transform_indices = @transform_5, window_bounds = array<i64: 1, 128>}, {pipeline_mode = #tpu.pipeline_mode<synchronous>, transform_indices = @transform_6, window_bounds = array<i64: 1, 128>}, {pipeline_mode = #tpu.pipeline_mode<synchronous>, transform_indices = @transform_7, window_bounds = array<i64: 1, 128>}, {pipeline_mode = #tpu.pipeline_mode<synchronous>, transform_indices = @transform_8, window_bounds = array<i64: 128, 512>}, {pipeline_mode = #tpu.pipeline_mode<synchronous>, transform_indices = @transform_9, window_bounds = array<i64: 1, 512>}, {pipeline_mode = #tpu.pipeline_mode<synchronous>, transform_indices = @transform_10, window_bounds = array<i64: 512, 128>}, {pipeline_mode = #tpu.pipeline_mode<synchronous>, transform_indices = @transform_11, window_bounds = array<i64: 1, 128>}, {pipeline_mode = #tpu.pipeline_mode<synchronous>, transform_indices = @transform_12, window_bounds = array<i64: 128, 2>}, {pipeline_mode = #tpu.pipeline_mode<synchronous>, transform_indices = @transform_13, window_bounds = array<i64: 1, 2>}, {transform_indices = @transform_14, window_bounds = array<i64: 1000, 2>}]} {
    %get3A = arith.constant 0 : index
    %get3A_0 = arith.constant 0 : index
    %get3A_1 = vector.load %arg1[%get3A, %get3A_0] : memref<1000x128xf32, #tpu.memory_space<vmem>>, vector<1000x128xf32>
    %get3A_2 = arith.constant 0 : index
    %get3A_3 = arith.constant 0 : index
    %get3A_4 = vector.load %arg2[%get3A_2, %get3A_3] : memref<1x128xf32, #tpu.memory_space<vmem>>, vector<1x128xf32>
    %add3A = vector.broadcast %get3A_4 : vector<1x128xf32> to vector<1000x128xf32>
    %add3A_5 = arith.addf %get3A_1, %add3A : vector<1000x128xf32>
    %get3A_6 = arith.constant 0 : index
    %get3A_7 = arith.constant 0 : index
    %get3A_8 = vector.load %arg3[%get3A_6, %get3A_7] : memref<128x128xf32, #tpu.memory_space<vmem>>, vector<128x128xf32>
    %dot_general3A = arith.constant dense<0.000000e+00> : vector<1000x128xf32>
    %dot_general3A_9 = tpu.matmul %add3A_5, %get3A_8, %dot_general3A {dimension_numbers = #tpu.dot_dimension_numbers<[1], [0], [0], [1], [0, 0, 1, 1], [], []>, transpose_lhs_hint = false} : vector<1000x128xf32>, vector<128x128xf32>, vector<1000x128xf32> -> vector<1000x128xf32>
    %get3A_10 = arith.constant 0 : index
    %get3A_11 = arith.constant 0 : index
    %get3A_12 = vector.load %arg4[%get3A_10, %get3A_11] : memref<1x128xf32, #tpu.memory_space<vmem>>, vector<1x128xf32>
    %add3A_13 = vector.broadcast %get3A_12 : vector<1x128xf32> to vector<1000x128xf32>
    %add3A_14 = arith.addf %dot_general3A_9, %add3A_13 : vector<1000x128xf32>
    %get3A_15 = arith.constant 0 : index
    %get3A_16 = arith.constant 0 : index
    %get3A_17 = vector.load %arg5[%get3A_15, %get3A_16] : memref<128x128xf32, #tpu.memory_space<vmem>>, vector<128x128xf32>
    %dot_general3A_18 = arith.constant dense<0.000000e+00> : vector<1000x128xf32>
    %dot_general3A_19 = tpu.matmul %add3A_14, %get3A_17, %dot_general3A_18 {dimension_numbers = #tpu.dot_dimension_numbers<[1], [0], [0], [1], [0, 0, 1, 1], [], []>, transpose_lhs_hint = false} : vector<1000x128xf32>, vector<128x128xf32>, vector<1000x128xf32> -> vector<1000x128xf32>
    %get3A_20 = arith.constant 0 : index
    %get3A_21 = arith.constant 0 : index
    %get3A_22 = vector.load %arg6[%get3A_20, %get3A_21] : memref<1x128xf32, #tpu.memory_space<vmem>>, vector<1x128xf32>
    %add3A_23 = vector.broadcast %get3A_22 : vector<1x128xf32> to vector<1000x128xf32>
    %add3A_24 = arith.addf %dot_general3A_19, %add3A_23 : vector<1000x128xf32>
    %get3A_25 = arith.constant 0 : index
    %get3A_26 = arith.constant 0 : index
    %get3A_27 = vector.load %arg7[%get3A_25, %get3A_26] : memref<1x128xf32, #tpu.memory_space<vmem>>, vector<1x128xf32>
    %get3A_28 = arith.constant 0 : index
    %get3A_29 = arith.constant 0 : index
    %get3A_30 = vector.load %arg8[%get3A_28, %get3A_29] : memref<1x128xf32, #tpu.memory_space<vmem>>, vector<1x128xf32>
    %add3A_31 = arith.addf %add3A_5, %add3A_24 : vector<1000x128xf32>
    %reduce_sum3A = arith.constant dense<0.000000e+00> : vector<1000xf32>
    %reduce_sum3A_32 = vector.multi_reduction <add>, %add3A_31, %reduce_sum3A [1] : vector<1000x128xf32> to vector<1000xf32>
    %broadcast_in_dim3A = vector.shape_cast %reduce_sum3A_32 : vector<1000xf32> to vector<1000x1xf32>
    %div3A = arith.constant 1.280000e+02 : f32
    %div3A_33 = vector.broadcast %div3A : f32 to vector<1000x1xf32>
    %div3A_34 = arith.divf %broadcast_in_dim3A, %div3A_33 : vector<1000x1xf32>
    %sub3A = vector.broadcast %div3A_34 : vector<1000x1xf32> to vector<1000x128xf32>
    %sub3A_35 = arith.subf %add3A_31, %sub3A : vector<1000x128xf32>
    %integer_pow3A = arith.mulf %sub3A_35, %sub3A_35 : vector<1000x128xf32>
    %reduce_sum3A_36 = arith.constant dense<0.000000e+00> : vector<1000xf32>
    %reduce_sum3A_37 = vector.multi_reduction <add>, %integer_pow3A, %reduce_sum3A_36 [1] : vector<1000x128xf32> to vector<1000xf32>
    %broadcast_in_dim3A_38 = vector.shape_cast %reduce_sum3A_37 : vector<1000xf32> to vector<1000x1xf32>
    %div3A_39 = arith.constant 1.280000e+02 : f32
    %div3A_40 = vector.broadcast %div3A_39 : f32 to vector<1000x1xf32>
    %div3A_41 = arith.divf %broadcast_in_dim3A_38, %div3A_40 : vector<1000x1xf32>
    %sub3A_42 = vector.broadcast %div3A_34 : vector<1000x1xf32> to vector<1000x128xf32>
    %sub3A_43 = arith.subf %add3A_31, %sub3A_42 : vector<1000x128xf32>
    %add3A_44 = arith.constant 9.99999974E-6 : f32
    %add3A_45 = vector.broadcast %add3A_44 : f32 to vector<1000x1xf32>
    %add3A_46 = arith.addf %div3A_41, %add3A_45 : vector<1000x1xf32>
    %sqrt3A = math.sqrt %add3A_46 : vector<1000x1xf32>
    %div3A_47 = vector.broadcast %sqrt3A : vector<1000x1xf32> to vector<1000x128xf32>
    %div3A_48 = arith.divf %sub3A_43, %div3A_47 : vector<1000x128xf32>
    %mul3A = vector.broadcast %get3A_27 : vector<1x128xf32> to vector<1000x128xf32>
    %mul3A_49 = arith.mulf %div3A_48, %mul3A : vector<1000x128xf32>
    %add3A_50 = vector.broadcast %get3A_30 : vector<1x128xf32> to vector<1000x128xf32>
    %add3A_51 = arith.addf %mul3A_49, %add3A_50 : vector<1000x128xf32>
    %get3A_52 = arith.constant 0 : index
    %get3A_53 = arith.constant 0 : index
    %get3A_54 = vector.load %arg9[%get3A_52, %get3A_53] : memref<128x512xf32, #tpu.memory_space<vmem>>, vector<128x512xf32>
    %dot_general3A_55 = arith.constant dense<0.000000e+00> : vector<1000x512xf32>
    %dot_general3A_56 = tpu.matmul %add3A_51, %get3A_54, %dot_general3A_55 {dimension_numbers = #tpu.dot_dimension_numbers<[1], [0], [0], [1], [0, 0, 1, 1], [], []>, transpose_lhs_hint = false} : vector<1000x128xf32>, vector<128x512xf32>, vector<1000x512xf32> -> vector<1000x512xf32>
    %get3A_57 = arith.constant 0 : index
    %get3A_58 = arith.constant 0 : index
    %get3A_59 = vector.load %arg10[%get3A_57, %get3A_58] : memref<1x512xf32, #tpu.memory_space<vmem>>, vector<1x512xf32>
    %add3A_60 = vector.broadcast %get3A_59 : vector<1x512xf32> to vector<1000x512xf32>
    %add3A_61 = arith.addf %dot_general3A_56, %add3A_60 : vector<1000x512xf32>
    %max3A = arith.constant 0.000000e+00 : f32
    %max3A_62 = vector.broadcast %max3A : f32 to vector<1000x512xf32>
    %max3A_63 = arith.maximumf %add3A_61, %max3A_62 : vector<1000x512xf32>
    %get3A_64 = arith.constant 0 : index
    %get3A_65 = arith.constant 0 : index
    %get3A_66 = vector.load %arg11[%get3A_64, %get3A_65] : memref<512x128xf32, #tpu.memory_space<vmem>>, vector<512x128xf32>
    %dot_general3A_67 = arith.constant dense<0.000000e+00> : vector<1000x128xf32>
    %dot_general3A_68 = tpu.matmul %max3A_63, %get3A_66, %dot_general3A_67 {dimension_numbers = #tpu.dot_dimension_numbers<[1], [0], [0], [1], [0, 0, 1, 1], [], []>, transpose_lhs_hint = false} : vector<1000x512xf32>, vector<512x128xf32>, vector<1000x128xf32> -> vector<1000x128xf32>
    %get3A_69 = arith.constant 0 : index
    %get3A_70 = arith.constant 0 : index
    %get3A_71 = vector.load %arg12[%get3A_69, %get3A_70] : memref<1x128xf32, #tpu.memory_space<vmem>>, vector<1x128xf32>
    %add3A_72 = vector.broadcast %get3A_71 : vector<1x128xf32> to vector<1000x128xf32>
    %add3A_73 = arith.addf %dot_general3A_68, %add3A_72 : vector<1000x128xf32>
    %add3A_74 = arith.addf %add3A_51, %add3A_73 : vector<1000x128xf32>
    %reduce_sum3A_75 = arith.constant dense<0.000000e+00> : vector<1000xf32>
    %reduce_sum3A_76 = vector.multi_reduction <add>, %add3A_74, %reduce_sum3A_75 [1] : vector<1000x128xf32> to vector<1000xf32>
    %broadcast_in_dim3A_77 = vector.shape_cast %reduce_sum3A_76 : vector<1000xf32> to vector<1000x1xf32>
    %div3A_78 = arith.constant 1.280000e+02 : f32
    %div3A_79 = vector.broadcast %div3A_78 : f32 to vector<1000x1xf32>
    %div3A_80 = arith.divf %broadcast_in_dim3A_77, %div3A_79 : vector<1000x1xf32>
    %sub3A_81 = vector.broadcast %div3A_80 : vector<1000x1xf32> to vector<1000x128xf32>
    %sub3A_82 = arith.subf %add3A_74, %sub3A_81 : vector<1000x128xf32>
    %integer_pow3A_83 = arith.mulf %sub3A_82, %sub3A_82 : vector<1000x128xf32>
    %reduce_sum3A_84 = arith.constant dense<0.000000e+00> : vector<1000xf32>
    %reduce_sum3A_85 = vector.multi_reduction <add>, %integer_pow3A_83, %reduce_sum3A_84 [1] : vector<1000x128xf32> to vector<1000xf32>
    %broadcast_in_dim3A_86 = vector.shape_cast %reduce_sum3A_85 : vector<1000xf32> to vector<1000x1xf32>
    %div3A_87 = arith.constant 1.280000e+02 : f32
    %div3A_88 = vector.broadcast %div3A_87 : f32 to vector<1000x1xf32>
    %div3A_89 = arith.divf %broadcast_in_dim3A_86, %div3A_88 : vector<1000x1xf32>
    %sub3A_90 = vector.broadcast %div3A_80 : vector<1000x1xf32> to vector<1000x128xf32>
    %sub3A_91 = arith.subf %add3A_74, %sub3A_90 : vector<1000x128xf32>
    %add3A_92 = arith.constant 9.99999974E-6 : f32
    %add3A_93 = vector.broadcast %add3A_92 : f32 to vector<1000x1xf32>
    %add3A_94 = arith.addf %div3A_89, %add3A_93 : vector<1000x1xf32>
    %sqrt3A_95 = math.sqrt %add3A_94 : vector<1000x1xf32>
    %div3A_96 = vector.broadcast %sqrt3A_95 : vector<1000x1xf32> to vector<1000x128xf32>
    %div3A_97 = arith.divf %sub3A_91, %div3A_96 : vector<1000x128xf32>
    %mul3A_98 = vector.broadcast %get3A_27 : vector<1x128xf32> to vector<1000x128xf32>
    %mul3A_99 = arith.mulf %div3A_97, %mul3A_98 : vector<1000x128xf32>
    %add3A_100 = vector.broadcast %get3A_30 : vector<1x128xf32> to vector<1000x128xf32>
    %add3A_101 = arith.addf %mul3A_99, %add3A_100 : vector<1000x128xf32>
    %get3A_102 = arith.constant 0 : index
    %get3A_103 = arith.constant 0 : index
    %get3A_104 = vector.load %arg13[%get3A_102, %get3A_103] : memref<128x2xf32, #tpu.memory_space<vmem>>, vector<128x2xf32>
    %dot_general3A_105 = arith.constant dense<0.000000e+00> : vector<1000x2xf32>
    %dot_general3A_106 = tpu.matmul %add3A_101, %get3A_104, %dot_general3A_105 {dimension_numbers = #tpu.dot_dimension_numbers<[1], [0], [0], [1], [0, 0, 1, 1], [], []>, transpose_lhs_hint = false} : vector<1000x128xf32>, vector<128x2xf32>, vector<1000x2xf32> -> vector<1000x2xf32>
    %get3A_107 = arith.constant 0 : index
    %get3A_108 = arith.constant 0 : index
    %get3A_109 = vector.load %arg14[%get3A_107, %get3A_108] : memref<1x2xf32, #tpu.memory_space<vmem>>, vector<1x2xf32>
    %add3A_110 = vector.broadcast %get3A_109 : vector<1x2xf32> to vector<1000x2xf32>
    %add3A_111 = arith.addf %dot_general3A_106, %add3A_110 : vector<1000x2xf32>
    %swap3A = arith.constant 0 : index
    %swap3A_112 = arith.constant 0 : index
    %swap3A_113 = vector.load %arg15[%swap3A, %swap3A_112] : memref<1000x2xf32, #tpu.memory_space<vmem>>, vector<1000x2xf32>
    tpu.vector_store %arg15[%swap3A, %swap3A_112], %add3A_111 {strides = array<i32>} : memref<1000x2xf32, #tpu.memory_space<vmem>>, vector<1000x2xf32>,
    return
  }
  func.func @transform_0(%arg0: i32) -> (i32, i32) {
    %c0_i32 = arith.constant 0 : i32
    %c0_i32_0 = arith.constant 0 : i32
    return %arg0, %c0_i32 : i32, i32
  }
  func.func @transform_1(%arg0: i32) -> (i32, i32) {
    %c0_i32 = arith.constant 0 : i32
    %c0_i32_0 = arith.constant 0 : i32
    %c0_i32_1 = arith.constant 0 : i32
    return %c0_i32, %c0_i32_0 : i32, i32
  }
  func.func @transform_2(%arg0: i32) -> (i32, i32) {
    %c0_i32 = arith.constant 0 : i32
    %c0_i32_0 = arith.constant 0 : i32
    %c0_i32_1 = arith.constant 0 : i32
    return %c0_i32, %c0_i32_0 : i32, i32
  }
  func.func @transform_3(%arg0: i32) -> (i32, i32) {
    %c0_i32 = arith.constant 0 : i32
    %c0_i32_0 = arith.constant 0 : i32
    %c0_i32_1 = arith.constant 0 : i32
    return %c0_i32, %c0_i32_0 : i32, i32
  }
  func.func @transform_4(%arg0: i32) -> (i32, i32) {
    %c0_i32 = arith.constant 0 : i32
    %c0_i32_0 = arith.constant 0 : i32
    %c0_i32_1 = arith.constant 0 : i32
    return %c0_i32, %c0_i32_0 : i32, i32
  }
  func.func @transform_5(%arg0: i32) -> (i32, i32) {
    %c0_i32 = arith.constant 0 : i32
    %c0_i32_0 = arith.constant 0 : i32
    %c0_i32_1 = arith.constant 0 : i32
    return %c0_i32, %c0_i32_0 : i32, i32
  }
  func.func @transform_6(%arg0: i32) -> (i32, i32) {
    %c0_i32 = arith.constant 0 : i32
    %c0_i32_0 = arith.constant 0 : i32
    %c0_i32_1 = arith.constant 0 : i32
    return %c0_i32, %c0_i32_0 : i32, i32
  }
  func.func @transform_7(%arg0: i32) -> (i32, i32) {
    %c0_i32 = arith.constant 0 : i32
    %c0_i32_0 = arith.constant 0 : i32
    %c0_i32_1 = arith.constant 0 : i32
    return %c0_i32, %c0_i32_0 : i32, i32
  }
  func.func @transform_8(%arg0: i32) -> (i32, i32) {
    %c0_i32 = arith.constant 0 : i32
    %c0_i32_0 = arith.constant 0 : i32
    %c0_i32_1 = arith.constant 0 : i32
    return %c0_i32, %c0_i32_0 : i32, i32
  }
  func.func @transform_9(%arg0: i32) -> (i32, i32) {
    %c0_i32 = arith.constant 0 : i32
    %c0_i32_0 = arith.constant 0 : i32
    %c0_i32_1 = arith.constant 0 : i32
    return %c0_i32, %c0_i32_0 : i32, i32
  }
  func.func @transform_10(%arg0: i32) -> (i32, i32) {
    %c0_i32 = arith.constant 0 : i32
    %c0_i32_0 = arith.constant 0 : i32
    %c0_i32_1 = arith.constant 0 : i32
    return %c0_i32, %c0_i32_0 : i32, i32
  }
  func.func @transform_11(%arg0: i32) -> (i32, i32) {
    %c0_i32 = arith.constant 0 : i32
    %c0_i32_0 = arith.constant 0 : i32
    %c0_i32_1 = arith.constant 0 : i32
    return %c0_i32, %c0_i32_0 : i32, i32
  }
  func.func @transform_12(%arg0: i32) -> (i32, i32) {
    %c0_i32 = arith.constant 0 : i32
    %c0_i32_0 = arith.constant 0 : i32
    %c0_i32_1 = arith.constant 0 : i32
    return %c0_i32, %c0_i32_0 : i32, i32
  }
  func.func @transform_13(%arg0: i32) -> (i32, i32) {
    %c0_i32 = arith.constant 0 : i32
    %c0_i32_0 = arith.constant 0 : i32
    %c0_i32_1 = arith.constant 0 : i32
    return %c0_i32, %c0_i32_0 : i32, i32
  }
  func.func @transform_14(%arg0: i32) -> (i32, i32) {
    %c0_i32 = arith.constant 0 : i32
    %c0_i32_0 = arith.constant 0 : i32
    return %arg0, %c0_i32 : i32, i32
  }
}

</mosaic_0001>

<sc_bundles>
// kernel: gather_offload_async_start.1
scs
__scs_entry_jumppad:
0x0: {  	(pc) =	sbr.rel $0x88, $3  }
0x1: {  	(tag) =	ssettag $0x0;
	lr =	simm.s32 $0x1  }
0x2: {  	[smem:$0x3F8A] =	sst lr;
	_ =	strace $0xD0000000  }
0x3: {  	_ = 	snop  }
0x4: {  	_ = 	snop  }
0x5: {  	_ = 	snop  }
0x6: {  	_ = 	snop  }
0x7: {  	_ = 	snop  }
__scs_overlays_trampoline_lowered:
0x8: {  	[smem:$0x3F99] =	sst s0  }
0x9: {  	[smem:$0x3F9A] =	sst s1  }
0xa: {  	[smem:$0x3F9B] =	sst s2  }
0xb: {  	[smem:$0x3F9C] =	sst s3  }
0xc: {  	[smem:$0x3F9D] =	sst s4  }
0xd: {  	[smem:$0x3F9E] =	sst s5  }
0xe: {  	[smem:$0x3F9F] =	sst s6  }
0xf: {  	[smem:$0x3FA0] =	sst s7  }
0x10: {  	[smem:$0x3FA1] =	sst s8  }
0x11: {  	[smem:$0x3FA2] =	sst s9;
	s0 =	simm.s32 @!p0 $0x0  }
0x12: {  	s1 =	sld [smem:$0x3F88];
	s0 =	simm.s32 @p0 $0x1  }
0x13: {  	[smem:$0x3FA3] =	sst s0;
	s0 =	simm.s32 @!p1 $0x0  }
0x14: {  	s2 =	sld [smem:$0x3F87];
	s0 =	simm.s32 @p1 $0x1  }
0x15: {  	[smem:$0x3FA4] =	sst s0;
	s0 =	simm.s32 @!p2 $0x0  }
0x16: {  	s3 =	sld [smem:$0x3FDB];
	s0 =	simm.s32 @p2 $0x1  }
0x17: {  	s4 =	simm.s32 $0x1BF5;
	[smem:$0x3FA6] =	sst s0  }
0x18: {  	s0 =	sld [smem:$0x3F89];
	_ =	swait.ge [sflag:s4], $0x0  }
0x19: {  	s7 =	sld [smem:$0x3F8A]  }
0x1a: {  	s8 =	sadd.s32 $0xFFFFE003, lr  }
0x1b: {  	s9 =	sadd.s32 $0xFFFFFEF7, lr;
	s5 =	simm.s32 $0xFFFFFFFF;
	p2 =	slt.u32 s8, $0xFFFFF086  }
0x1c: {  	p1 =	slt.u32 s9, $0xF7A;
	s5 =	simm.s32 @!p2 $0x0  }
0x1d: {  	s5 =	simm.s32 @p1 $0x1;
	p0 =	seq.s32 s7, s2  }
0x1e: {  	s7 =	smul.u32 @!p0 $0xF7A, s2;
	p2 =	seq.s32 @!p0 s5, $0x0  }
0x1f: {  	s9 =	smul.u32 $0xF7A, s1;
	s8 =	simm.s32 @!p0 $0x1BF5;
	p2 =	por !p2, p0  }
0x20: {  	[sflag:s8] =	ssyncset.s32 @!p0 $0xFFFFF086;
	s6 =	sadd.s32 @!p0 s3, s7;
	s7 =	simm.s32 @!p0 $0x108  }
0x21: {  	s3 =	sadd.s32 s3, s9;
	s6 =	sadd.s32 @!p0 $0x88, s6;
	s7 =	simm.s32 @p2 $0x1082  }
0x22: {  	[simem:s7], [sflag:s8] =	dma.local @!p0 [hbm:s6], $0xF7A  }
0x23: {  	s9 =	sor.u32 $0xD0000000, s2;
	s6 =	simm.s32 $0x108;
	_ =	swait.ge @!p0 [sflag:s8], $0x0  }
0x24: {  	s3 =	sadd.s32 $0x88, s3;
	s6 =	simm.s32 @!p1 $0x1082;
	[sflag:s4] =	ssyncset.s32 $0xFFFFF086  }
0x25: {  	[simem:s6], [sflag:s4] =	dma.local [hbm:s3], $0xF7A  }
0x26: {  	[smem:$0x3F8A] =	sst s1;
	(tag) =	ssettag s2;
	_ =	strace s9  }
0x27: {  	s1 =	sld [smem:$0x3F9A]  }
0x28: {  	s2 =	sld [smem:$0x3F9B]  }
0x29: {  	s4 =	sld [smem:$0x3F9D]  }
0x2a: {  	p0 =	seq.s32 s5, $0x0;
	s5 =	sld [smem:$0x3F9E]  }
0x2b: {  	s6 =	sld [smem:$0x3F9F]  }
0x2c: {  	s7 =	sld [smem:$0x3FA0]  }
0x2d: {  	s3 =	simm.s32 $0x108;
	s8 =	sld [smem:$0x3FA1]  }
0x2e: {  	s3 =	simm.s32 @!p0 $0x1082;
	s9 =	sld [smem:$0x3FA2]  }
0x2f: {  	lr =	sadd.s32 s0, s3;
	s0 =	sld [smem:$0x3F99]  }
0x30: {  	s3 =	sld [smem:$0x3F9C]  }
0x31: {  	[smem:$0x3FA5] =	sst s10  }
0x32: {  	s10 =	sld [smem:$0x3FA3];
	_ =	sdelay $0x3  }
0x33: {  	p0 =	seq.s32 s10, $0x1;
	s10 =	sld [smem:$0x3FA5];
	_ =	sdelay $0x3  }
0x34: {  	[smem:$0x3FA5] =	sst s10  }
0x35: {  	s10 =	sld [smem:$0x3FA4];
	_ =	sdelay $0x3  }
0x36: {  	p1 =	seq.s32 s10, $0x1;
	s10 =	sld [smem:$0x3FA5];
	_ =	sdelay $0x3  }
0x37: {  	[smem:$0x3FA5] =	sst s10  }
0x38: {  	s10 =	sld [smem:$0x3FA6]  }
0x39: {  	_ = 	snop;
	(pc) =	sbr.ind lr, $3  }
0x3a: {  	_ = 	snop  }
0x3b: {  	_ = 	snop  }
0x3c: {  	p2 =	seq.s32 s10, $0x1;
	s10 =	sld [smem:$0x3FA5]  }
0x3d: {  	_ =	shalt  }
0x3e: {  	_ =	shalt  }
0x3f: {  	_ =	shalt  }
0x40: {  	_ =	shalt  }
0x41: {  	_ =	shalt  }
0x42: {  	_ =	shalt  }
0x43: {  	_ =	shalt  }
0x44: {  	_ =	shalt  }
0x45: {  	_ =	shalt  }
0x46: {  	_ =	shalt  }
0x47: {  	_ =	shalt  }
0x48: {  	_ =	shalt  }
0x49: {  	_ =	shalt  }
0x4a: {  	_ =	shalt  }
0x4b: {  	_ =	shalt  }
0x4c: {  	_ =	shalt  }
0x4d: {  	_ =	shalt  }
0x4e: {  	_ =	shalt  }
0x4f: {  	_ =	shalt  }
0x50: {  	_ =	shalt  }
0x51: {  	_ =	shalt  }
0x52: {  	_ =	shalt  }
0x53: {  	_ =	shalt  }
0x54: {  	_ =	shalt  }
0x55: {  	_ =	shalt  }
0x56: {  	_ =	shalt  }
0x57: {  	_ =	shalt  }
0x58: {  	_ =	shalt  }
0x59: {  	_ =	shalt  }
0x5a: {  	_ =	shalt  }
0x5b: {  	_ =	shalt  }
0x5c: {  	_ =	shalt  }
0x5d: {  	_ =	shalt  }
0x5e: {  	_ =	shalt  }
0x5f: {  	_ =	shalt  }
0x60: {  	_ =	shalt  }
0x61: {  	_ =	shalt  }
0x62: {  	_ =	shalt  }
0x63: {  	_ =	shalt  }
0x64: {  	_ =	shalt  }
0x65: {  	_ =	shalt  }
0x66: {  	_ =	shalt  }
0x67: {  	_ =	shalt  }
0x68: {  	_ =	shalt  }
0x69: {  	_ =	shalt  }
0x6a: {  	_ =	shalt  }
0x6b: {  	_ =	shalt  }
0x6c: {  	_ =	shalt  }
0x6d: {  	_ =	shalt  }
0x6e: {  	_ =	shalt  }
0x6f: {  	_ =	shalt  }
0x70: {  	_ =	shalt  }
0x71: {  	_ =	shalt  }
0x72: {  	_ =	shalt  }
0x73: {  	_ =	shalt  }
0x74: {  	_ =	shalt  }
0x75: {  	_ =	shalt  }
0x76: {  	_ =	shalt  }
0x77: {  	_ =	shalt  }
0x78: {  	_ =	shalt  }
0x79: {  	_ =	shalt  }
0x7a: {  	_ =	shalt  }
0x7b: {  	_ =	shalt  }
0x7c: {  	_ =	shalt  }
0x7d: {  	_ =	shalt  }
0x7e: {  	_ =	shalt  }
0x7f: {  	_ =	shalt  }
0x80: {  	_ =	shalt  }
0x81: {  	_ =	shalt  }
0x82: {  	_ =	shalt  }
0x83: {  	_ =	shalt  }
0x84: {  	_ =	shalt  }
0x85: {  	_ =	shalt  }
0x86: {  	_ =	shalt  }
0x87: {  	_ =	shalt  }
.Lfunc_end0:
.L_simem_size_0:
called_computation.3_lowered:
.L_overlay_start_0:
0x88: {  	s0 =	sld [smem:$0x3FD9]  }
0x89: {  	s1 =	sld [smem:$0x3FFE];
	_ =	sdelay $0x3  }
0x8a: {  	s0 =	sadd.s32 s1, s0  }
0x8b: {  	[smem:$0x3FB1] =	sst s0  }
0x8c: {  	_ = 	snop  }
0x8d: {  	(tm) =	ssettm $0x1  }
0x8e: {  	s15 =	sld [smem:$0x3FFB];
	_ =	sdelay $0x3  }
0x8f: {  	_ =	strace s15  }
0x90: {  	s0 =	sld [smem:$0x3FFC];
	_ =	sdelay $0x3  }
0x91: {  	_ =	strace s0  }
0x92: {  	s0 =	sld [smem:$0x3FFD];
	_ =	sdelay $0x3  }
0x93: {  	_ =	strace s0  }
0x94: {  	_ =	strace $0x8FFFFFFF  }
0x95: {  	s16 =	sld [smem:$0x3FDB];
	_ =	sdelay $0x1  }
0x96: {  	s17 =	simm.s32 $_scs_section_size  }
0x97: {  	s2 =	simm.s32 $_size__tile_overlayer_lowered;
	s3 =	simm.s32 $_tile_overlayer_lowered  }
0x98: {  	s20 =	simm.s32 $0x1BFF;
	s19 =	sshll.u32 s3, $0x1;
	s0 =	sadd.s32 s17, s16  }
0x99: {  	s4 =	simm.s32 $0x0;
	s18 =	sshll.u32 s2, $0x1;
	s2 =	sadd.s32 s19, s0  }
0x9a: {  	[timem:s4], [sflag:s20] =	dma.local [hbm:s2], s18  }
0x9b: {  	_ =	swait.ge [sflag:s20], s18  }
0x9c: {  	s1 =	ssub.s32 $0x0, s18;
	[sflag:s20] =	ssyncset.done $0x0  }
0x9d: {  	[sflag:s20] =	ssyncadd.s32 s1;
	_ =	sdelay $0x1  }
0x9e: {  	s21 =	simm.s32 $0x1B8B  }
0x9f: {  	_ =	swait.ge [sflag:s21], $0x1  }
0xa0: {  	[sflag:s21] =	ssyncset.done $0x0  }
0xa1: {  	s23 =	simm.s32 $0x1B8E;
	s22 =	sld [smem:$0x3FFE];
	[sflag:s21] =	ssyncadd.s32 $0xFFFFFFFF  }
0xa2: {  	s24 =	simm.s32 $execute0_lowered;
	[smem:$0x3FD2] =	sst s23  }
0xa3: {  	s2 =	sshll.u32 s24, $0x1;
	_ =	strace $0x80000046;
	[dreg:$0x1] =	wrdreg $0xFFFFFFFF  }
0xa4: {  	s25 =	simm.s32 $_size_execute0_lowered;
	s0 =	sadd.s32 s0, s2;
	[dreg:$0x0] =	wrdreg $0x0  }
0xa5: {  	s2 =	sshll.u32 s25, $0x1;
	[dreg:$0x2] =	wrdreg s0  }
0xa6: {  	[dreg:$0x3] =	wrdreg s2  }
0xa7: {  	[dreg:$0x4] =	wrdreg $0xC0  }
0xa8: {  	_ =	task [dreg:s4], $0x5FFFF  }
0xa9: {  	[dreg:$0x1] =	wrdreg $0xFFFFFFFF  }
0xaa: {  	[dreg:$0x0] =	wrdreg $0x60  }
0xab: {  	[dreg:$0x2] =	wrdreg s22  }
0xac: {  	[dreg:$0x3] =	wrdreg $0x9  }
0xad: {  	_ =	task.clear_ibuf [dreg:s4], $0x4FFFF;
	_ =	strace $0x90000046  }
0xae: {  	s26 =	simm.s32 $0x9;
	_ =	strace $0x80000048  }
0xaf: {  	_ =	swait.ge [sflag:s26], $0x1  }
0xb0: {  	[sflag:s26] =	ssyncadd.s32 $0xFFFFFFFF  }
0xb1: {  	_ =	strace $0x90000048  }
0xb2: {  	_ =	sfence  }
0xb3: {  	s28 =	sld [smem:$0x0];
	_ =	sdelay $0x1  }
0xb4: {  	s29 =	srdreg.scid  }
0xb5: {  	s30 =	sshll.u32 s29, $0xD;
	s31 =	sshrl.u32 s29, $0x2  }
0xb6: {  	s1 =	sand.u32 $0x1, s29;
	s2 =	sand.u32 $0x4000, s30;
	s0 =	sadd.s32 s31, s28  }
0xb7: {  	s1 =	sor.u32 s2, s1;
	s0 =	sshll.u32 s0, $0x11  }
0xb8: {  	s0 =	sor.u32 s0, s1  }
0xb9: {  	s0 =	sadd.s32 $0x8F2B, s0  }
0xba: {  	[sflag:s0] =	ssyncadd.remote.s32 $0x1  }
0xbb: {  	_ =	sfence.sel $0xFFFF  }
0xbc: {  	[dreg:$0x0] =	wrdreg $0xFFFFFFFF;
	(pc) =	sbr.abs _section_cstart, $3  }
0xbd: {  	[dreg:$0x1] =	wrdreg $0xFFFFFFFF  }
0xbe: {  	_ =	task.clear_ibuf [dreg:s4], $0x2FFFF;
	_ =	strace $0x9FFFFFFF  }
0xbf: {  	(tm) =	ssettm $0x7FFFFFFF  }
tec
execute0_lowered:
.L_overlay_start_1:
0x0: {  	(tag) =	ssettag $0x1  }
0x1: {  	s8 =	rddreg [dreg:$0x0]  }
0x2: {  	s0 =	rddreg [dreg:$0x1];
	_ =	strace $0x80000047  }
0x3: {  	s4 =	simm.s32 $0x1;
	s1 =	stileid.u32;
	s7 =	simm.s32 $0x1  }
0x4: {  	s9 =	simm.s32 $0x1;
	s6 =	simm.s32 $0x2;
	s10 =	simm.s32 $0x3  }
0x5: {  	s13 =	simm.s32 $0x0;
	s12 =	simm.s32 $0x0;
	s2 =	sadd.s32 $0x2800, s8  }
.Ltmp0:
0x6: {  	s3 =	sadd.s32 $0x3E200, s8;
	p0 =	slt.u32 s1, $0xA;
	(pc) =	sbr.rel .LBB2_1-.Ltmp0, $4  }
0x7: {  	[sflag:s4] =	ssyncpa.u1 $0x0;
	s7 =	simm.s32 @!p0 $0x0;
	p0 =	sne.s32 s1, $0x9  }
0x8: {  	s5 =	smul.u32 $0x6590, s1;
	[sflag:s6] =	ssyncpa.u1 $0x0;
	s9 =	simm.s32 @!p0 $0x0  }
0x9: {  	s8 =	sadd.s32 $0x52000, s8;
	[sflag:s10] =	ssyncpa.u1 $0x0;
	s7 =	sadd.s32 s9, s7  }
0xa: {  	vm0 =	vmmov $0xffff;
	s10 =	simm.s32 $0x0;
	s11 =	smov.u32 s5;
	s9 =	sadd.s32 $0x1, s7  }
.LBB2_4:
0xb: {  	v2 =	vnsel vm1, $0x0, v2  }
0xc: {  	vm1 =	vgt.s32 v0, $0x0;
	v2 =	vmin.u32 v2, $0x9EB0F  }
0xd: {  	v0 =	vnsel vm1, $0x0, v0  }
0xe: {  	v0 =	vmin.u32 v0, $0x9EB0F  }
0xf: {  	[tilespmem:s18], [sflag:$0x1] =	stream.indirect_vreg.gather [hbm4b:s2+s10], $0x1, v1, vm0, $0x4038;
	[tilespmem:$0x19640] =	vst v63  }
0x10: {  	(ifvalue) =	ssetifvalue $0x7FFFFFFF  }
0x11: {  	[tilespmem:s15], [sflag:$0x1] =	stream.indirect_vreg.gather [hbm4b:s2+s10], $0x1, v2, vm0, $0x4038;
	[tilespmem:$0x19640] =	vst v63  }
0x12: {  	s29 =	sadd.s32 $0x10, s15;
	(ifvalue) =	ssetifvalue $0x7FFFFFFF  }
0x13: {  	[tilespmem:s29], [sflag:$0x1] =	stream.indirect_vreg.gather [hbm4b:s2+s10], $0x1, v0, vm0, $0x4038;
	[tilespmem:$0x19640] =	vst v63  }
0x14: {  	_ =	swait.ge [sflag:s4], $0x6590  }
0x15: {  	s30 =	sshrl.u32 s13, $0x3;
	[sflag:s4] =	ssyncset.done $0x0  }
0x16: {  	s31 =	sand.u32 $0x7, s13;
	s15 =	sadd.s32 s8, s30;
	[sflag:s4] =	ssyncadd.s32 $0xFFFF9A70  }
0x17: {  	[hbm4b:s15+s31] =	stream.linear.scatter [tilespmem:s14], [sflag:$0x3], $0x6590, $0x38;
	[tilespmem:$0x19640] =	vst v63  }
.LBB2_5:
0x18: {  	s15 =	sadd.s32 $0x65900, s11  }
0x19: {  	p1 =	sgt.s32 s15, $0x9EB0F  }
0x1a: {  	s15 =	smov.u32 @p1 s5;
	p1 =	sne.s32 s12, s9  }
.Ltmp1:
0x1b: {  	p0 =	slt.u32 s12, $0x2;
	(pc) =	sbr.rel @!p1 .LBB2_6-.Ltmp1, $4  }
0x1c: {  	s14 =	simm.s32 @!p0 $0x3  }
0x1d: {  	_ =	swait.ge @!p0 [sflag:s14], $0x6590  }
0x1e: {  	s16 =	sadd.s32 $0x1, s12;
	s13 =	smov.u32 s11;
	[sflag:s14] =	ssyncset.done @!p0 $0x0  }
0x1f: {  	s12 =	smov.u32 s16;
	s11 =	smov.u32 s15;
	[sflag:s14] =	ssyncadd.s32 @!p0 $0xFFFF9A70  }
.LBB2_1:
0x20: {  	p0 =	sge.u32 s12, s7  }
0x21: {  	s14 =	sxor.u32 @!p0 $0x1, s12  }
0x22: {  	s14 =	smul.u32 @!p0 $0x19640, s14  }
0x23: {  	s31 =	sadd.s32 $0xFFFFFFFF, s12;
	s15 =	sshrl.u32 @!p0 s11, $0x3  }
0x24: {  	s16 =	sand.u32 @!p0 $0x7, s11;
	s15 =	sadd.s32 @!p0 s3, s15;
	s14 =	sshra.s32 @!p0 s14, $0x2  }
0x25: {  	[tilespmem:s14], [sflag:$0x2] =	stream.linear.gather @!p0 [hbm4b:s15+s16], $0x6590, $0x38;
	[tilespmem:$0x19640] =	vst v63  }
0x26: {  	p0 =	sge.u32 s31, s7  }
.Ltmp2:
0x27: {  	_ = 	snop;
	(pc) =	sbr.rel @p0 .LBB2_5-.Ltmp2, $1  }
0x28: {  	_ =	sdelay $0x3  }
0x29: {  	s14 =	sand.u32 $0x1, s12  }
0x2a: {  	_ =	swait.ge [sflag:s6], $0x6590;
	p0 =	seq.s32 s14, $0x1;
	s14 =	simm.s32 $0x6590  }
0x2b: {  	[sflag:s6] =	ssyncset.done $0x0;
	s14 =	simm.s32 @!p0 $0x0  }
0x2c: {  	[sflag:s6] =	ssyncadd.s32 $0xFFFF9A70;
	(ifvalue) =	ssetifvalue $0x7FFFFFFF;
	v0 =	vld.msk [tilespmem:s14+$0x0 ss:$0x1], $0xffff;
	_ =	sdelay $0x4  }
0x2d: {  	s15 =	sadd.s32 $0x10, s14;
	vm1 =	vgt.s32 v0, $0x0  }
0x2e: {  	v2 =	vld.msk [tilespmem:s15+$0x0 ss:$0x1], $0xffff;
	v1 =	vnsel vm1, $0x0, v0  }
0x2f: {  	v1 =	vmin.u32 v1, $0x9EB0F;
	_ =	sdelay $0x2  }
0x30: {  	s17 =	simm.s32 $0x20;
	s14 =	sadd.s32 $0xCB20, s14;
	s16 =	sadd.s32 $0x10, s15  }
0x31: {  	s15 =	sadd.s32 $0x10, s14;
	s18 =	smov.u32 s14;
	v0 =	vld.msk [tilespmem:s16+$0x0 ss:$0x1], $0xffff;
	vm1 =	vgt.s32 v2, $0x0;
	(ifvalue) =	ssetifvalue $0x7FFFFFFF  }
.LBB2_3:
0x32: {  	[tilespmem:s18], [sflag:$0x1] =	stream.indirect_vreg.gather [hbm4b:s2+s10], $0x1, v1, vm0, $0x4038;
	[tilespmem:$0x19640] =	vst v63  }
0x33: {  	s17 =	sadd.s32 $0x10, s17  }
0x34: {  	v2 =	vnsel vm1, $0x0, v2;
	p0 =	slt.u32 s17, $0x6580  }
.Ltmp3:
0x35: {  	s18 =	smov.u32 s15;
	v1 =	vmin.u32 v2, $0x9EB0F;
	(pc) =	sbr.rel @p0 .LBB2_3-.Ltmp3, $3  }
0x36: {  	_ =	sdelay $0x1  }
0x37: {  	s16 =	sadd.s32 $0x10, s16  }
0x38: {  	vm1 =	vgt.s32 v0, $0x0;
	s15 =	sadd.s32 $0x10, s15;
	v2 =	vmov v0;
	(ifvalue) =	ssetifvalue $0x7FFFFFFF;
	v0 =	vld.msk [tilespmem:s16+$0x0 ss:$0x1], $0xffff  }
.Ltmp4:
0x39: {  	_ = 	snop;
	(pc) =	sbr.rel .LBB2_4-.Ltmp4, $1  }
0x3a: {  	_ =	sdelay $0x3  }
.LBB2_6:
0x3b: {  	_ =	sfence.sel $0x180000  }
0x3c: {  	s2 =	simm.s32 $0x2;
	[bflag:$0x0] =	sbarrier.arrive $0xFFFF  }
0x3d: {  	s30 =	simm.s32 $0x3;
	[sflag:s2] =	ssyncpa.u1 $0x1  }
0x3e: {  	s31 =	simm.s32 $0x1;
	[sflag:s30] =	ssyncpa.u1 $0x1  }
0x3f: {  	[sflag:s31] =	ssyncpa.u1 $0x1  }
0x40: {  	p0 =	sne.s32 s1, $0x0;
	_ =	strace $0x90000047  }
0x41: {  	s0 =	sadd.s32 @!p0 $0x100000, s0;
	[bflag:$0x2] =	sbarrier.arrive $0xFFFF  }
0x42: {  	[sflag:s0] =	ssyncadd.tile.s32 @!p0 $0x1;
	_ =	shalt  }
.Lfunc_end2:
_tile_overlayer_lowered:
.L_overlay_start_2:
0x43: {  	(tag) =	ssettag $0x2  }
0x44: {  	s0 =	rddreg [dreg:$0x0];
	s2 =	stileid.u32  }
0x45: {  	s1 =	rddreg [dreg:$0x1];
	p0 =	sne.s32 s2, $0x0  }
0x46: {  	s3 =	rddreg [dreg:$0x2];
	[bflag:$0x3] =	sbarrier.arrive $0xFFFF;
	s2 =	simm.s32 @!p0 $0x1C01  }
0x47: {  	[timem:s3], [sflag:s2] =	dma.local @!p0 [hbm:s0], s1  }
0x48: {  	s0 =	simm.s32 @!p0 $0x1  }
0x49: {  	_ =	swait.ge @!p0 [sflag:s0], s1  }
0x4a: {  	s1 =	ssub.s32 @!p0 $0x0, s1;
	[sflag:s0] =	ssyncset.done @!p0 $0x0  }
0x4b: {  	[sflag:s0] =	ssyncadd.s32 @!p0 s1  }
0x4c: {  	[bflag:$0x3] =	sbarrier.arrive $0xFFFF  }
0x4d: {  	_ =	shalt  }

// kernel: gather_offload_async_start.2
scs
__scs_entry_jumppad:
0x0: {  	(pc) =	sbr.rel $0x88, $3  }
0x1: {  	(tag) =	ssettag $0x0;
	lr =	simm.s32 $0x1  }
0x2: {  	[smem:$0x3F8A] =	sst lr;
	_ =	strace $0xD0000000  }
0x3: {  	_ = 	snop  }
0x4: {  	_ = 	snop  }
0x5: {  	_ = 	snop  }
0x6: {  	_ = 	snop  }
0x7: {  	_ = 	snop  }
__scs_overlays_trampoline_lowered:
0x8: {  	[smem:$0x3F99] =	sst s0  }
0x9: {  	[smem:$0x3F9A] =	sst s1  }
0xa: {  	[smem:$0x3F9B] =	sst s2  }
0xb: {  	[smem:$0x3F9C] =	sst s3  }
0xc: {  	[smem:$0x3F9D] =	sst s4  }
0xd: {  	[smem:$0x3F9E] =	sst s5  }
0xe: {  	[smem:$0x3F9F] =	sst s6  }
0xf: {  	[smem:$0x3FA0] =	sst s7  }
0x10: {  	[smem:$0x3FA1] =	sst s8  }
0x11: {  	[smem:$0x3FA2] =	sst s9;
	s0 =	simm.s32 @!p0 $0x0  }
0x12: {  	s1 =	sld [smem:$0x3F88];
	s0 =	simm.s32 @p0 $0x1  }
0x13: {  	[smem:$0x3FA3] =	sst s0;
	s0 =	simm.s32 @!p1 $0x0  }
0x14: {  	s2 =	sld [smem:$0x3F87];
	s0 =	simm.s32 @p1 $0x1  }
0x15: {  	[smem:$0x3FA4] =	sst s0;
	s0 =	simm.s32 @!p2 $0x0  }
0x16: {  	s3 =	sld [smem:$0x3FDB];
	s0 =	simm.s32 @p2 $0x1  }
0x17: {  	s4 =	simm.s32 $0x1BF5;
	[smem:$0x3FA6] =	sst s0  }
0x18: {  	s0 =	sld [smem:$0x3F89];
	_ =	swait.ge [sflag:s4], $0x0  }
0x19: {  	s7 =	sld [smem:$0x3F8A]  }
0x1a: {  	s8 =	sadd.s32 $0xFFFFE003, lr  }
0x1b: {  	s9 =	sadd.s32 $0xFFFFFEF7, lr;
	s5 =	simm.s32 $0xFFFFFFFF;
	p2 =	slt.u32 s8, $0xFFFFF086  }
0x1c: {  	p1 =	slt.u32 s9, $0xF7A;
	s5 =	simm.s32 @!p2 $0x0  }
0x1d: {  	s5 =	simm.s32 @p1 $0x1;
	p0 =	seq.s32 s7, s2  }
0x1e: {  	s7 =	smul.u32 @!p0 $0xF7A, s2;
	p2 =	seq.s32 @!p0 s5, $0x0  }
0x1f: {  	s9 =	smul.u32 $0xF7A, s1;
	s8 =	simm.s32 @!p0 $0x1BF5;
	p2 =	por !p2, p0  }
0x20: {  	[sflag:s8] =	ssyncset.s32 @!p0 $0xFFFFF086;
	s6 =	sadd.s32 @!p0 s3, s7;
	s7 =	simm.s32 @!p0 $0x108  }
0x21: {  	s3 =	sadd.s32 s3, s9;
	s6 =	sadd.s32 @!p0 $0x88, s6;
	s7 =	simm.s32 @p2 $0x1082  }
0x22: {  	[simem:s7], [sflag:s8] =	dma.local @!p0 [hbm:s6], $0xF7A  }
0x23: {  	s9 =	sor.u32 $0xD0000000, s2;
	s6 =	simm.s32 $0x108;
	_ =	swait.ge @!p0 [sflag:s8], $0x0  }
0x24: {  	s3 =	sadd.s32 $0x88, s3;
	s6 =	simm.s32 @!p1 $0x1082;
	[sflag:s4] =	ssyncset.s32 $0xFFFFF086  }
0x25: {  	[simem:s6], [sflag:s4] =	dma.local [hbm:s3], $0xF7A  }
0x26: {  	[smem:$0x3F8A] =	sst s1;
	(tag) =	ssettag s2;
	_ =	strace s9  }
0x27: {  	s1 =	sld [smem:$0x3F9A]  }
0x28: {  	s2 =	sld [smem:$0x3F9B]  }
0x29: {  	s4 =	sld [smem:$0x3F9D]  }
0x2a: {  	p0 =	seq.s32 s5, $0x0;
	s5 =	sld [smem:$0x3F9E]  }
0x2b: {  	s6 =	sld [smem:$0x3F9F]  }
0x2c: {  	s7 =	sld [smem:$0x3FA0]  }
0x2d: {  	s3 =	simm.s32 $0x108;
	s8 =	sld [smem:$0x3FA1]  }
0x2e: {  	s3 =	simm.s32 @!p0 $0x1082;
	s9 =	sld [smem:$0x3FA2]  }
0x2f: {  	lr =	sadd.s32 s0, s3;
	s0 =	sld [smem:$0x3F99]  }
0x30: {  	s3 =	sld [smem:$0x3F9C]  }
0x31: {  	[smem:$0x3FA5] =	sst s10  }
0x32: {  	s10 =	sld [smem:$0x3FA3];
	_ =	sdelay $0x3  }
0x33: {  	p0 =	seq.s32 s10, $0x1;
	s10 =	sld [smem:$0x3FA5];
	_ =	sdelay $0x3  }
0x34: {  	[smem:$0x3FA5] =	sst s10  }
0x35: {  	s10 =	sld [smem:$0x3FA4];
	_ =	sdelay $0x3  }
0x36: {  	p1 =	seq.s32 s10, $0x1;
	s10 =	sld [smem:$0x3FA5];
	_ =	sdelay $0x3  }
0x37: {  	[smem:$0x3FA5] =	sst s10  }
0x38: {  	s10 =	sld [smem:$0x3FA6]  }
0x39: {  	_ = 	snop;
	(pc) =	sbr.ind lr, $3  }
0x3a: {  	_ = 	snop  }
0x3b: {  	_ = 	snop  }
0x3c: {  	p2 =	seq.s32 s10, $0x1;
	s10 =	sld [smem:$0x3FA5]  }
0x3d: {  	_ =	shalt  }
0x3e: {  	_ =	shalt  }
0x3f: {  	_ =	shalt  }
0x40: {  	_ =	shalt  }
0x41: {  	_ =	shalt  }
0x42: {  	_ =	shalt  }
0x43: {  	_ =	shalt  }
0x44: {  	_ =	shalt  }
0x45: {  	_ =	shalt  }
0x46: {  	_ =	shalt  }
0x47: {  	_ =	shalt  }
0x48: {  	_ =	shalt  }
0x49: {  	_ =	shalt  }
0x4a: {  	_ =	shalt  }
0x4b: {  	_ =	shalt  }
0x4c: {  	_ =	shalt  }
0x4d: {  	_ =	shalt  }
0x4e: {  	_ =	shalt  }
0x4f: {  	_ =	shalt  }
0x50: {  	_ =	shalt  }
0x51: {  	_ =	shalt  }
0x52: {  	_ =	shalt  }
0x53: {  	_ =	shalt  }
0x54: {  	_ =	shalt  }
0x55: {  	_ =	shalt  }
0x56: {  	_ =	shalt  }
0x57: {  	_ =	shalt  }
0x58: {  	_ =	shalt  }
0x59: {  	_ =	shalt  }
0x5a: {  	_ =	shalt  }
0x5b: {  	_ =	shalt  }
0x5c: {  	_ =	shalt  }
0x5d: {  	_ =	shalt  }
0x5e: {  	_ =	shalt  }
0x5f: {  	_ =	shalt  }
0x60: {  	_ =	shalt  }
0x61: {  	_ =	shalt  }
0x62: {  	_ =	shalt  }
0x63: {  	_ =	shalt  }
0x64: {  	_ =	shalt  }
0x65: {  	_ =	shalt  }
0x66: {  	_ =	shalt  }
0x67: {  	_ =	shalt  }
0x68: {  	_ =	shalt  }
0x69: {  	_ =	shalt  }
0x6a: {  	_ =	shalt  }
0x6b: {  	_ =	shalt  }
0x6c: {  	_ =	shalt  }
0x6d: {  	_ =	shalt  }
0x6e: {  	_ =	shalt  }
0x6f: {  	_ =	shalt  }
0x70: {  	_ =	shalt  }
0x71: {  	_ =	shalt  }
0x72: {  	_ =	shalt  }
0x73: {  	_ =	shalt  }
0x74: {  	_ =	shalt  }
0x75: {  	_ =	shalt  }
0x76: {  	_ =	shalt  }
0x77: {  	_ =	shalt  }
0x78: {  	_ =	shalt  }
0x79: {  	_ =	shalt  }
0x7a: {  	_ =	shalt  }
0x7b: {  	_ =	shalt  }
0x7c: {  	_ =	shalt  }
0x7d: {  	_ =	shalt  }
0x7e: {  	_ =	shalt  }
0x7f: {  	_ =	shalt  }
0x80: {  	_ =	shalt  }
0x81: {  	_ =	shalt  }
0x82: {  	_ =	shalt  }
0x83: {  	_ =	shalt  }
0x84: {  	_ =	shalt  }
0x85: {  	_ =	shalt  }
0x86: {  	_ =	shalt  }
0x87: {  	_ =	shalt  }
.Lfunc_end0:
.L_simem_size_0:
called_computation.4_lowered:
.L_overlay_start_0:
0x88: {  	s0 =	sld [smem:$0x3FD9]  }
0x89: {  	s1 =	sld [smem:$0x3FFE];
	_ =	sdelay $0x3  }
0x8a: {  	s0 =	sadd.s32 s1, s0  }
0x8b: {  	[smem:$0x3FB1] =	sst s0  }
0x8c: {  	_ = 	snop  }
0x8d: {  	(tm) =	ssettm $0x1  }
0x8e: {  	s15 =	sld [smem:$0x3FFB];
	_ =	sdelay $0x3  }
0x8f: {  	_ =	strace s15  }
0x90: {  	s0 =	sld [smem:$0x3FFC];
	_ =	sdelay $0x3  }
0x91: {  	_ =	strace s0  }
0x92: {  	s0 =	sld [smem:$0x3FFD];
	_ =	sdelay $0x3  }
0x93: {  	_ =	strace s0  }
0x94: {  	_ =	strace $0x8FFFFFFF  }
0x95: {  	s16 =	sld [smem:$0x3FDB];
	_ =	sdelay $0x1  }
0x96: {  	s17 =	simm.s32 $_scs_section_size  }
0x97: {  	s2 =	simm.s32 $_size__tile_overlayer_lowered;
	s3 =	simm.s32 $_tile_overlayer_lowered  }
0x98: {  	s20 =	simm.s32 $0x1BFF;
	s19 =	sshll.u32 s3, $0x1;
	s0 =	sadd.s32 s17, s16  }
0x99: {  	s4 =	simm.s32 $0x0;
	s18 =	sshll.u32 s2, $0x1;
	s2 =	sadd.s32 s19, s0  }
0x9a: {  	[timem:s4], [sflag:s20] =	dma.local [hbm:s2], s18  }
0x9b: {  	_ =	swait.ge [sflag:s20], s18  }
0x9c: {  	s1 =	ssub.s32 $0x0, s18;
	[sflag:s20] =	ssyncset.done $0x0  }
0x9d: {  	[sflag:s20] =	ssyncadd.s32 s1;
	_ =	sdelay $0x1  }
0x9e: {  	s21 =	simm.s32 $0x1B8B  }
0x9f: {  	_ =	swait.ge [sflag:s21], $0x1  }
0xa0: {  	[sflag:s21] =	ssyncset.done $0x0  }
0xa1: {  	s23 =	simm.s32 $0x1B8E;
	s22 =	sld [smem:$0x3FFE];
	[sflag:s21] =	ssyncadd.s32 $0xFFFFFFFF  }
0xa2: {  	s24 =	simm.s32 $execute0_lowered;
	[smem:$0x3FD2] =	sst s23  }
0xa3: {  	s2 =	sshll.u32 s24, $0x1;
	_ =	strace $0x8000004C;
	[dreg:$0x1] =	wrdreg $0xFFFFFFFF  }
0xa4: {  	s25 =	simm.s32 $_size_execute0_lowered;
	s0 =	sadd.s32 s0, s2;
	[dreg:$0x0] =	wrdreg $0x0  }
0xa5: {  	s2 =	sshll.u32 s25, $0x1;
	[dreg:$0x2] =	wrdreg s0  }
0xa6: {  	[dreg:$0x3] =	wrdreg s2  }
0xa7: {  	[dreg:$0x4] =	wrdreg $0xC0  }
0xa8: {  	_ =	task [dreg:s4], $0x5FFFF  }
0xa9: {  	[dreg:$0x1] =	wrdreg $0xFFFFFFFF  }
0xaa: {  	[dreg:$0x0] =	wrdreg $0x60  }
0xab: {  	[dreg:$0x2] =	wrdreg s22  }
0xac: {  	[dreg:$0x3] =	wrdreg $0x9  }
0xad: {  	_ =	task.clear_ibuf [dreg:s4], $0x4FFFF;
	_ =	strace $0x9000004C  }
0xae: {  	s26 =	simm.s32 $0x9;
	_ =	strace $0x8000004E  }
0xaf: {  	_ =	swait.ge [sflag:s26], $0x1  }
0xb0: {  	[sflag:s26] =	ssyncadd.s32 $0xFFFFFFFF  }
0xb1: {  	_ =	strace $0x9000004E  }
0xb2: {  	_ =	sfence  }
0xb3: {  	s28 =	sld [smem:$0x0];
	_ =	sdelay $0x1  }
0xb4: {  	s29 =	srdreg.scid  }
0xb5: {  	s30 =	sshll.u32 s29, $0xD;
	s31 =	sshrl.u32 s29, $0x2  }
0xb6: {  	s1 =	sand.u32 $0x1, s29;
	s2 =	sand.u32 $0x4000, s30;
	s0 =	sadd.s32 s31, s28  }
0xb7: {  	s1 =	sor.u32 s2, s1;
	s0 =	sshll.u32 s0, $0x11  }
0xb8: {  	s0 =	sor.u32 s0, s1  }
0xb9: {  	s0 =	sadd.s32 $0x8F2B, s0  }
0xba: {  	[sflag:s0] =	ssyncadd.remote.s32 $0x1  }
0xbb: {  	_ =	sfence.sel $0xFFFF  }
0xbc: {  	[dreg:$0x0] =	wrdreg $0xFFFFFFFF;
	(pc) =	sbr.abs _section_cstart, $3  }
0xbd: {  	[dreg:$0x1] =	wrdreg $0xFFFFFFFF  }
0xbe: {  	_ =	task.clear_ibuf [dreg:s4], $0x2FFFF;
	_ =	strace $0x9FFFFFFF  }
0xbf: {  	(tm) =	ssettm $0x7FFFFFFF  }
tec
execute0_lowered:
.L_overlay_start_1:
0x0: {  	(tag) =	ssettag $0x1  }
0x1: {  	s8 =	rddreg [dreg:$0x0]  }
0x2: {  	s0 =	rddreg [dreg:$0x1];
	_ =	strace $0x8000004D  }
0x3: {  	s4 =	simm.s32 $0x1;
	s1 =	stileid.u32;
	s7 =	simm.s32 $0x1  }
0x4: {  	s9 =	simm.s32 $0x1;
	s6 =	simm.s32 $0x2;
	s10 =	simm.s32 $0x3  }
0x5: {  	s13 =	simm.s32 $0x0;
	s12 =	simm.s32 $0x0;
	s2 =	sadd.s32 $0x2A400, s8  }
.Ltmp0:
0x6: {  	s3 =	sadd.s32 $0x3E200, s8;
	p0 =	slt.u32 s1, $0xA;
	(pc) =	sbr.rel .LBB2_1-.Ltmp0, $4  }
0x7: {  	[sflag:s4] =	ssyncpa.u1 $0x0;
	s7 =	simm.s32 @!p0 $0x0;
	p0 =	sne.s32 s1, $0x9  }
0x8: {  	s5 =	smul.u32 $0x6590, s1;
	[sflag:s6] =	ssyncpa.u1 $0x0;
	s9 =	simm.s32 @!p0 $0x0  }
0x9: {  	s8 =	sadd.s32 $0x102200, s8;
	[sflag:s10] =	ssyncpa.u1 $0x0;
	s7 =	sadd.s32 s9, s7  }
0xa: {  	vm0 =	vmmov $0xffff;
	s10 =	simm.s32 $0x0;
	s11 =	smov.u32 s5;
	s9 =	sadd.s32 $0x1, s7  }
.LBB2_4:
0xb: {  	v2 =	vnsel vm1, $0x0, v2  }
0xc: {  	vm1 =	vgt.s32 v0, $0x0;
	v2 =	vmin.u32 v2, $0x9EB0F  }
0xd: {  	v0 =	vnsel vm1, $0x0, v0  }
0xe: {  	v0 =	vmin.u32 v0, $0x9EB0F  }
0xf: {  	[tilespmem:s18], [sflag:$0x1] =	stream.indirect_vreg.gather [hbm4b:s2+s10], $0x1, v1, vm0, $0x4038;
	[tilespmem:$0x19640] =	vst v63  }
0x10: {  	(ifvalue) =	ssetifvalue $0x7FFFFFFF  }
0x11: {  	[tilespmem:s15], [sflag:$0x1] =	stream.indirect_vreg.gather [hbm4b:s2+s10], $0x1, v2, vm0, $0x4038;
	[tilespmem:$0x19640] =	vst v63  }
0x12: {  	s29 =	sadd.s32 $0x10, s15;
	(ifvalue) =	ssetifvalue $0x7FFFFFFF  }
0x13: {  	[tilespmem:s29], [sflag:$0x1] =	stream.indirect_vreg.gather [hbm4b:s2+s10], $0x1, v0, vm0, $0x4038;
	[tilespmem:$0x19640] =	vst v63  }
0x14: {  	_ =	swait.ge [sflag:s4], $0x6590  }
0x15: {  	s30 =	sshrl.u32 s13, $0x3;
	[sflag:s4] =	ssyncset.done $0x0  }
0x16: {  	s31 =	sand.u32 $0x7, s13;
	s15 =	sadd.s32 s8, s30;
	[sflag:s4] =	ssyncadd.s32 $0xFFFF9A70  }
0x17: {  	[hbm4b:s15+s31] =	stream.linear.scatter [tilespmem:s14], [sflag:$0x3], $0x6590, $0x38;
	[tilespmem:$0x19640] =	vst v63  }
.LBB2_5:
0x18: {  	s15 =	sadd.s32 $0x65900, s11  }
0x19: {  	p1 =	sgt.s32 s15, $0x9EB0F  }
0x1a: {  	s15 =	smov.u32 @p1 s5;
	p1 =	sne.s32 s12, s9  }
.Ltmp1:
0x1b: {  	p0 =	slt.u32 s12, $0x2;
	(pc) =	sbr.rel @!p1 .LBB2_6-.Ltmp1, $4  }
0x1c: {  	s14 =	simm.s32 @!p0 $0x3  }
0x1d: {  	_ =	swait.ge @!p0 [sflag:s14], $0x6590  }
0x1e: {  	s16 =	sadd.s32 $0x1, s12;
	s13 =	smov.u32 s11;
	[sflag:s14] =	ssyncset.done @!p0 $0x0  }
0x1f: {  	s12 =	smov.u32 s16;
	s11 =	smov.u32 s15;
	[sflag:s14] =	ssyncadd.s32 @!p0 $0xFFFF9A70  }
.LBB2_1:
0x20: {  	p0 =	sge.u32 s12, s7  }
0x21: {  	s14 =	sxor.u32 @!p0 $0x1, s12  }
0x22: {  	s14 =	smul.u32 @!p0 $0x19640, s14  }
0x23: {  	s31 =	sadd.s32 $0xFFFFFFFF, s12;
	s15 =	sshrl.u32 @!p0 s11, $0x3  }
0x24: {  	s16 =	sand.u32 @!p0 $0x7, s11;
	s15 =	sadd.s32 @!p0 s3, s15;
	s14 =	sshra.s32 @!p0 s14, $0x2  }
0x25: {  	[tilespmem:s14], [sflag:$0x2] =	stream.linear.gather @!p0 [hbm4b:s15+s16], $0x6590, $0x38;
	[tilespmem:$0x19640] =	vst v63  }
0x26: {  	p0 =	sge.u32 s31, s7  }
.Ltmp2:
0x27: {  	_ = 	snop;
	(pc) =	sbr.rel @p0 .LBB2_5-.Ltmp2, $1  }
0x28: {  	_ =	sdelay $0x3  }
0x29: {  	s14 =	sand.u32 $0x1, s12  }
0x2a: {  	_ =	swait.ge [sflag:s6], $0x6590;
	p0 =	seq.s32 s14, $0x1;
	s14 =	simm.s32 $0x6590  }
0x2b: {  	[sflag:s6] =	ssyncset.done $0x0;
	s14 =	simm.s32 @!p0 $0x0  }
0x2c: {  	[sflag:s6] =	ssyncadd.s32 $0xFFFF9A70;
	(ifvalue) =	ssetifvalue $0x7FFFFFFF;
	v0 =	vld.msk [tilespmem:s14+$0x0 ss:$0x1], $0xffff;
	_ =	sdelay $0x4  }
0x2d: {  	s15 =	sadd.s32 $0x10, s14;
	vm1 =	vgt.s32 v0, $0x0  }
0x2e: {  	v2 =	vld.msk [tilespmem:s15+$0x0 ss:$0x1], $0xffff;
	v1 =	vnsel vm1, $0x0, v0  }
0x2f: {  	v1 =	vmin.u32 v1, $0x9EB0F;
	_ =	sdelay $0x2  }
0x30: {  	s17 =	simm.s32 $0x20;
	s14 =	sadd.s32 $0xCB20, s14;
	s16 =	sadd.s32 $0x10, s15  }
0x31: {  	s15 =	sadd.s32 $0x10, s14;
	s18 =	smov.u32 s14;
	v0 =	vld.msk [tilespmem:s16+$0x0 ss:$0x1], $0xffff;
	vm1 =	vgt.s32 v2, $0x0;
	(ifvalue) =	ssetifvalue $0x7FFFFFFF  }
.LBB2_3:
0x32: {  	[tilespmem:s18], [sflag:$0x1] =	stream.indirect_vreg.gather [hbm4b:s2+s10], $0x1, v1, vm0, $0x4038;
	[tilespmem:$0x19640] =	vst v63  }
0x33: {  	s17 =	sadd.s32 $0x10, s17  }
0x34: {  	v2 =	vnsel vm1, $0x0, v2;
	p0 =	slt.u32 s17, $0x6580  }
.Ltmp3:
0x35: {  	s18 =	smov.u32 s15;
	v1 =	vmin.u32 v2, $0x9EB0F;
	(pc) =	sbr.rel @p0 .LBB2_3-.Ltmp3, $3  }
0x36: {  	_ =	sdelay $0x1  }
0x37: {  	s16 =	sadd.s32 $0x10, s16  }
0x38: {  	vm1 =	vgt.s32 v0, $0x0;
	s15 =	sadd.s32 $0x10, s15;
	v2 =	vmov v0;
	(ifvalue) =	ssetifvalue $0x7FFFFFFF;
	v0 =	vld.msk [tilespmem:s16+$0x0 ss:$0x1], $0xffff  }
.Ltmp4:
0x39: {  	_ = 	snop;
	(pc) =	sbr.rel .LBB2_4-.Ltmp4, $1  }
0x3a: {  	_ =	sdelay $0x3  }
.LBB2_6:
0x3b: {  	_ =	sfence.sel $0x180000  }
0x3c: {  	s2 =	simm.s32 $0x2;
	[bflag:$0x0] =	sbarrier.arrive $0xFFFF  }
0x3d: {  	s30 =	simm.s32 $0x3;
	[sflag:s2] =	ssyncpa.u1 $0x1  }
0x3e: {  	s31 =	simm.s32 $0x1;
	[sflag:s30] =	ssyncpa.u1 $0x1  }
0x3f: {  	[sflag:s31] =	ssyncpa.u1 $0x1  }
0x40: {  	p0 =	sne.s32 s1, $0x0;
	_ =	strace $0x9000004D  }
0x41: {  	s0 =	sadd.s32 @!p0 $0x100000, s0;
	[bflag:$0x2] =	sbarrier.arrive $0xFFFF  }
0x42: {  	[sflag:s0] =	ssyncadd.tile.s32 @!p0 $0x1;
	_ =	shalt  }
.Lfunc_end2:
_tile_overlayer_lowered:
.L_overlay_start_2:
0x43: {  	(tag) =	ssettag $0x2  }
0x44: {  	s0 =	rddreg [dreg:$0x0];
	s2 =	stileid.u32  }
0x45: {  	s1 =	rddreg [dreg:$0x1];
	p0 =	sne.s32 s2, $0x0  }
0x46: {  	s3 =	rddreg [dreg:$0x2];
	[bflag:$0x3] =	sbarrier.arrive $0xFFFF;
	s2 =	simm.s32 @!p0 $0x1C01  }
0x47: {  	[timem:s3], [sflag:s2] =	dma.local @!p0 [hbm:s0], s1  }
0x48: {  	s0 =	simm.s32 @!p0 $0x1  }
0x49: {  	_ =	swait.ge @!p0 [sflag:s0], s1  }
0x4a: {  	s1 =	ssub.s32 @!p0 $0x0, s1;
	[sflag:s0] =	ssyncset.done @!p0 $0x0  }
0x4b: {  	[sflag:s0] =	ssyncadd.s32 @!p0 s1  }
0x4c: {  	[bflag:$0x3] =	sbarrier.arrive $0xFFFF  }
0x4d: {  	_ =	shalt  }

// kernel: gather_offload_async_start
scs
__scs_entry_jumppad:
0x0: {  	(pc) =	sbr.rel $0x88, $3  }
0x1: {  	(tag) =	ssettag $0x0;
	lr =	simm.s32 $0x1  }
0x2: {  	[smem:$0x3F8A] =	sst lr;
	_ =	strace $0xD0000000  }
0x3: {  	_ = 	snop  }
0x4: {  	_ = 	snop  }
0x5: {  	_ = 	snop  }
0x6: {  	_ = 	snop  }
0x7: {  	_ = 	snop  }
__scs_overlays_trampoline_lowered:
0x8: {  	[smem:$0x3F99] =	sst s0  }
0x9: {  	[smem:$0x3F9A] =	sst s1  }
0xa: {  	[smem:$0x3F9B] =	sst s2  }
0xb: {  	[smem:$0x3F9C] =	sst s3  }
0xc: {  	[smem:$0x3F9D] =	sst s4  }
0xd: {  	[smem:$0x3F9E] =	sst s5  }
0xe: {  	[smem:$0x3F9F] =	sst s6  }
0xf: {  	[smem:$0x3FA0] =	sst s7  }
0x10: {  	[smem:$0x3FA1] =	sst s8  }
0x11: {  	[smem:$0x3FA2] =	sst s9;
	s0 =	simm.s32 @!p0 $0x0  }
0x12: {  	s1 =	sld [smem:$0x3F88];
	s0 =	simm.s32 @p0 $0x1  }
0x13: {  	[smem:$0x3FA3] =	sst s0;
	s0 =	simm.s32 @!p1 $0x0  }
0x14: {  	s2 =	sld [smem:$0x3F87];
	s0 =	simm.s32 @p1 $0x1  }
0x15: {  	[smem:$0x3FA4] =	sst s0;
	s0 =	simm.s32 @!p2 $0x0  }
0x16: {  	s3 =	sld [smem:$0x3FDB];
	s0 =	simm.s32 @p2 $0x1  }
0x17: {  	s4 =	simm.s32 $0x1BF5;
	[smem:$0x3FA6] =	sst s0  }
0x18: {  	s0 =	sld [smem:$0x3F89];
	_ =	swait.ge [sflag:s4], $0x0  }
0x19: {  	s7 =	sld [smem:$0x3F8A]  }
0x1a: {  	s8 =	sadd.s32 $0xFFFFE003, lr  }
0x1b: {  	s9 =	sadd.s32 $0xFFFFFEF7, lr;
	s5 =	simm.s32 $0xFFFFFFFF;
	p2 =	slt.u32 s8, $0xFFFFF086  }
0x1c: {  	p1 =	slt.u32 s9, $0xF7A;
	s5 =	simm.s32 @!p2 $0x0  }
0x1d: {  	s5 =	simm.s32 @p1 $0x1;
	p0 =	seq.s32 s7, s2  }
0x1e: {  	s7 =	smul.u32 @!p0 $0xF7A, s2;
	p2 =	seq.s32 @!p0 s5, $0x0  }
0x1f: {  	s9 =	smul.u32 $0xF7A, s1;
	s8 =	simm.s32 @!p0 $0x1BF5;
	p2 =	por !p2, p0  }
0x20: {  	[sflag:s8] =	ssyncset.s32 @!p0 $0xFFFFF086;
	s6 =	sadd.s32 @!p0 s3, s7;
	s7 =	simm.s32 @!p0 $0x108  }
0x21: {  	s3 =	sadd.s32 s3, s9;
	s6 =	sadd.s32 @!p0 $0x88, s6;
	s7 =	simm.s32 @p2 $0x1082  }
0x22: {  	[simem:s7], [sflag:s8] =	dma.local @!p0 [hbm:s6], $0xF7A  }
0x23: {  	s9 =	sor.u32 $0xD0000000, s2;
	s6 =	simm.s32 $0x108;
	_ =	swait.ge @!p0 [sflag:s8], $0x0  }
0x24: {  	s3 =	sadd.s32 $0x88, s3;
	s6 =	simm.s32 @!p1 $0x1082;
	[sflag:s4] =	ssyncset.s32 $0xFFFFF086  }
0x25: {  	[simem:s6], [sflag:s4] =	dma.local [hbm:s3], $0xF7A  }
0x26: {  	[smem:$0x3F8A] =	sst s1;
	(tag) =	ssettag s2;
	_ =	strace s9  }
0x27: {  	s1 =	sld [smem:$0x3F9A]  }
0x28: {  	s2 =	sld [smem:$0x3F9B]  }
0x29: {  	s4 =	sld [smem:$0x3F9D]  }
0x2a: {  	p0 =	seq.s32 s5, $0x0;
	s5 =	sld [smem:$0x3F9E]  }
0x2b: {  	s6 =	sld [smem:$0x3F9F]  }
0x2c: {  	s7 =	sld [smem:$0x3FA0]  }
0x2d: {  	s3 =	simm.s32 $0x108;
	s8 =	sld [smem:$0x3FA1]  }
0x2e: {  	s3 =	simm.s32 @!p0 $0x1082;
	s9 =	sld [smem:$0x3FA2]  }
0x2f: {  	lr =	sadd.s32 s0, s3;
	s0 =	sld [smem:$0x3F99]  }
0x30: {  	s3 =	sld [smem:$0x3F9C]  }
0x31: {  	[smem:$0x3FA5] =	sst s10  }
0x32: {  	s10 =	sld [smem:$0x3FA3];
	_ =	sdelay $0x3  }
0x33: {  	p0 =	seq.s32 s10, $0x1;
	s10 =	sld [smem:$0x3FA5];
	_ =	sdelay $0x3  }
0x34: {  	[smem:$0x3FA5] =	sst s10  }
0x35: {  	s10 =	sld [smem:$0x3FA4];
	_ =	sdelay $0x3  }
0x36: {  	p1 =	seq.s32 s10, $0x1;
	s10 =	sld [smem:$0x3FA5];
	_ =	sdelay $0x3  }
0x37: {  	[smem:$0x3FA5] =	sst s10  }
0x38: {  	s10 =	sld [smem:$0x3FA6]  }
0x39: {  	_ = 	snop;
	(pc) =	sbr.ind lr, $3  }
0x3a: {  	_ = 	snop  }
0x3b: {  	_ = 	snop  }
0x3c: {  	p2 =	seq.s32 s10, $0x1;
	s10 =	sld [smem:$0x3FA5]  }
0x3d: {  	_ =	shalt  }
0x3e: {  	_ =	shalt  }
0x3f: {  	_ =	shalt  }
0x40: {  	_ =	shalt  }
0x41: {  	_ =	shalt  }
0x42: {  	_ =	shalt  }
0x43: {  	_ =	shalt  }
0x44: {  	_ =	shalt  }
0x45: {  	_ =	shalt  }
0x46: {  	_ =	shalt  }
0x47: {  	_ =	shalt  }
0x48: {  	_ =	shalt  }
0x49: {  	_ =	shalt  }
0x4a: {  	_ =	shalt  }
0x4b: {  	_ =	shalt  }
0x4c: {  	_ =	shalt  }
0x4d: {  	_ =	shalt  }
0x4e: {  	_ =	shalt  }
0x4f: {  	_ =	shalt  }
0x50: {  	_ =	shalt  }
0x51: {  	_ =	shalt  }
0x52: {  	_ =	shalt  }
0x53: {  	_ =	shalt  }
0x54: {  	_ =	shalt  }
0x55: {  	_ =	shalt  }
0x56: {  	_ =	shalt  }
0x57: {  	_ =	shalt  }
0x58: {  	_ =	shalt  }
0x59: {  	_ =	shalt  }
0x5a: {  	_ =	shalt  }
0x5b: {  	_ =	shalt  }
0x5c: {  	_ =	shalt  }
0x5d: {  	_ =	shalt  }
0x5e: {  	_ =	shalt  }
0x5f: {  	_ =	shalt  }
0x60: {  	_ =	shalt  }
0x61: {  	_ =	shalt  }
0x62: {  	_ =	shalt  }
0x63: {  	_ =	shalt  }
0x64: {  	_ =	shalt  }
0x65: {  	_ =	shalt  }
0x66: {  	_ =	shalt  }
0x67: {  	_ =	shalt  }
0x68: {  	_ =	shalt  }
0x69: {  	_ =	shalt  }
0x6a: {  	_ =	shalt  }
0x6b: {  	_ =	shalt  }
0x6c: {  	_ =	shalt  }
0x6d: {  	_ =	shalt  }
0x6e: {  	_ =	shalt  }
0x6f: {  	_ =	shalt  }
0x70: {  	_ =	shalt  }
0x71: {  	_ =	shalt  }
0x72: {  	_ =	shalt  }
0x73: {  	_ =	shalt  }
0x74: {  	_ =	shalt  }
0x75: {  	_ =	shalt  }
0x76: {  	_ =	shalt  }
0x77: {  	_ =	shalt  }
0x78: {  	_ =	shalt  }
0x79: {  	_ =	shalt  }
0x7a: {  	_ =	shalt  }
0x7b: {  	_ =	shalt  }
0x7c: {  	_ =	shalt  }
0x7d: {  	_ =	shalt  }
0x7e: {  	_ =	shalt  }
0x7f: {  	_ =	shalt  }
0x80: {  	_ =	shalt  }
0x81: {  	_ =	shalt  }
0x82: {  	_ =	shalt  }
0x83: {  	_ =	shalt  }
0x84: {  	_ =	shalt  }
0x85: {  	_ =	shalt  }
0x86: {  	_ =	shalt  }
0x87: {  	_ =	shalt  }
.Lfunc_end0:
.L_simem_size_0:
called_computation.2_lowered:
.L_overlay_start_0:
0x88: {  	s0 =	sld [smem:$0x3FD9]  }
0x89: {  	s1 =	sld [smem:$0x3FFE];
	_ =	sdelay $0x3  }
0x8a: {  	s0 =	sadd.s32 s1, s0  }
0x8b: {  	[smem:$0x3FB1] =	sst s0  }
0x8c: {  	_ = 	snop  }
0x8d: {  	(tm) =	ssettm $0x1  }
0x8e: {  	s15 =	sld [smem:$0x3FFB];
	_ =	sdelay $0x3  }
0x8f: {  	_ =	strace s15  }
0x90: {  	s0 =	sld [smem:$0x3FFC];
	_ =	sdelay $0x3  }
0x91: {  	_ =	strace s0  }
0x92: {  	s0 =	sld [smem:$0x3FFD];
	_ =	sdelay $0x3  }
0x93: {  	_ =	strace s0  }
0x94: {  	_ =	strace $0x8FFFFFFF  }
0x95: {  	s16 =	sld [smem:$0x3FDB];
	_ =	sdelay $0x1  }
0x96: {  	s17 =	simm.s32 $_scs_section_size  }
0x97: {  	s2 =	simm.s32 $_size__tile_overlayer_lowered;
	s3 =	simm.s32 $_tile_overlayer_lowered  }
0x98: {  	s20 =	simm.s32 $0x1BFF;
	s19 =	sshll.u32 s3, $0x1;
	s0 =	sadd.s32 s17, s16  }
0x99: {  	s4 =	simm.s32 $0x0;
	s18 =	sshll.u32 s2, $0x1;
	s2 =	sadd.s32 s19, s0  }
0x9a: {  	[timem:s4], [sflag:s20] =	dma.local [hbm:s2], s18  }
0x9b: {  	_ =	swait.ge [sflag:s20], s18  }
0x9c: {  	s1 =	ssub.s32 $0x0, s18;
	[sflag:s20] =	ssyncset.done $0x0  }
0x9d: {  	[sflag:s20] =	ssyncadd.s32 s1;
	_ =	sdelay $0x1  }
0x9e: {  	s21 =	simm.s32 $0x1B8B  }
0x9f: {  	_ =	swait.ge [sflag:s21], $0x1  }
0xa0: {  	[sflag:s21] =	ssyncset.done $0x0  }
0xa1: {  	s23 =	simm.s32 $0x1B8E;
	s22 =	sld [smem:$0x3FFE];
	[sflag:s21] =	ssyncadd.s32 $0xFFFFFFFF  }
0xa2: {  	s24 =	simm.s32 $execute0_lowered;
	[smem:$0x3FD2] =	sst s23  }
0xa3: {  	s2 =	sshll.u32 s24, $0x1;
	_ =	strace $0x80000049;
	[dreg:$0x1] =	wrdreg $0xFFFFFFFF  }
0xa4: {  	s25 =	simm.s32 $_size_execute0_lowered;
	s0 =	sadd.s32 s0, s2;
	[dreg:$0x0] =	wrdreg $0x0  }
0xa5: {  	s2 =	sshll.u32 s25, $0x1;
	[dreg:$0x2] =	wrdreg s0  }
0xa6: {  	[dreg:$0x3] =	wrdreg s2  }
0xa7: {  	[dreg:$0x4] =	wrdreg $0xC0  }
0xa8: {  	_ =	task [dreg:s4], $0x5FFFF  }
0xa9: {  	[dreg:$0x1] =	wrdreg $0xFFFFFFFF  }
0xaa: {  	[dreg:$0x0] =	wrdreg $0x60  }
0xab: {  	[dreg:$0x2] =	wrdreg s22  }
0xac: {  	[dreg:$0x3] =	wrdreg $0x9  }
0xad: {  	_ =	task.clear_ibuf [dreg:s4], $0x4FFFF;
	_ =	strace $0x90000049  }
0xae: {  	s26 =	simm.s32 $0x9;
	_ =	strace $0x8000004B  }
0xaf: {  	_ =	swait.ge [sflag:s26], $0x1  }
0xb0: {  	[sflag:s26] =	ssyncadd.s32 $0xFFFFFFFF  }
0xb1: {  	_ =	strace $0x9000004B  }
0xb2: {  	_ =	sfence  }
0xb3: {  	s28 =	sld [smem:$0x0];
	_ =	sdelay $0x1  }
0xb4: {  	s29 =	srdreg.scid  }
0xb5: {  	s30 =	sshll.u32 s29, $0xD;
	s31 =	sshrl.u32 s29, $0x2  }
0xb6: {  	s1 =	sand.u32 $0x1, s29;
	s2 =	sand.u32 $0x4000, s30;
	s0 =	sadd.s32 s31, s28  }
0xb7: {  	s1 =	sor.u32 s2, s1;
	s0 =	sshll.u32 s0, $0x11  }
0xb8: {  	s0 =	sor.u32 s0, s1  }
0xb9: {  	s0 =	sadd.s32 $0x8F2B, s0  }
0xba: {  	[sflag:s0] =	ssyncadd.remote.s32 $0x1  }
0xbb: {  	_ =	sfence.sel $0xFFFF  }
0xbc: {  	[dreg:$0x0] =	wrdreg $0xFFFFFFFF;
	(pc) =	sbr.abs _section_cstart, $3  }
0xbd: {  	[dreg:$0x1] =	wrdreg $0xFFFFFFFF  }
0xbe: {  	_ =	task.clear_ibuf [dreg:s4], $0x2FFFF;
	_ =	strace $0x9FFFFFFF  }
0xbf: {  	(tm) =	ssettm $0x7FFFFFFF  }
tec
execute0_lowered:
.L_overlay_start_1:
0x0: {  	(tag) =	ssettag $0x1  }
0x1: {  	s8 =	rddreg [dreg:$0x0]  }
0x2: {  	s0 =	rddreg [dreg:$0x1];
	_ =	strace $0x8000004A  }
0x3: {  	s4 =	simm.s32 $0x1;
	s1 =	stileid.u32;
	s7 =	simm.s32 $0x1  }
0x4: {  	s9 =	simm.s32 $0x1;
	s6 =	simm.s32 $0x2;
	s10 =	simm.s32 $0x3  }
0x5: {  	s13 =	simm.s32 $0x0;
	s12 =	simm.s32 $0x0;
	s2 =	sadd.s32 $0x16600, s8  }
.Ltmp0:
0x6: {  	s3 =	sadd.s32 $0x3E200, s8;
	p0 =	slt.u32 s1, $0xA;
	(pc) =	sbr.rel .LBB2_1-.Ltmp0, $4  }
0x7: {  	[sflag:s4] =	ssyncpa.u1 $0x0;
	s7 =	simm.s32 @!p0 $0x0;
	p0 =	sne.s32 s1, $0x9  }
0x8: {  	s5 =	smul.u32 $0x6590, s1;
	[sflag:s6] =	ssyncpa.u1 $0x0;
	s9 =	simm.s32 @!p0 $0x0  }
0x9: {  	s8 =	sadd.s32 $0x150600, s8;
	[sflag:s10] =	ssyncpa.u1 $0x0;
	s7 =	sadd.s32 s9, s7  }
0xa: {  	vm0 =	vmmov $0xffff;
	s10 =	simm.s32 $0x0;
	s11 =	smov.u32 s5;
	s9 =	sadd.s32 $0x1, s7  }
.LBB2_4:
0xb: {  	v2 =	vnsel vm1, $0x0, v2  }
0xc: {  	vm1 =	vgt.s32 v0, $0x0;
	v2 =	vmin.u32 v2, $0x9EB0F  }
0xd: {  	v0 =	vnsel vm1, $0x0, v0  }
0xe: {  	v0 =	vmin.u32 v0, $0x9EB0F  }
0xf: {  	[tilespmem:s18], [sflag:$0x1] =	stream.indirect_vreg.gather [hbm4b:s2+s10], $0x1, v1, vm0, $0x4038;
	[tilespmem:$0x19640] =	vst v63  }
0x10: {  	(ifvalue) =	ssetifvalue $0x7FFFFFFF  }
0x11: {  	[tilespmem:s15], [sflag:$0x1] =	stream.indirect_vreg.gather [hbm4b:s2+s10], $0x1, v2, vm0, $0x4038;
	[tilespmem:$0x19640] =	vst v63  }
0x12: {  	s29 =	sadd.s32 $0x10, s15;
	(ifvalue) =	ssetifvalue $0x7FFFFFFF  }
0x13: {  	[tilespmem:s29], [sflag:$0x1] =	stream.indirect_vreg.gather [hbm4b:s2+s10], $0x1, v0, vm0, $0x4038;
	[tilespmem:$0x19640] =	vst v63  }
0x14: {  	_ =	swait.ge [sflag:s4], $0x6590  }
0x15: {  	s30 =	sshrl.u32 s13, $0x3;
	[sflag:s4] =	ssyncset.done $0x0  }
0x16: {  	s31 =	sand.u32 $0x7, s13;
	s15 =	sadd.s32 s8, s30;
	[sflag:s4] =	ssyncadd.s32 $0xFFFF9A70  }
0x17: {  	[hbm4b:s15+s31] =	stream.linear.scatter [tilespmem:s14], [sflag:$0x3], $0x6590, $0x38;
	[tilespmem:$0x19640] =	vst v63  }
.LBB2_5:
0x18: {  	s15 =	sadd.s32 $0x65900, s11  }
0x19: {  	p1 =	sgt.s32 s15, $0x9EB0F  }
0x1a: {  	s15 =	smov.u32 @p1 s5;
	p1 =	sne.s32 s12, s9  }
.Ltmp1:
0x1b: {  	p0 =	slt.u32 s12, $0x2;
	(pc) =	sbr.rel @!p1 .LBB2_6-.Ltmp1, $4  }
0x1c: {  	s14 =	simm.s32 @!p0 $0x3  }
0x1d: {  	_ =	swait.ge @!p0 [sflag:s14], $0x6590  }
0x1e: {  	s16 =	sadd.s32 $0x1, s12;
	s13 =	smov.u32 s11;
	[sflag:s14] =	ssyncset.done @!p0 $0x0  }
0x1f: {  	s12 =	smov.u32 s16;
	s11 =	smov.u32 s15;
	[sflag:s14] =	ssyncadd.s32 @!p0 $0xFFFF9A70  }
.LBB2_1:
0x20: {  	p0 =	sge.u32 s12, s7  }
0x21: {  	s14 =	sxor.u32 @!p0 $0x1, s12  }
0x22: {  	s14 =	smul.u32 @!p0 $0x19640, s14  }
0x23: {  	s31 =	sadd.s32 $0xFFFFFFFF, s12;
	s15 =	sshrl.u32 @!p0 s11, $0x3  }
0x24: {  	s16 =	sand.u32 @!p0 $0x7, s11;
	s15 =	sadd.s32 @!p0 s3, s15;
	s14 =	sshra.s32 @!p0 s14, $0x2  }
0x25: {  	[tilespmem:s14], [sflag:$0x2] =	stream.linear.gather @!p0 [hbm4b:s15+s16], $0x6590, $0x38;
	[tilespmem:$0x19640] =	vst v63  }
0x26: {  	p0 =	sge.u32 s31, s7  }
.Ltmp2:
0x27: {  	_ = 	snop;
	(pc) =	sbr.rel @p0 .LBB2_5-.Ltmp2, $1  }
0x28: {  	_ =	sdelay $0x3  }
0x29: {  	s14 =	sand.u32 $0x1, s12  }
0x2a: {  	_ =	swait.ge [sflag:s6], $0x6590;
	p0 =	seq.s32 s14, $0x1;
	s14 =	simm.s32 $0x6590  }
0x2b: {  	[sflag:s6] =	ssyncset.done $0x0;
	s14 =	simm.s32 @!p0 $0x0  }
0x2c: {  	[sflag:s6] =	ssyncadd.s32 $0xFFFF9A70;
	(ifvalue) =	ssetifvalue $0x7FFFFFFF;
	v0 =	vld.msk [tilespmem:s14+$0x0 ss:$0x1], $0xffff;
	_ =	sdelay $0x4  }
0x2d: {  	s15 =	sadd.s32 $0x10, s14;
	vm1 =	vgt.s32 v0, $0x0  }
0x2e: {  	v2 =	vld.msk [tilespmem:s15+$0x0 ss:$0x1], $0xffff;
	v1 =	vnsel vm1, $0x0, v0  }
0x2f: {  	v1 =	vmin.u32 v1, $0x9EB0F;
	_ =	sdelay $0x2  }
0x30: {  	s17 =	simm.s32 $0x20;
	s14 =	sadd.s32 $0xCB20, s14;
	s16 =	sadd.s32 $0x10, s15  }
0x31: {  	s15 =	sadd.s32 $0x10, s14;
	s18 =	smov.u32 s14;
	v0 =	vld.msk [tilespmem:s16+$0x0 ss:$0x1], $0xffff;
	vm1 =	vgt.s32 v2, $0x0;
	(ifvalue) =	ssetifvalue $0x7FFFFFFF  }
.LBB2_3:
0x32: {  	[tilespmem:s18], [sflag:$0x1] =	stream.indirect_vreg.gather [hbm4b:s2+s10], $0x1, v1, vm0, $0x4038;
	[tilespmem:$0x19640] =	vst v63  }
0x33: {  	s17 =	sadd.s32 $0x10, s17  }
0x34: {  	v2 =	vnsel vm1, $0x0, v2;
	p0 =	slt.u32 s17, $0x6580  }
.Ltmp3:
0x35: {  	s18 =	smov.u32 s15;
	v1 =	vmin.u32 v2, $0x9EB0F;
	(pc) =	sbr.rel @p0 .LBB2_3-.Ltmp3, $3  }
0x36: {  	_ =	sdelay $0x1  }
0x37: {  	s16 =	sadd.s32 $0x10, s16  }
0x38: {  	vm1 =	vgt.s32 v0, $0x0;
	s15 =	sadd.s32 $0x10, s15;
	v2 =	vmov v0;
	(ifvalue) =	ssetifvalue $0x7FFFFFFF;
	v0 =	vld.msk [tilespmem:s16+$0x0 ss:$0x1], $0xffff  }
.Ltmp4:
0x39: {  	_ = 	snop;
	(pc) =	sbr.rel .LBB2_4-.Ltmp4, $1  }
0x3a: {  	_ =	sdelay $0x3  }
.LBB2_6:
0x3b: {  	_ =	sfence.sel $0x180000  }
0x3c: {  	s2 =	simm.s32 $0x2;
	[bflag:$0x0] =	sbarrier.arrive $0xFFFF  }
0x3d: {  	s30 =	simm.s32 $0x3;
	[sflag:s2] =	ssyncpa.u1 $0x1  }
0x3e: {  	s31 =	simm.s32 $0x1;
	[sflag:s30] =	ssyncpa.u1 $0x1  }
0x3f: {  	[sflag:s31] =	ssyncpa.u1 $0x1  }
0x40: {  	p0 =	sne.s32 s1, $0x0;
	_ =	strace $0x9000004A  }
0x41: {  	s0 =	sadd.s32 @!p0 $0x100000, s0;
	[bflag:$0x2] =	sbarrier.arrive $0xFFFF  }
0x42: {  	[sflag:s0] =	ssyncadd.tile.s32 @!p0 $0x1;
	_ =	shalt  }
.Lfunc_end2:
_tile_overlayer_lowered:
.L_overlay_start_2:
0x43: {  	(tag) =	ssettag $0x2  }
0x44: {  	s0 =	rddreg [dreg:$0x0];
	s2 =	stileid.u32  }
0x45: {  	s1 =	rddreg [dreg:$0x1];
	p0 =	sne.s32 s2, $0x0  }
0x46: {  	s3 =	rddreg [dreg:$0x2];
	[bflag:$0x3] =	sbarrier.arrive $0xFFFF;
	s2 =	simm.s32 @!p0 $0x1C01  }
0x47: {  	[timem:s3], [sflag:s2] =	dma.local @!p0 [hbm:s0], s1  }
0x48: {  	s0 =	simm.s32 @!p0 $0x1  }
0x49: {  	_ =	swait.ge @!p0 [sflag:s0], s1  }
0x4a: {  	s1 =	ssub.s32 @!p0 $0x0, s1;
	[sflag:s0] =	ssyncset.done @!p0 $0x0  }
0x4b: {  	[sflag:s0] =	ssyncadd.s32 @!p0 s1  }
0x4c: {  	[bflag:$0x3] =	sbarrier.arrive $0xFFFF  }
0x4d: {  	_ =	shalt  }

// kernel: scatter_offload_async_start.1
scs
__scs_entry_jumppad:
0x0: {  	(pc) =	sbr.rel $0x88, $3  }
0x1: {  	(tag) =	ssettag $0x0;
	lr =	simm.s32 $0x1  }
0x2: {  	[smem:$0x3F8A] =	sst lr;
	_ =	strace $0xD0000000  }
0x3: {  	_ = 	snop  }
0x4: {  	_ = 	snop  }
0x5: {  	_ = 	snop  }
0x6: {  	_ = 	snop  }
0x7: {  	_ = 	snop  }
__scs_overlays_trampoline_lowered:
0x8: {  	[smem:$0x3F99] =	sst s0  }
0x9: {  	[smem:$0x3F9A] =	sst s1  }
0xa: {  	[smem:$0x3F9B] =	sst s2  }
0xb: {  	[smem:$0x3F9C] =	sst s3  }
0xc: {  	[smem:$0x3F9D] =	sst s4  }
0xd: {  	[smem:$0x3F9E] =	sst s5  }
0xe: {  	[smem:$0x3F9F] =	sst s6  }
0xf: {  	[smem:$0x3FA0] =	sst s7  }
0x10: {  	[smem:$0x3FA1] =	sst s8  }
0x11: {  	[smem:$0x3FA2] =	sst s9;
	s0 =	simm.s32 @!p0 $0x0  }
0x12: {  	s1 =	sld [smem:$0x3F88];
	s0 =	simm.s32 @p0 $0x1  }
0x13: {  	[smem:$0x3FA3] =	sst s0;
	s0 =	simm.s32 @!p1 $0x0  }
0x14: {  	s2 =	sld [smem:$0x3F87];
	s0 =	simm.s32 @p1 $0x1  }
0x15: {  	[smem:$0x3FA4] =	sst s0;
	s0 =	simm.s32 @!p2 $0x0  }
0x16: {  	s3 =	sld [smem:$0x3FDB];
	s0 =	simm.s32 @p2 $0x1  }
0x17: {  	s4 =	simm.s32 $0x1BF5;
	[smem:$0x3FA6] =	sst s0  }
0x18: {  	s0 =	sld [smem:$0x3F89];
	_ =	swait.ge [sflag:s4], $0x0  }
0x19: {  	s7 =	sld [smem:$0x3F8A]  }
0x1a: {  	s8 =	sadd.s32 $0xFFFFE003, lr  }
0x1b: {  	s9 =	sadd.s32 $0xFFFFFEF7, lr;
	s5 =	simm.s32 $0xFFFFFFFF;
	p2 =	slt.u32 s8, $0xFFFFF086  }
0x1c: {  	p1 =	slt.u32 s9, $0xF7A;
	s5 =	simm.s32 @!p2 $0x0  }
0x1d: {  	s5 =	simm.s32 @p1 $0x1;
	p0 =	seq.s32 s7, s2  }
0x1e: {  	s7 =	smul.u32 @!p0 $0xF7A, s2;
	p2 =	seq.s32 @!p0 s5, $0x0  }
0x1f: {  	s9 =	smul.u32 $0xF7A, s1;
	s8 =	simm.s32 @!p0 $0x1BF5;
	p2 =	por !p2, p0  }
0x20: {  	[sflag:s8] =	ssyncset.s32 @!p0 $0xFFFFF086;
	s6 =	sadd.s32 @!p0 s3, s7;
	s7 =	simm.s32 @!p0 $0x108  }
0x21: {  	s3 =	sadd.s32 s3, s9;
	s6 =	sadd.s32 @!p0 $0x88, s6;
	s7 =	simm.s32 @p2 $0x1082  }
0x22: {  	[simem:s7], [sflag:s8] =	dma.local @!p0 [hbm:s6], $0xF7A  }
0x23: {  	s9 =	sor.u32 $0xD0000000, s2;
	s6 =	simm.s32 $0x108;
	_ =	swait.ge @!p0 [sflag:s8], $0x0  }
0x24: {  	s3 =	sadd.s32 $0x88, s3;
	s6 =	simm.s32 @!p1 $0x1082;
	[sflag:s4] =	ssyncset.s32 $0xFFFFF086  }
0x25: {  	[simem:s6], [sflag:s4] =	dma.local [hbm:s3], $0xF7A  }
0x26: {  	[smem:$0x3F8A] =	sst s1;
	(tag) =	ssettag s2;
	_ =	strace s9  }
0x27: {  	s1 =	sld [smem:$0x3F9A]  }
0x28: {  	s2 =	sld [smem:$0x3F9B]  }
0x29: {  	s4 =	sld [smem:$0x3F9D]  }
0x2a: {  	p0 =	seq.s32 s5, $0x0;
	s5 =	sld [smem:$0x3F9E]  }
0x2b: {  	s6 =	sld [smem:$0x3F9F]  }
0x2c: {  	s7 =	sld [smem:$0x3FA0]  }
0x2d: {  	s3 =	simm.s32 $0x108;
	s8 =	sld [smem:$0x3FA1]  }
0x2e: {  	s3 =	simm.s32 @!p0 $0x1082;
	s9 =	sld [smem:$0x3FA2]  }
0x2f: {  	lr =	sadd.s32 s0, s3;
	s0 =	sld [smem:$0x3F99]  }
0x30: {  	s3 =	sld [smem:$0x3F9C]  }
0x31: {  	[smem:$0x3FA5] =	sst s10  }
0x32: {  	s10 =	sld [smem:$0x3FA3];
	_ =	sdelay $0x3  }
0x33: {  	p0 =	seq.s32 s10, $0x1;
	s10 =	sld [smem:$0x3FA5];
	_ =	sdelay $0x3  }
0x34: {  	[smem:$0x3FA5] =	sst s10  }
0x35: {  	s10 =	sld [smem:$0x3FA4];
	_ =	sdelay $0x3  }
0x36: {  	p1 =	seq.s32 s10, $0x1;
	s10 =	sld [smem:$0x3FA5];
	_ =	sdelay $0x3  }
0x37: {  	[smem:$0x3FA5] =	sst s10  }
0x38: {  	s10 =	sld [smem:$0x3FA6]  }
0x39: {  	_ = 	snop;
	(pc) =	sbr.ind lr, $3  }
0x3a: {  	_ = 	snop  }
0x3b: {  	_ = 	snop  }
0x3c: {  	p2 =	seq.s32 s10, $0x1;
	s10 =	sld [smem:$0x3FA5]  }
0x3d: {  	_ =	shalt  }
0x3e: {  	_ =	shalt  }
0x3f: {  	_ =	shalt  }
0x40: {  	_ =	shalt  }
0x41: {  	_ =	shalt  }
0x42: {  	_ =	shalt  }
0x43: {  	_ =	shalt  }
0x44: {  	_ =	shalt  }
0x45: {  	_ =	shalt  }
0x46: {  	_ =	shalt  }
0x47: {  	_ =	shalt  }
0x48: {  	_ =	shalt  }
0x49: {  	_ =	shalt  }
0x4a: {  	_ =	shalt  }
0x4b: {  	_ =	shalt  }
0x4c: {  	_ =	shalt  }
0x4d: {  	_ =	shalt  }
0x4e: {  	_ =	shalt  }
0x4f: {  	_ =	shalt  }
0x50: {  	_ =	shalt  }
0x51: {  	_ =	shalt  }
0x52: {  	_ =	shalt  }
0x53: {  	_ =	shalt  }
0x54: {  	_ =	shalt  }
0x55: {  	_ =	shalt  }
0x56: {  	_ =	shalt  }
0x57: {  	_ =	shalt  }
0x58: {  	_ =	shalt  }
0x59: {  	_ =	shalt  }
0x5a: {  	_ =	shalt  }
0x5b: {  	_ =	shalt  }
0x5c: {  	_ =	shalt  }
0x5d: {  	_ =	shalt  }
0x5e: {  	_ =	shalt  }
0x5f: {  	_ =	shalt  }
0x60: {  	_ =	shalt  }
0x61: {  	_ =	shalt  }
0x62: {  	_ =	shalt  }
0x63: {  	_ =	shalt  }
0x64: {  	_ =	shalt  }
0x65: {  	_ =	shalt  }
0x66: {  	_ =	shalt  }
0x67: {  	_ =	shalt  }
0x68: {  	_ =	shalt  }
0x69: {  	_ =	shalt  }
0x6a: {  	_ =	shalt  }
0x6b: {  	_ =	shalt  }
0x6c: {  	_ =	shalt  }
0x6d: {  	_ =	shalt  }
0x6e: {  	_ =	shalt  }
0x6f: {  	_ =	shalt  }
0x70: {  	_ =	shalt  }
0x71: {  	_ =	shalt  }
0x72: {  	_ =	shalt  }
0x73: {  	_ =	shalt  }
0x74: {  	_ =	shalt  }
0x75: {  	_ =	shalt  }
0x76: {  	_ =	shalt  }
0x77: {  	_ =	shalt  }
0x78: {  	_ =	shalt  }
0x79: {  	_ =	shalt  }
0x7a: {  	_ =	shalt  }
0x7b: {  	_ =	shalt  }
0x7c: {  	_ =	shalt  }
0x7d: {  	_ =	shalt  }
0x7e: {  	_ =	shalt  }
0x7f: {  	_ =	shalt  }
0x80: {  	_ =	shalt  }
0x81: {  	_ =	shalt  }
0x82: {  	_ =	shalt  }
0x83: {  	_ =	shalt  }
0x84: {  	_ =	shalt  }
0x85: {  	_ =	shalt  }
0x86: {  	_ =	shalt  }
0x87: {  	_ =	shalt  }
.Lfunc_end0:
.L_simem_size_0:
called_computation.1_lowered:
.L_overlay_start_0:
0x88: {  	s0 =	sld [smem:$0x3FD9]  }
0x89: {  	s1 =	sld [smem:$0x3FFE];
	_ =	sdelay $0x3  }
0x8a: {  	s0 =	sadd.s32 s1, s0  }
0x8b: {  	[smem:$0x3FB1] =	sst s0  }
0x8c: {  	_ = 	snop  }
0x8d: {  	(tm) =	ssettm $0x1  }
0x8e: {  	s15 =	sld [smem:$0x3FFB];
	_ =	sdelay $0x3  }
0x8f: {  	_ =	strace s15  }
0x90: {  	s0 =	sld [smem:$0x3FFC];
	_ =	sdelay $0x3  }
0x91: {  	_ =	strace s0  }
0x92: {  	s0 =	sld [smem:$0x3FFD];
	_ =	sdelay $0x3  }
0x93: {  	_ =	strace s0  }
0x94: {  	_ =	strace $0x8FFFFFFF  }
0x95: {  	s16 =	sld [smem:$0x3FDB];
	_ =	sdelay $0x1  }
0x96: {  	s17 =	simm.s32 $_scs_section_size  }
0x97: {  	s2 =	simm.s32 $_size__tile_overlayer_lowered;
	s3 =	simm.s32 $_tile_overlayer_lowered  }
0x98: {  	s20 =	simm.s32 $0x1BFF;
	s19 =	sshll.u32 s3, $0x1;
	s0 =	sadd.s32 s17, s16  }
0x99: {  	s4 =	simm.s32 $0x0;
	s18 =	sshll.u32 s2, $0x1;
	s2 =	sadd.s32 s19, s0  }
0x9a: {  	[timem:s4], [sflag:s20] =	dma.local [hbm:s2], s18  }
0x9b: {  	_ =	swait.ge [sflag:s20], s18  }
0x9c: {  	s1 =	ssub.s32 $0x0, s18;
	[sflag:s20] =	ssyncset.done $0x0  }
0x9d: {  	[sflag:s20] =	ssyncadd.s32 s1;
	_ =	sdelay $0x1  }
0x9e: {  	s21 =	simm.s32 $0x1B8B  }
0x9f: {  	_ =	swait.ge [sflag:s21], $0x1  }
0xa0: {  	[sflag:s21] =	ssyncset.done $0x0  }
0xa1: {  	s23 =	simm.s32 $0x1B8E;
	s22 =	sld [smem:$0x3FFE];
	[sflag:s21] =	ssyncadd.s32 $0xFFFFFFFF  }
0xa2: {  	s24 =	simm.s32 $execute0_lowered;
	[smem:$0x3FD2] =	sst s23  }
0xa3: {  	s2 =	sshll.u32 s24, $0x1;
	_ =	strace $0x80000055;
	[dreg:$0x1] =	wrdreg $0xFFFFFFFF  }
0xa4: {  	s25 =	simm.s32 $_size_execute0_lowered;
	s0 =	sadd.s32 s0, s2;
	[dreg:$0x0] =	wrdreg $0x0  }
0xa5: {  	s2 =	sshll.u32 s25, $0x1;
	[dreg:$0x2] =	wrdreg s0  }
0xa6: {  	[dreg:$0x3] =	wrdreg s2  }
0xa7: {  	[dreg:$0x4] =	wrdreg $0xC0  }
0xa8: {  	_ =	task [dreg:s4], $0x5FFFF  }
0xa9: {  	[dreg:$0x1] =	wrdreg $0xFFFFFFFF  }
0xaa: {  	[dreg:$0x0] =	wrdreg $0x60  }
0xab: {  	[dreg:$0x2] =	wrdreg s22  }
0xac: {  	[dreg:$0x3] =	wrdreg $0x9  }
0xad: {  	_ =	task.clear_ibuf [dreg:s4], $0x4FFFF;
	_ =	strace $0x90000055  }
0xae: {  	s26 =	simm.s32 $0x9;
	_ =	strace $0x80000057  }
0xaf: {  	_ =	swait.ge [sflag:s26], $0x1  }
0xb0: {  	[sflag:s26] =	ssyncadd.s32 $0xFFFFFFFF  }
0xb1: {  	_ =	strace $0x90000057  }
0xb2: {  	_ =	sfence  }
0xb3: {  	s28 =	sld [smem:$0x0];
	_ =	sdelay $0x1  }
0xb4: {  	s29 =	srdreg.scid  }
0xb5: {  	s30 =	sshll.u32 s29, $0xD;
	s31 =	sshrl.u32 s29, $0x2  }
0xb6: {  	s1 =	sand.u32 $0x1, s29;
	s2 =	sand.u32 $0x4000, s30;
	s0 =	sadd.s32 s31, s28  }
0xb7: {  	s1 =	sor.u32 s2, s1;
	s0 =	sshll.u32 s0, $0x11  }
0xb8: {  	s0 =	sor.u32 s0, s1  }
0xb9: {  	s0 =	sadd.s32 $0x8F2B, s0  }
0xba: {  	[sflag:s0] =	ssyncadd.remote.s32 $0x1  }
0xbb: {  	_ =	sfence.sel $0xFFFF  }
0xbc: {  	[dreg:$0x0] =	wrdreg $0xFFFFFFFF;
	(pc) =	sbr.abs _section_cstart, $3  }
0xbd: {  	[dreg:$0x1] =	wrdreg $0xFFFFFFFF  }
0xbe: {  	_ =	task.clear_ibuf [dreg:s4], $0x2FFFF;
	_ =	strace $0x9FFFFFFF  }
0xbf: {  	(tm) =	ssettm $0x7FFFFFFF  }
tec
execute0_lowered:
.L_overlay_start_1:
0x0: {  	(tag) =	ssettag $0x1  }
0x1: {  	s8 =	rddreg [dreg:$0x0];
	_ =	strace $0x80000056;
	s11 =	simm.s32 $0x1  }
0x2: {  	v0 =	vimm.s32 $0x0;
	[sflag:s11] =	ssyncpa.u1 $0x0  }
0x3: {  	[tilespmem:$0x28] =	vst v0  }
0x4: {  	[tilespmem:$0x38] =	vst v0  }
0x5: {  	[tilespmem:$0x48] =	vst v0  }
0x6: {  	[tilespmem:$0x58] =	vst v0  }
0x7: {  	[tilespmem:$0x68] =	vst v0  }
0x8: {  	[tilespmem:$0x78] =	vst v0  }
0x9: {  	[tilespmem:$0x88] =	vst v0  }
0xa: {  	[tilespmem:$0x98] =	vst v0  }
0xb: {  	[tilespmem:$0xA8] =	vst v0  }
0xc: {  	[tilespmem:$0xB8] =	vst v0  }
0xd: {  	[tilespmem:$0xC8] =	vst v0  }
0xe: {  	[tilespmem:$0xD8] =	vst v0  }
0xf: {  	[tilespmem:$0xE8] =	vst v0  }
0x10: {  	[tilespmem:$0xF8] =	vst v0  }
0x11: {  	[tilespmem:$0x108] =	vst v0  }
0x12: {  	[tilespmem:$0x118] =	vst v0  }
0x13: {  	[tilespmem:$0x128] =	vst v0  }
0x14: {  	[tilespmem:$0x138] =	vst v0  }
0x15: {  	[tilespmem:$0x148] =	vst v0  }
0x16: {  	[tilespmem:$0x158] =	vst v0  }
0x17: {  	[tilespmem:$0x168] =	vst v0  }
0x18: {  	[tilespmem:$0x178] =	vst v0  }
0x19: {  	[tilespmem:$0x188] =	vst v0  }
0x1a: {  	[tilespmem:$0x198] =	vst v0  }
0x1b: {  	[tilespmem:$0x1A8] =	vst v0  }
0x1c: {  	[tilespmem:$0x1B8] =	vst v0  }
0x1d: {  	[tilespmem:$0x1C8] =	vst v0  }
0x1e: {  	[tilespmem:$0x1D8] =	vst v0  }
0x1f: {  	[tilespmem:$0x1E8] =	vst v0  }
0x20: {  	[tilespmem:$0x1F8] =	vst v0  }
0x21: {  	[tilespmem:$0x208] =	vst v0  }
0x22: {  	[tilespmem:$0x218] =	vst v0  }
0x23: {  	[tilespmem:$0x228] =	vst v0  }
0x24: {  	[tilespmem:$0x238] =	vst v0  }
0x25: {  	[tilespmem:$0x248] =	vst v0  }
0x26: {  	[tilespmem:$0x258] =	vst v0  }
0x27: {  	[tilespmem:$0x268] =	vst v0  }
0x28: {  	[tilespmem:$0x278] =	vst v0  }
0x29: {  	[tilespmem:$0x288] =	vst v0  }
0x2a: {  	[tilespmem:$0x298] =	vst v0  }
0x2b: {  	[tilespmem:$0x2A8] =	vst v0  }
0x2c: {  	[tilespmem:$0x2B8] =	vst v0  }
0x2d: {  	[tilespmem:$0x2C8] =	vst v0  }
0x2e: {  	[tilespmem:$0x2D8] =	vst v0  }
0x2f: {  	[tilespmem:$0x2E8] =	vst v0  }
0x30: {  	[tilespmem:$0x2F8] =	vst v0  }
0x31: {  	[tilespmem:$0x308] =	vst v0  }
0x32: {  	[tilespmem:$0x318] =	vst v0  }
0x33: {  	[tilespmem:$0x328] =	vst v0  }
0x34: {  	[tilespmem:$0x338] =	vst v0  }
0x35: {  	[tilespmem:$0x348] =	vst v0  }
0x36: {  	[tilespmem:$0x358] =	vst v0  }
0x37: {  	[tilespmem:$0x368] =	vst v0  }
0x38: {  	[tilespmem:$0x378] =	vst v0  }
0x39: {  	[tilespmem:$0x388] =	vst v0  }
0x3a: {  	[tilespmem:$0x398] =	vst v0  }
0x3b: {  	[tilespmem:$0x3A8] =	vst v0  }
0x3c: {  	[tilespmem:$0x3B8] =	vst v0  }
0x3d: {  	[tilespmem:$0x3C8] =	vst v0  }
0x3e: {  	[tilespmem:$0x3D8] =	vst v0  }
0x3f: {  	[tilespmem:$0x3E8] =	vst v0  }
0x40: {  	[tilespmem:$0x3F8] =	vst v0  }
0x41: {  	[tilespmem:$0x408] =	vst v0  }
0x42: {  	[tilespmem:$0x418] =	vst v0  }
0x43: {  	[tilespmem:$0x428] =	vst v0  }
0x44: {  	[tilespmem:$0x438] =	vst v0  }
0x45: {  	[tilespmem:$0x448] =	vst v0  }
0x46: {  	[tilespmem:$0x458] =	vst v0  }
0x47: {  	[tilespmem:$0x468] =	vst v0  }
0x48: {  	[tilespmem:$0x478] =	vst v0  }
0x49: {  	[tilespmem:$0x488] =	vst v0  }
0x4a: {  	[tilespmem:$0x498] =	vst v0  }
0x4b: {  	[tilespmem:$0x4A8] =	vst v0  }
0x4c: {  	[tilespmem:$0x4B8] =	vst v0  }
0x4d: {  	[tilespmem:$0x4C8] =	vst v0  }
0x4e: {  	[tilespmem:$0x4D8] =	vst v0  }
0x4f: {  	[tilespmem:$0x4E8] =	vst v0  }
0x50: {  	[tilespmem:$0x4F8] =	vst v0  }
0x51: {  	[tilespmem:$0x508] =	vst v0  }
0x52: {  	[tilespmem:$0x518] =	vst v0  }
0x53: {  	[tilespmem:$0x528] =	vst v0  }
0x54: {  	[tilespmem:$0x538] =	vst v0  }
0x55: {  	[tilespmem:$0x548] =	vst v0  }
0x56: {  	[tilespmem:$0x558] =	vst v0  }
0x57: {  	[tilespmem:$0x568] =	vst v0  }
0x58: {  	[tilespmem:$0x578] =	vst v0  }
0x59: {  	[tilespmem:$0x588] =	vst v0  }
0x5a: {  	[tilespmem:$0x598] =	vst v0  }
0x5b: {  	[tilespmem:$0x5A8] =	vst v0  }
0x5c: {  	[tilespmem:$0x5B8] =	vst v0  }
0x5d: {  	[tilespmem:$0x5C8] =	vst v0  }
0x5e: {  	[tilespmem:$0x5D8] =	vst v0  }
0x5f: {  	[tilespmem:$0x5E8] =	vst v0  }
0x60: {  	[tilespmem:$0x5F8] =	vst v0  }
0x61: {  	[tilespmem:$0x608] =	vst v0  }
0x62: {  	[tilespmem:$0x618] =	vst v0  }
0x63: {  	[tilespmem:$0x628] =	vst v0  }
0x64: {  	[tilespmem:$0x638] =	vst v0  }
0x65: {  	[tilespmem:$0x648] =	vst v0  }
0x66: {  	[tilespmem:$0x658] =	vst v0  }
0x67: {  	[tilespmem:$0x668] =	vst v0  }
0x68: {  	[tilespmem:$0x678] =	vst v0  }
0x69: {  	[tilespmem:$0x688] =	vst v0  }
0x6a: {  	[tilespmem:$0x698] =	vst v0  }
0x6b: {  	[tilespmem:$0x6A8] =	vst v0  }
0x6c: {  	[tilespmem:$0x6B8] =	vst v0  }
0x6d: {  	[tilespmem:$0x6C8] =	vst v0  }
0x6e: {  	[tilespmem:$0x6D8] =	vst v0  }
0x6f: {  	[tilespmem:$0x6E8] =	vst v0  }
0x70: {  	[tilespmem:$0x6F8] =	vst v0  }
0x71: {  	[tilespmem:$0x708] =	vst v0  }
0x72: {  	[tilespmem:$0x718] =	vst v0  }
0x73: {  	[tilespmem:$0x728] =	vst v0  }
0x74: {  	[tilespmem:$0x738] =	vst v0  }
0x75: {  	[tilespmem:$0x748] =	vst v0  }
0x76: {  	[tilespmem:$0x758] =	vst v0  }
0x77: {  	[tilespmem:$0x768] =	vst v0  }
0x78: {  	[tilespmem:$0x778] =	vst v0  }
0x79: {  	[tilespmem:$0x788] =	vst v0  }
0x7a: {  	[tilespmem:$0x798] =	vst v0  }
0x7b: {  	[tilespmem:$0x7A8] =	vst v0  }
0x7c: {  	[tilespmem:$0x7B8] =	vst v0  }
0x7d: {  	[tilespmem:$0x7C8] =	vst v0  }
0x7e: {  	[tilespmem:$0x7D8] =	vst v0  }
0x7f: {  	[tilespmem:$0x7E8] =	vst v0  }
0x80: {  	[tilespmem:$0x7F8] =	vst v0  }
0x81: {  	[tilespmem:$0x808] =	vst v0  }
0x82: {  	[tilespmem:$0x818] =	vst v0  }
0x83: {  	[tilespmem:$0x828] =	vst v0  }
0x84: {  	[tilespmem:$0x838] =	vst v0  }
0x85: {  	[tilespmem:$0x848] =	vst v0  }
0x86: {  	[tilespmem:$0x858] =	vst v0  }
0x87: {  	[tilespmem:$0x868] =	vst v0  }
0x88: {  	[tilespmem:$0x878] =	vst v0  }
0x89: {  	[tilespmem:$0x888] =	vst v0  }
0x8a: {  	[tilespmem:$0x898] =	vst v0  }
0x8b: {  	[tilespmem:$0x8A8] =	vst v0  }
0x8c: {  	[tilespmem:$0x8B8] =	vst v0  }
0x8d: {  	[tilespmem:$0x8C8] =	vst v0  }
0x8e: {  	[tilespmem:$0x8D8] =	vst v0  }
0x8f: {  	[tilespmem:$0x8E8] =	vst v0  }
0x90: {  	[tilespmem:$0x8F8] =	vst v0  }
0x91: {  	[tilespmem:$0x908] =	vst v0  }
0x92: {  	[tilespmem:$0x918] =	vst v0  }
0x93: {  	[tilespmem:$0x928] =	vst v0  }
0x94: {  	[tilespmem:$0x938] =	vst v0  }
0x95: {  	[tilespmem:$0x948] =	vst v0  }
0x96: {  	[tilespmem:$0x958] =	vst v0  }
0x97: {  	[tilespmem:$0x968] =	vst v0  }
0x98: {  	[tilespmem:$0x978] =	vst v0  }
0x99: {  	[tilespmem:$0x988] =	vst v0  }
0x9a: {  	[tilespmem:$0x998] =	vst v0  }
0x9b: {  	[tilespmem:$0x9A8] =	vst v0  }
0x9c: {  	[tilespmem:$0x9B8] =	vst v0  }
0x9d: {  	[tilespmem:$0x9C8] =	vst v0  }
0x9e: {  	[tilespmem:$0x9D8] =	vst v0  }
0x9f: {  	[tilespmem:$0x9E8] =	vst v0  }
0xa0: {  	[tilespmem:$0x9F8] =	vst v0  }
0xa1: {  	[tilespmem:$0xA08] =	vst v0  }
0xa2: {  	[tilespmem:$0xA18] =	vst v0  }
0xa3: {  	[tilespmem:$0xA28] =	vst v0  }
0xa4: {  	[tilespmem:$0xA38] =	vst v0  }
0xa5: {  	[tilespmem:$0xA48] =	vst v0  }
0xa6: {  	[tilespmem:$0xA58] =	vst v0  }
0xa7: {  	[tilespmem:$0xA68] =	vst v0  }
0xa8: {  	[tilespmem:$0xA78] =	vst v0  }
0xa9: {  	[tilespmem:$0xA88] =	vst v0  }
0xaa: {  	[tilespmem:$0xA98] =	vst v0  }
0xab: {  	[tilespmem:$0xAA8] =	vst v0  }
0xac: {  	[tilespmem:$0xAB8] =	vst v0  }
0xad: {  	[tilespmem:$0xAC8] =	vst v0  }
0xae: {  	[tilespmem:$0xAD8] =	vst v0  }
0xaf: {  	[tilespmem:$0xAE8] =	vst v0  }
0xb0: {  	[tilespmem:$0xAF8] =	vst v0  }
0xb1: {  	[tilespmem:$0xB08] =	vst v0  }
0xb2: {  	[tilespmem:$0xB18] =	vst v0  }
0xb3: {  	[tilespmem:$0xB28] =	vst v0  }
0xb4: {  	[tilespmem:$0xB38] =	vst v0  }
0xb5: {  	[tilespmem:$0xB48] =	vst v0  }
0xb6: {  	[tilespmem:$0xB58] =	vst v0  }
0xb7: {  	[tilespmem:$0xB68] =	vst v0  }
0xb8: {  	[tilespmem:$0xB78] =	vst v0  }
0xb9: {  	[tilespmem:$0xB88] =	vst v0  }
0xba: {  	[tilespmem:$0xB98] =	vst v0  }
0xbb: {  	[tilespmem:$0xBA8] =	vst v0  }
0xbc: {  	[tilespmem:$0xBB8] =	vst v0  }
0xbd: {  	[tilespmem:$0xBC8] =	vst v0  }
0xbe: {  	[tilespmem:$0xBD8] =	vst v0  }
0xbf: {  	[tilespmem:$0xBE8] =	vst v0  }
0xc0: {  	[tilespmem:$0xBF8] =	vst v0  }
0xc1: {  	[tilespmem:$0xC08] =	vst v0  }
0xc2: {  	[tilespmem:$0xC18] =	vst v0  }
0xc3: {  	[tilespmem:$0xC28] =	vst v0  }
0xc4: {  	[tilespmem:$0xC38] =	vst v0  }
0xc5: {  	[tilespmem:$0xC48] =	vst v0  }
0xc6: {  	[tilespmem:$0xC58] =	vst v0  }
0xc7: {  	[tilespmem:$0xC68] =	vst v0  }
0xc8: {  	[tilespmem:$0xC78] =	vst v0  }
0xc9: {  	[tilespmem:$0xC88] =	vst v0  }
0xca: {  	[tilespmem:$0xC98] =	vst v0  }
0xcb: {  	[tilespmem:$0xCA8] =	vst v0  }
0xcc: {  	[tilespmem:$0xCB8] =	vst v0  }
0xcd: {  	[tilespmem:$0xCC8] =	vst v0  }
0xce: {  	[tilespmem:$0xCD8] =	vst v0  }
0xcf: {  	[tilespmem:$0xCE8] =	vst v0  }
0xd0: {  	[tilespmem:$0xCF8] =	vst v0  }
0xd1: {  	[tilespmem:$0xD08] =	vst v0  }
0xd2: {  	[tilespmem:$0xD18] =	vst v0  }
0xd3: {  	[tilespmem:$0xD28] =	vst v0  }
0xd4: {  	[tilespmem:$0xD38] =	vst v0  }
0xd5: {  	[tilespmem:$0xD48] =	vst v0  }
0xd6: {  	[tilespmem:$0xD58] =	vst v0  }
0xd7: {  	[tilespmem:$0xD68] =	vst v0  }
0xd8: {  	[tilespmem:$0xD78] =	vst v0  }
0xd9: {  	[tilespmem:$0xD88] =	vst v0  }
0xda: {  	[tilespmem:$0xD98] =	vst v0  }
0xdb: {  	[tilespmem:$0xDA8] =	vst v0  }
0xdc: {  	[tilespmem:$0xDB8] =	vst v0  }
0xdd: {  	[tilespmem:$0xDC8] =	vst v0  }
0xde: {  	[tilespmem:$0xDD8] =	vst v0  }
0xdf: {  	[tilespmem:$0xDE8] =	vst v0  }
0xe0: {  	[tilespmem:$0xDF8] =	vst v0  }
0xe1: {  	[tilespmem:$0xE08] =	vst v0  }
0xe2: {  	[tilespmem:$0xE18] =	vst v0  }
0xe3: {  	[tilespmem:$0xE28] =	vst v0  }
0xe4: {  	[tilespmem:$0xE38] =	vst v0  }
0xe5: {  	[tilespmem:$0xE48] =	vst v0  }
0xe6: {  	[tilespmem:$0xE58] =	vst v0  }
0xe7: {  	[tilespmem:$0xE68] =	vst v0  }
0xe8: {  	[tilespmem:$0xE78] =	vst v0  }
0xe9: {  	[tilespmem:$0xE88] =	vst v0  }
0xea: {  	[tilespmem:$0xE98] =	vst v0  }
0xeb: {  	[tilespmem:$0xEA8] =	vst v0  }
0xec: {  	[tilespmem:$0xEB8] =	vst v0  }
0xed: {  	[tilespmem:$0xEC8] =	vst v0  }
0xee: {  	[tilespmem:$0xED8] =	vst v0  }
0xef: {  	[tilespmem:$0xEE8] =	vst v0  }
0xf0: {  	[tilespmem:$0xEF8] =	vst v0  }
0xf1: {  	[tilespmem:$0xF08] =	vst v0  }
0xf2: {  	[tilespmem:$0xF18] =	vst v0  }
0xf3: {  	[tilespmem:$0xF28] =	vst v0  }
0xf4: {  	[tilespmem:$0xF38] =	vst v0  }
0xf5: {  	[tilespmem:$0xF48] =	vst v0  }
0xf6: {  	[tilespmem:$0xF58] =	vst v0  }
0xf7: {  	[tilespmem:$0xF68] =	vst v0  }
0xf8: {  	[tilespmem:$0xF78] =	vst v0  }
0xf9: {  	[tilespmem:$0xF88] =	vst v0  }
0xfa: {  	[tilespmem:$0xF98] =	vst v0  }
0xfb: {  	[tilespmem:$0xFA8] =	vst v0  }
0xfc: {  	[tilespmem:$0xFB8] =	vst v0  }
0xfd: {  	[tilespmem:$0xFC8] =	vst v0  }
0xfe: {  	[tilespmem:$0xFD8] =	vst v0  }
0xff: {  	[tilespmem:$0xFE8] =	vst v0  }
0x100: {  	[tilespmem:$0xFF8] =	vst v0  }
0x101: {  	[tilespmem:$0x1018] =	vst v0  }
0x102: {  	[tilespmem:$0x10D8] =	vst v0  }
0x103: {  	[tilespmem:$0x1B28] =	vst v0  }
0x104: {  	[tilespmem:$0x1B18] =	vst v0  }
0x105: {  	[tilespmem:$0x1B08] =	vst v0  }
0x106: {  	[tilespmem:$0x1AF8] =	vst v0  }
0x107: {  	[tilespmem:$0x1AE8] =	vst v0  }
0x108: {  	[tilespmem:$0x1AD8] =	vst v0  }
0x109: {  	[tilespmem:$0x1AC8] =	vst v0  }
0x10a: {  	[tilespmem:$0x1AB8] =	vst v0  }
0x10b: {  	[tilespmem:$0x1AA8] =	vst v0  }
0x10c: {  	[tilespmem:$0x1A98] =	vst v0  }
0x10d: {  	[tilespmem:$0x1A88] =	vst v0  }
0x10e: {  	[tilespmem:$0x1A78] =	vst v0  }
0x10f: {  	[tilespmem:$0x1A68] =	vst v0  }
0x110: {  	[tilespmem:$0x1A58] =	vst v0  }
0x111: {  	[tilespmem:$0x1A48] =	vst v0  }
0x112: {  	[tilespmem:$0x1A38] =	vst v0  }
0x113: {  	[tilespmem:$0x1A28] =	vst v0  }
0x114: {  	[tilespmem:$0x1A18] =	vst v0  }
0x115: {  	[tilespmem:$0x1A08] =	vst v0  }
0x116: {  	[tilespmem:$0x19F8] =	vst v0  }
0x117: {  	[tilespmem:$0x19E8] =	vst v0  }
0x118: {  	[tilespmem:$0x19D8] =	vst v0  }
0x119: {  	[tilespmem:$0x19C8] =	vst v0  }
0x11a: {  	[tilespmem:$0x19B8] =	vst v0  }
0x11b: {  	[tilespmem:$0x19A8] =	vst v0  }
0x11c: {  	[tilespmem:$0x1998] =	vst v0  }
0x11d: {  	[tilespmem:$0x1988] =	vst v0  }
0x11e: {  	[tilespmem:$0x1978] =	vst v0  }
0x11f: {  	[tilespmem:$0x1968] =	vst v0  }
0x120: {  	[tilespmem:$0x1958] =	vst v0  }
0x121: {  	[tilespmem:$0x1948] =	vst v0  }
0x122: {  	[tilespmem:$0x1938] =	vst v0  }
0x123: {  	[tilespmem:$0x1928] =	vst v0  }
0x124: {  	[tilespmem:$0x1918] =	vst v0  }
0x125: {  	[tilespmem:$0x1908] =	vst v0  }
0x126: {  	[tilespmem:$0x18F8] =	vst v0  }
0x127: {  	[tilespmem:$0x18E8] =	vst v0  }
0x128: {  	[tilespmem:$0x18D8] =	vst v0  }
0x129: {  	[tilespmem:$0x18C8] =	vst v0  }
0x12a: {  	[tilespmem:$0x18B8] =	vst v0  }
0x12b: {  	[tilespmem:$0x18A8] =	vst v0  }
0x12c: {  	[tilespmem:$0x1898] =	vst v0  }
0x12d: {  	[tilespmem:$0x1888] =	vst v0  }
0x12e: {  	[tilespmem:$0x1878] =	vst v0  }
0x12f: {  	[tilespmem:$0x1868] =	vst v0  }
0x130: {  	[tilespmem:$0x1858] =	vst v0  }
0x131: {  	[tilespmem:$0x1848] =	vst v0  }
0x132: {  	[tilespmem:$0x1838] =	vst v0  }
0x133: {  	[tilespmem:$0x1828] =	vst v0  }
0x134: {  	[tilespmem:$0x1818] =	vst v0  }
0x135: {  	[tilespmem:$0x1808] =	vst v0  }
0x136: {  	[tilespmem:$0x17F8] =	vst v0  }
0x137: {  	[tilespmem:$0x17E8] =	vst v0  }
0x138: {  	[tilespmem:$0x17D8] =	vst v0  }
0x139: {  	[tilespmem:$0x17C8] =	vst v0  }
0x13a: {  	[tilespmem:$0x17B8] =	vst v0  }
0x13b: {  	[tilespmem:$0x17A8] =	vst v0  }
0x13c: {  	[tilespmem:$0x1798] =	vst v0  }
0x13d: {  	[tilespmem:$0x1788] =	vst v0  }
0x13e: {  	[tilespmem:$0x1778] =	vst v0  }
0x13f: {  	[tilespmem:$0x1768] =	vst v0  }
0x140: {  	[tilespmem:$0x1758] =	vst v0  }
0x141: {  	[tilespmem:$0x1748] =	vst v0  }
0x142: {  	[tilespmem:$0x1738] =	vst v0  }
0x143: {  	[tilespmem:$0x1728] =	vst v0  }
0x144: {  	[tilespmem:$0x1718] =	vst v0  }
0x145: {  	[tilespmem:$0x1708] =	vst v0  }
0x146: {  	[tilespmem:$0x16F8] =	vst v0  }
0x147: {  	[tilespmem:$0x16E8] =	vst v0  }
0x148: {  	[tilespmem:$0x16D8] =	vst v0  }
0x149: {  	[tilespmem:$0x16C8] =	vst v0  }
0x14a: {  	[tilespmem:$0x16B8] =	vst v0  }
0x14b: {  	[tilespmem:$0x16A8] =	vst v0  }
0x14c: {  	[tilespmem:$0x1698] =	vst v0  }
0x14d: {  	[tilespmem:$0x1688] =	vst v0  }
0x14e: {  	[tilespmem:$0x1678] =	vst v0  }
0x14f: {  	[tilespmem:$0x1668] =	vst v0  }
0x150: {  	[tilespmem:$0x1658] =	vst v0  }
0x151: {  	[tilespmem:$0x1648] =	vst v0  }
0x152: {  	[tilespmem:$0x1638] =	vst v0  }
0x153: {  	[tilespmem:$0x1628] =	vst v0  }
0x154: {  	[tilespmem:$0x1618] =	vst v0  }
0x155: {  	[tilespmem:$0x1608] =	vst v0  }
0x156: {  	[tilespmem:$0x15F8] =	vst v0  }
0x157: {  	[tilespmem:$0x15E8] =	vst v0  }
0x158: {  	[tilespmem:$0x15D8] =	vst v0  }
0x159: {  	[tilespmem:$0x15C8] =	vst v0  }
0x15a: {  	[tilespmem:$0x15B8] =	vst v0  }
0x15b: {  	[tilespmem:$0x15A8] =	vst v0  }
0x15c: {  	[tilespmem:$0x1598] =	vst v0  }
0x15d: {  	[tilespmem:$0x1588] =	vst v0  }
0x15e: {  	[tilespmem:$0x1578] =	vst v0  }
0x15f: {  	[tilespmem:$0x1568] =	vst v0  }
0x160: {  	[tilespmem:$0x1558] =	vst v0  }
0x161: {  	[tilespmem:$0x1548] =	vst v0  }
0x162: {  	[tilespmem:$0x1538] =	vst v0  }
0x163: {  	[tilespmem:$0x1528] =	vst v0  }
0x164: {  	[tilespmem:$0x1518] =	vst v0  }
0x165: {  	[tilespmem:$0x1508] =	vst v0  }
0x166: {  	[tilespmem:$0x14F8] =	vst v0  }
0x167: {  	[tilespmem:$0x14E8] =	vst v0  }
0x168: {  	[tilespmem:$0x14D8] =	vst v0  }
0x169: {  	[tilespmem:$0x14C8] =	vst v0  }
0x16a: {  	[tilespmem:$0x14B8] =	vst v0  }
0x16b: {  	[tilespmem:$0x14A8] =	vst v0  }
0x16c: {  	[tilespmem:$0x1498] =	vst v0  }
0x16d: {  	[tilespmem:$0x1488] =	vst v0  }
0x16e: {  	[tilespmem:$0x1478] =	vst v0  }
0x16f: {  	[tilespmem:$0x1468] =	vst v0  }
0x170: {  	[tilespmem:$0x1458] =	vst v0  }
0x171: {  	[tilespmem:$0x1448] =	vst v0  }
0x172: {  	[tilespmem:$0x1438] =	vst v0  }
0x173: {  	[tilespmem:$0x1428] =	vst v0  }
0x174: {  	[tilespmem:$0x1418] =	vst v0  }
0x175: {  	[tilespmem:$0x1408] =	vst v0  }
0x176: {  	[tilespmem:$0x13F8] =	vst v0  }
0x177: {  	[tilespmem:$0x13E8] =	vst v0  }
0x178: {  	[tilespmem:$0x13D8] =	vst v0  }
0x179: {  	[tilespmem:$0x13C8] =	vst v0  }
0x17a: {  	[tilespmem:$0x13B8] =	vst v0  }
0x17b: {  	[tilespmem:$0x13A8] =	vst v0  }
0x17c: {  	[tilespmem:$0x1398] =	vst v0  }
0x17d: {  	[tilespmem:$0x1388] =	vst v0  }
0x17e: {  	[tilespmem:$0x1378] =	vst v0  }
0x17f: {  	[tilespmem:$0x1368] =	vst v0  }
0x180: {  	[tilespmem:$0x1358] =	vst v0  }
0x181: {  	[tilespmem:$0x1348] =	vst v0  }
0x182: {  	[tilespmem:$0x1338] =	vst v0  }
0x183: {  	[tilespmem:$0x1328] =	vst v0  }
0x184: {  	[tilespmem:$0x1318] =	vst v0  }
0x185: {  	[tilespmem:$0x1308] =	vst v0  }
0x186: {  	[tilespmem:$0x12F8] =	vst v0  }
0x187: {  	[tilespmem:$0x12E8] =	vst v0  }
0x188: {  	[tilespmem:$0x12D8] =	vst v0  }
0x189: {  	[tilespmem:$0x12C8] =	vst v0  }
0x18a: {  	[tilespmem:$0x12B8] =	vst v0  }
0x18b: {  	[tilespmem:$0x12A8] =	vst v0  }
0x18c: {  	[tilespmem:$0x1298] =	vst v0  }
0x18d: {  	[tilespmem:$0x1288] =	vst v0  }
0x18e: {  	[tilespmem:$0x1278] =	vst v0  }
0x18f: {  	[tilespmem:$0x1268] =	vst v0  }
0x190: {  	[tilespmem:$0x1258] =	vst v0  }
0x191: {  	[tilespmem:$0x1248] =	vst v0  }
0x192: {  	[tilespmem:$0x1238] =	vst v0  }
0x193: {  	[tilespmem:$0x1228] =	vst v0  }
0x194: {  	[tilespmem:$0x1218] =	vst v0  }
0x195: {  	[tilespmem:$0x1208] =	vst v0  }
0x196: {  	[tilespmem:$0x11F8] =	vst v0  }
0x197: {  	[tilespmem:$0x11E8] =	vst v0  }
0x198: {  	[tilespmem:$0x11D8] =	vst v0  }
0x199: {  	[tilespmem:$0x11C8] =	vst v0  }
0x19a: {  	[tilespmem:$0x11B8] =	vst v0  }
0x19b: {  	[tilespmem:$0x11A8] =	vst v0  }
0x19c: {  	[tilespmem:$0x1198] =	vst v0  }
0x19d: {  	[tilespmem:$0x1188] =	vst v0  }
0x19e: {  	[tilespmem:$0x1178] =	vst v0  }
0x19f: {  	[tilespmem:$0x1168] =	vst v0  }
0x1a0: {  	[tilespmem:$0x1158] =	vst v0  }
0x1a1: {  	[tilespmem:$0x1148] =	vst v0  }
0x1a2: {  	[tilespmem:$0x1138] =	vst v0  }
0x1a3: {  	[tilespmem:$0x1128] =	vst v0  }
0x1a4: {  	[tilespmem:$0x1118] =	vst v0  }
0x1a5: {  	s2 =	stileid.u32;
	[tilespmem:$0x1108] =	vst v0  }
0x1a6: {  	s0 =	simm.s32 $0x1;
	p0 =	sne.s32 s2, $0x0;
	s1 =	smul.u32 $0x5E, s2;
	[tilespmem:$0x10F8] =	vst v0  }
0x1a7: {  	[tilespmem:$0x10E8] =	vst v0;
	s0 =	simm.s32 @!p0 $0x0;
	s3 =	simm.s32 @!p0 $0x0  }
0x1a8: {  	[tilespmem:$0x10B8] =	vst v0;
	s3 =	simm.s32 @p0 $0x1;
	s0 =	sor.u32 s0, s1;
	s1 =	simm.s32 $0xA050  }
0x1a9: {  	[tilespmem:$0x10C8] =	vst v0;
	p0 =	seq.s32 s2, $0x0;
	[smem:$0x7FD] =	sst s3;
	s3 =	smul.u32 $0x1B0, s0  }
0x1aa: {  	s1 =	simm.s32 @!p0 $0x9EA0;
	[tilespmem:$0x10A8] =	vst v0  }
0x1ab: {  	[tilespmem:$0x1038] =	vst v0;
	s0 =	sadd.s32 s1, s3  }
0x1ac: {  	[tilespmem:$0x1098] =	vst v0;
	s4 =	smin.u32 s0, $0x9EB10  }
0x1ad: {  	[tilespmem:$0x1088] =	vst v0;
	s0 =	ssub.s32 s4, s3  }
0x1ae: {  	s5 =	simm.s32 $0x2;
	s29 =	simm.s32 $0x7;
	[tilespmem:$0x1078] =	vst v0;
	p0 =	sgt.s32 s0, $0x0  }
0x1af: {  	s13 =	simm.s32 $0x8;
	s30 =	simm.s32 $0x9;
	[tilespmem:$0x1068] =	vst v0;
	s0 =	simm.s32 @!p0 $0x0  }
0x1b0: {  	p1 =	por $0x1, $0x1;
	p2 =	por $0x0, $0x0;
	[tilespmem:$0x1058] =	vst v0;
	s6 =	smulhi.u32 $0x4BDA12F7, s0  }
0x1b1: {  	s14 =	simm.s32 $0xA;
	s18 =	simm.s32 $0x0;
	s15 =	simm.s32 $0x0;
	[tilespmem:$0x1048] =	vst v0  }
0x1b2: {  	s17 =	simm.s32 $0x0;
	s7 =	sadd.s32 $0xC60C00, s8;
	[tilespmem:$0x1028] =	vst v0;
	s12 =	sshrl.u32 s6, $0x7  }
0x1b3: {  	s31 =	sshll.u32 s2, $0x5;
	[tilespmem:$0x1008] =	vst v0;
	[sflag:s5] =	ssyncpa.u1 $0x0;
	v0 =	vimm.s32 $0xFFFFFFFF;
	s10 =	smul.u32 $0x1B0, s12  }
.Ltmp0:
0x1b4: {  	s5 =	sadd.s32 $0x102200, s8;
	[tilespmem:$0x3648] =	vst v0;
	[sflag:s29] =	ssyncpa.u1 $0x0;
	(pc) =	sbr.rel .LBB2_1-.Ltmp0, $4  }
0x1b5: {  	[dreg:$0x2] =	wrdreg s31;
	[sflag:s13] =	ssyncpa.u1 $0x0;
	p0 =	sne.s32 s0, s10  }
0x1b6: {  	s13 =	simm.s32 $0x0;
	[sflag:s30] =	ssyncpa.u1 $0x0;
	s11 =	simm.s32 @!p0 $0x0  }
0x1b7: {  	s1 =	sadd.s32 $0x116000, s8;
	s16 =	smov.u32 s3;
	s11 =	sadd.s32 s11, s12  }
0x1b8: {  	v0 =	vlaneseq.u32;
	[dreg:$0x3] =	wrdreg s3;
	s6 =	sadd.s32 $0x2F400, s8;
	s8 =	sadd.s32 $0x1, s11  }
.LBB2_18:
0x1b9: {  	s0 =	simm.s32 $0x2  }
0x1ba: {  	_ =	swait.ge [sflag:s0], $0x0  }
0x1bb: {  	[sflag:s0] =	ssyncset.done $0x0;
	s0 =	simm.s32 $0x0  }
.LBB2_19:
0x1bc: {  	_ =	swait.ge [sflag:s14], s0  }
0x1bd: {  	s31 =	ssub.s32 $0x0, s0;
	v1 =	vmov s20;
	vm0 =	veq.s32 v0, $0x0;
	[sflag:s14] =	ssyncset.done $0x0  }
0x1be: {  	vm15 =	veq.s32 v0, $0x2;
	v1 =	vsel vm0, s24, v1;
	[sflag:s14] =	ssyncadd.s32 s31  }
0x1bf: {  	v1 =	vsel vm15, s18, v1;
	[sflag:s14] =	ssyncpa.u1 $0x1  }
0x1c0: {  	[tilespmem:$0x3648] =	vst v1  }
.LBB2_20:
0x1c1: {  	s0 =	sadd.s32 $0x1B0, s16  }
0x1c2: {  	s2 =	smov.u32 s3;
	p0 =	slt.s32 s0, s4  }
0x1c3: {  	s2 =	smov.u32 @p0 s0;
	p0 =	sne.s32 s17, s8  }
.Ltmp1:
0x1c4: {  	_ = 	snop;
	(pc) =	sbr.rel @!p0 .LBB2_21-.Ltmp1, $4  }
0x1c5: {  	_ = 	snop  }
0x1c6: {  	s18 =	smov.u32 s15  }
0x1c7: {  	s31 =	sadd.s32 $0x1, s17;
	s15 =	smov.u32 s16;
	p1 =	por !p1, !p1  }
0x1c8: {  	p2 =	por !p2, !p2;
	s17 =	smov.u32 s31;
	s16 =	smov.u32 s2  }
.LBB2_1:
0x1c9: {  	p3 =	sge.u32 s17, s11  }
0x1ca: {  	s0 =	smulhi.u32 @!p3 $0xAAAAAAAB, s17  }
0x1cb: {  	s19 =	smov.u32 s16;
	p0 =	sgt.s32 @!p3 s16, $0x9E960  }
0x1cc: {  	s20 =	sshra.s32 @!p3 s16, $0x1F;
	p0 =	por !p0, p3;
	s0 =	sshrl.u32 @!p3 s0, $0x1  }
0x1cd: {  	s20 =	sand.u32 @!p3 s20, s16;
	s19 =	simm.s32 @p0 $0x9E960;
	s0 =	smul.u32 @!p3 $0x3, s0  }
0x1ce: {  	s19 =	ssub.s32 @!p3 s19, s20  }
0x1cf: {  	s19 =	sadd.s32 @!p3 $0xFFF616A0, s19;
	s0 =	ssub.s32 @!p3 s17, s0  }
0x1d0: {  	s20 =	sshll.u32 @!p3 s19, $0x2;
	p0 =	sgt.s32 @!p3 s19, $0x1AF;
	s0 =	smul.u32 @!p3 $0x6C0, s0  }
0x1d1: {  	s21 =	sand.u32 @!p3 $0x7, s16;
	s19 =	ssub.s32 @!p3 $0x6C0, s20;
	p0 =	por !p0, p3  }
0x1d2: {  	s20 =	sshrl.u32 @!p3 s16, $0x3;
	s19 =	sshrl.u32 @!p3 s19, $0x2;
	s0 =	sshrl.u32 @!p3 s0, $0x2  }
0x1d3: {  	s20 =	sadd.s32 @!p3 s5, s20;
	s19 =	simm.s32 @!p0 $0x0;
	s0 =	sadd.s32 @!p3 $0x3878, s0  }
0x1d4: {  	[tilespmem:s0], [sflag:$0x8] =	stream.linear.gather @!p3 [hbm4b:s20+s21], s19, $0x38;
	[tilespmem:$0x1F0E8] =	vst v63  }
0x1d5: {  	s20 =	sadd.s32 $0xFFFFFFFF, s17  }
0x1d6: {  	p3 =	sge.u32 s20, s11  }
0x1d7: {  	p0 =	sgt.s32 @!p3 s15, $0x9E960  }
0x1d8: {  	s0 =	smov.u32 s15;
	s19 =	sshra.s32 @!p3 s15, $0x1F;
	p0 =	por !p0, p3  }
0x1d9: {  	s19 =	sand.u32 @!p3 s19, s15;
	s0 =	simm.s32 @p0 $0x9E960  }
0x1da: {  	s0 =	ssub.s32 @!p3 s0, s19  }
0x1db: {  	s0 =	sadd.s32 @!p3 $0xFFF616A0, s0  }
0x1dc: {  	s19 =	sshll.u32 @!p3 s0, $0x2  }
0x1dd: {  	p0 =	sgt.s32 @!p3 s0, $0x1AF;
	s0 =	ssub.s32 @!p3 $0x6C0, s19  }
0x1de: {  	p0 =	por !p0, p3;
	s0 =	sshrl.u32 @!p3 s0, $0x2  }
0x1df: {  	s21 =	simm.s32 @!p3 $0x8;
	s19 =	sand.u32 @!p3 $0x1, s20;
	s0 =	simm.s32 @!p0 $0x0  }
0x1e0: {  	s19 =	smul.u32 @!p3 $0x6C0, s19;
	_ =	swait.ge @!p3 [sflag:s21], s0  }
0x1e1: {  	s22 =	ssub.s32 @!p3 $0x0, s0;
	[sflag:s21] =	ssyncset.done @!p3 $0x0  }
0x1e2: {  	s19 =	sshrl.u32 @!p3 s19, $0x2;
	[sflag:s21] =	ssyncadd.s32 @!p3 s22;
	s21 =	sshrl.u32 @!p3 s15, $0x3  }
0x1e3: {  	s19 =	sadd.s32 @!p3 $0x3D88, s19;
	s22 =	sand.u32 @!p3 $0x7, s15;
	s21 =	sadd.s32 @!p3 s6, s21  }
0x1e4: {  	[tilespmem:s19], [sflag:$0x9] =	stream.linear.gather @!p3 [hbm4b:s21+s22], s0, $0x38;
	[tilespmem:$0x1F0E8] =	vst v63  }
0x1e5: {  	s19 =	ssub.s32 @!p3 $0x9EB10, s15  }
0x1e6: {  	p0 =	slt.s32 @!p3 s19, $0x1  }
0x1e7: {  	p0 =	por p3, p0  }
.Ltmp2:
0x1e8: {  	_ = 	snop;
	(pc) =	sbr.rel @p0 .LBB2_7-.Ltmp2, $1  }
0x1e9: {  	_ =	sdelay $0x3  }
0x1ea: {  	s0 =	smulhi.u32 $0xAAAAAAAB, s20;
	_ =	sdelay $0x1  }
0x1eb: {  	s0 =	sshrl.u32 s0, $0x1  }
0x1ec: {  	s0 =	smul.u32 $0x3, s0;
	_ =	sdelay $0x1  }
0x1ed: {  	s0 =	ssub.s32 s20, s0  }
0x1ee: {  	s21 =	simm.s32 $0x1;
	s0 =	smul.u32 $0x6C0, s0  }
.Ltmp3:
0x1ef: {  	s21 =	simm.s32 @!p1 $0x0;
	(pc) =	sbr.rel .LBB2_4-.Ltmp3, $4  }
0x1f0: {  	s31 =	smul.u32 $0x36000, s21  }
0x1f1: {  	p0 =	slt.s32 @!p3 s19, $0x1B0;
	s0 =	sshrl.u32 s0, $0x2  }
0x1f2: {  	p0 =	por !p0, p3;
	s20 =	sshrl.u32 s31, $0x2;
	s0 =	sadd.s32 $0x3878, s0  }
0x1f3: {  	s19 =	simm.s32 @p0 $0x1B0;
	s21 =	simm.s32 $0x0;
	s20 =	sadd.s32 $0x40E8, s20;
	v1 =	vmov s0  }
.LBB2_3:
0x1f4: {  	p0 =	sge.s32 s21, s19  }
.Ltmp4:
0x1f5: {  	_ = 	snop;
	(pc) =	sbr.rel @p0 .LBB2_7-.Ltmp4, $2  }
0x1f6: {  	_ =	sdelay $0x2  }
0x1f7: {  	s20 =	sadd.s32 $0x800, s20  }
.LBB2_4:
0x1f8: {  	p0 =	sle.s32 s19, s21  }
.Ltmp5:
0x1f9: {  	_ = 	snop;
	(pc) =	sbr.rel @p0 .LBB2_3-.Ltmp5, $2  }
0x1fa: {  	_ =	sdelay $0x2  }
0x1fb: {  	s22 =	smov.u32 s21;
	s21 =	sadd.s32 $0x10, s21  }
0x1fc: {  	s0 =	ssub.s32 s19, s22  }
0x1fd: {  	p0 =	slt.s32 s0, $0x10  }
0x1fe: {  	s0 =	simm.s32 @!p0 $0x10  }
0x1ff: {  	v2 =	vmov s0  }
0x200: {  	vm0 =	vgt.s32 v2, v0;
	_ =	sdelay $0x5  }
0x201: {  	v2 =	vld.idx.msk [tilespmem:v1+s22+$0x0 ss:$0x1], vm0;
	_ =	sdelay $0x2  }
0x202: {  	s23 =	smov.u32 s19;
	p0 =	slt.s32 s21, s19  }
0x203: {  	s24 =	smov.u32 s20;
	s25 =	simm.s32 $0x0;
	s23 =	smov.u32 @p0 s21  }
.LBB2_6:
0x204: {  	(v2sf) =	vpush v2, s25;
	_ =	sdelay $0xc  }
0x205: {  	s25 =	sadd.s32 $0x1, s25  }
0x206: {  	s31 =	sadd.s32 s25, s22  }
0x207: {  	p0 =	slt.s32 s31, s23;
	s0 =	spop (v2sf)  }
.Ltmp6:
0x208: {  	s0 =	sshll.u32 s0, $0x4;
	(pc) =	sbr.rel @p0 .LBB2_6-.Ltmp6, $4  }
0x209: {  	s0 =	sand.u32 $0x1FFFFFF0, s0  }
0x20a: {  	s0 =	sadd.s32 s7, s0  }
0x20b: {  	[tilespmem:s24], [sflag:$0x7] =	stream.linear.gather [hbm4b:s0+s13], $0x4, $0x38;
	[tilespmem:$0x1F0E8] =	vst v63  }
0x20c: {  	s24 =	sadd.s32 $0x80, s24  }
.Ltmp7:
0x20d: {  	_ = 	snop;
	(pc) =	sbr.rel .LBB2_3-.Ltmp7, $1  }
0x20e: {  	_ =	sdelay $0x3  }
.LBB2_7:
0x20f: {  	p0 =	slt.u32 s17, $0x2  }
.Ltmp8:
0x210: {  	_ = 	snop;
	(pc) =	sbr.rel @p0 .LBB2_20-.Ltmp8, $1  }
0x211: {  	_ =	sdelay $0x3  }
0x212: {  	p0 =	sgt.s32 s18, $0x9E960;
	s0 =	smov.u32 s18  }
0x213: {  	s19 =	sshra.s32 s18, $0x1F;
	s20 =	ssub.s32 $0x9EB10, s18;
	s0 =	simm.s32 @!p0 $0x9E960  }
0x214: {  	s19 =	sand.u32 s19, s18;
	p0 =	slt.s32 s20, $0x1B0;
	s21 =	smov.u32 s20  }
0x215: {  	s0 =	ssub.s32 s0, s19;
	s21 =	simm.s32 @!p0 $0x1B0  }
0x216: {  	s0 =	sadd.s32 $0xFFF616A0, s0;
	s26 =	sshll.u32 s21, $0x2  }
0x217: {  	s2 =	simm.s32 $0x7;
	s28 =	sshll.u32 s0, $0x2;
	s19 =	sand.u32 $0x3FFFFFFC, s26  }
0x218: {  	p0 =	sgt.s32 s0, $0x1AF;
	s29 =	ssub.s32 $0x6C0, s28;
	_ =	swait.ge [sflag:s2], s19  }
0x219: {  	s19 =	ssub.s32 $0x0, s19;
	[sflag:s2] =	ssyncset.done $0x0;
	s0 =	sshrl.u32 s29, $0x2  }
0x21a: {  	s30 =	simm.s32 $0x9;
	[sflag:s2] =	ssyncadd.s32 s19;
	s0 =	simm.s32 @p0 $0x0  }
0x21b: {  	_ =	swait.ge [sflag:s30], s0  }
0x21c: {  	s0 =	ssub.s32 $0x0, s0;
	[sflag:s30] =	ssyncset.done $0x0  }
0x21d: {  	[sflag:s30] =	ssyncadd.s32 s0  }
0x21e: {  	v1 =	vld [tilespmem:$0x3648];
	_ =	sdelay $0x4  }
0x21f: {  	(v2sf) =	vpush v1, $0x0  }
0x220: {  	(v2sf) =	vpush v1, $0x1  }
0x221: {  	(v2sf) =	vpush v1, $0x2;
	_ =	sdelay $0x3  }
0x222: {  	s0 =	sadd.s32 $0x1B0, s18  }
0x223: {  	p0 =	slt.s32 s4, s0  }
0x224: {  	s0 =	smov.u32 @p0 s4;
	p0 =	sgt.s32 s20, $0x0  }
0x225: {  	s22 =	ssub.s32 s0, s18;
	s20 =	simm.s32 @!p0 $0x0  }
0x226: {  	p0 =	slt.s32 s20, s22  }
0x227: {  	s22 =	smov.u32 @p0 s20  }
0x228: {  	s21 =	simm.s32 $0x1;
	p3 =	slt.s32 s22, $0x1  }
.Ltmp9:
0x229: {  	s21 =	simm.s32 @!p2 $0x0;
	(pc) =	sbr.rel @p3 .LBB2_12-.Ltmp9, $4  }
0x22a: {  	s31 =	smul.u32 $0x6C0, s21  }
0x22b: {  	s23 =	spop (v2sf)  }
0x22c: {  	s0 =	sshrl.u32 s31, $0x2;
	s25 =	spop (v2sf)  }
0x22d: {  	s19 =	sadd.s32 $0x3D88, s0;
	s18 =	spop (v2sf)  }
0x22e: {  	s0 =	smin.u32 s22, $0x10  }
0x22f: {  	v1 =	vmov s0  }
0x230: {  	p0 =	sgt.s32 s22, $0x10;
	vm1 =	vgt.u32 v1, v0  }
.Ltmp10:
0x231: {  	_ = 	snop;
	(pc) =	sbr.rel @!p0 .LBB2_11-.Ltmp10, $2  }
0x232: {  	_ =	sdelay $0x2  }
0x233: {  	s24 =	simm.s32 $0x10;
	s26 =	sadd.s32 $0xFFFFFFF0, s22;
	s20 =	smov.u32 s19;
	vm0 =	vmmov vm1  }
.LBB2_10:
0x234: {  	s0 =	smin.u32 s26, $0x10;
	s24 =	sadd.s32 $0x10, s24;
	v1 =	vld.msk [tilespmem:s20+$0x0 ss:$0x1], vm1  }
0x235: {  	v2 =	vmov s0;
	p0 =	slt.s32 s24, s22  }
0x236: {  	vm1 =	vgt.u32 v2, v0  }
.Ltmp11:
0x237: {  	(pc) =	sbr.rel @p0 .LBB2_10-.Ltmp11, $3  }
0x238: {  	_ =	sdelay $0x1  }
0x239: {  	v1 =	vshll.u32 v1, $0x4  }
0x23a: {  	s26 =	sadd.s32 $0xFFFFFFF0, s26;
	[tilespmem:s20+$0x0] =	vst.msk vm0, v1;
	s20 =	sadd.s32 $0x10, s20;
	vm0 =	vmmov vm1  }
.LBB2_11:
0x23b: {  	_ =	sdelay $0x4  }
0x23c: {  	v1 =	vld.msk [tilespmem:s20+$0x0 ss:$0x1], vm1;
	_ =	sdelay $0x4  }
0x23d: {  	v1 =	vshll.u32 v1, $0x4  }
0x23e: {  	[tilespmem:s20+$0x0] =	vst.msk vm0, v1  }
.LBB2_12:
0x23f: {  	s0 =	sand.u32 $0x1, s17  }
0x240: {  	s0 =	smul.u32 $0x1B0, s0  }
0x241: {  	p0 =	sne.s32 s25, $0xFFFFFFFF  }
0x242: {  	v1 =	vld.msk @!p0 [tilespmem:s0+$0x3D88], $0x1;
	_ =	sdelay $0x4  }
0x243: {  	(v2sf) =	vpush @!p0 v1, $0x0;
	_ =	sdelay $0xc  }
.Ltmp12:
0x244: {  	_ = 	snop;
	(pc) =	sbr.rel @p3 .LBB2_18-.Ltmp12, $4  }
0x245: {  	_ = 	snop  }
0x246: {  	s24 =	spop @!p0 (v2sf)  }
0x247: {  	s18 =	simm.s32 @!p0 $0x0;
	s20 =	smov.u32 s24  }
0x248: {  	[sflag:s14] =	ssyncpa.u1 $0x0;
	s24 =	smov.u32 @p0 s23;
	s20 =	smov.u32 @p0 s25  }
0x249: {  	v1 =	vld.msk [tilespmem:s19+$0x0], $0x1;
	_ =	sdelay $0x4  }
0x24a: {  	(v2sf) =	vpush v1, $0x0;
	_ =	sdelay $0xd  }
0x24b: {  	s0 =	simm.s32 @!p2 $0x0  }
0x24c: {  	s26 =	smul.u32 $0x36000, s21;
	s25 =	ssub.s32 $0x0, s22;
	s28 =	spop (v2sf)  }
0x24d: {  	s0 =	simm.s32 @p2 $0x1;
	s23 =	sadd.s32 $0x1, s25;
	p3 =	seq.s32 s24, s28  }
0x24e: {  	[smem:$0x7FC] =	sst s0;
	s0 =	sshrl.u32 s26, $0x2;
	p0 =	sgt.s32 @!p3 s24, $0x0  }
0x24f: {  	s21 =	sadd.s32 $0x40E8, s0;
	s0 =	smov.u32 s24;
	p0 =	por !p0, p3  }
0x250: {  	s0 =	simm.s32 @p0 $0x0;
	p0 =	seq.s32 s23, $0x0  }
.Ltmp13:
0x251: {  	_ = 	snop;
	(pc) =	sbr.rel @p0 .LBB2_15-.Ltmp13, $4  }
0x252: {  	s3 =	smov.u32 s8;
	s12 =	smov.u32 s5;
	s8 =	smov.u32 s6  }
0x253: {  	s22 =	simm.s32 $0x0;
	s29 =	simm.s32 @!p3 $0x1;
	s0 =	smin.u32 @!p3 s0, $0x270FF  }
0x254: {  	s30 =	simm.s32 @!p3 $0x1B38;
	s29 =	smov.u32 @p3 s22;
	s26 =	sand.u32 @!p3 $0x3FFF8, s0  }
0x255: {  	s31 =	sand.u32 @!p3 $0x7, s0;
	s0 =	sadd.s32 @!p3 s1, s26;
	s26 =	sadd.s32 $0x1, s19  }
.LBB2_14:
0x256: {  	s2 =	smov.u32 s29  }
0x257: {  	[tilespmem:s30], [sflag:$0x2] =	stream.linear.gather @!p3 [hbm4b:s0+s31], $0x4, $0x38;
	[tilespmem:$0x1F0E8] =	vst v63  }
0x258: {  	s23 =	sadd.s32 $0x1, s23;
	s0 =	smov.u32 s28;
	v1 =	vld.msk [tilespmem:s26+$0x0], $0x1  }
0x259: {  	p4 =	seq.s32 s23, $0x0;
	_ =	sdelay $0x3  }
0x25a: {  	(v2sf) =	vpush v1, $0x0;
	_ =	sdelay $0xe  }
0x25b: {  	s28 =	spop (v2sf)  }
0x25c: {  	p3 =	seq.s32 s0, s28  }
0x25d: {  	p0 =	sgt.s32 @!p3 s0, $0x0;
	s30 =	sshll.u32 @!p3 s29, $0x6;
	s29 =	sadd.s32 @!p3 $0x1, s29  }
.Ltmp14:
0x25e: {  	p0 =	por !p0, p3;
	s30 =	sshra.s32 @!p3 s30, $0x2;
	(pc) =	sbr.rel @!p4 .LBB2_14-.Ltmp14, $4  }
0x25f: {  	s29 =	smov.u32 @p3 s2;
	s0 =	simm.s32 @p0 $0x0;
	s30 =	sadd.s32 @!p3 $0x1B38, s30  }
0x260: {  	s0 =	smin.u32 @!p3 s0, $0x270FF  }
0x261: {  	s2 =	sand.u32 @!p3 $0x3FFF8, s0;
	s31 =	sand.u32 @!p3 $0x7, s0  }
0x262: {  	s26 =	sadd.s32 $0x1, s26;
	s0 =	sadd.s32 @!p3 s1, s2  }
.LBB2_15:
0x263: {  	[tilespmem:s30], [sflag:$0x2] =	stream.linear.gather @!p3 [hbm4b:s0+s31], $0x4, $0x38;
	[tilespmem:$0x1F0E8] =	vst v63  }
0x264: {  	s31 =	sshll.u32 s29, $0x2  }
0x265: {  	s2 =	simm.s32 $0x2;
	s0 =	sand.u32 $0x3FFFFFFC, s31  }
0x266: {  	_ =	swait.ge [sflag:s2], s0  }
0x267: {  	s0 =	ssub.s32 $0x0, s0;
	[sflag:s2] =	ssyncset.done $0x0  }
0x268: {  	[sflag:s2] =	ssyncadd.s32 s0  }
0x269: {  	v1 =	vld.msk [tilespmem:s19+$0x0], $0x1;
	_ =	sdelay $0x4  }
0x26a: {  	(v2sf) =	vpush v1, $0x0;
	_ =	sdelay $0xe  }
0x26b: {  	s23 =	spop (v2sf)  }
0x26c: {  	p3 =	sne.s32 s24, s23  }
0x26d: {  	p5 =	sne.s32 @p3 s24, s20  }
0x26e: {  	p4 =	por !p5, !p3  }
0x26f: {  	s0 =	simm.s32 @!p4 $0x0  }
0x270: {  	v1 =	vld.msk @!p4 [tilespmem:s0+$0x1B38], $0xf  }
0x271: {  	p6 =	sgt.u32 @!p4 s24, $0x270FF  }
0x272: {  	s2 =	sshll.u32 @!p4 s18, $0x6;
	p0 =	por @p3 p6, !p5  }
0x273: {  	s2 =	sshra.s32 @!p4 s2, $0x2;
	p2 =	por p0, !p3;
	p0 =	por p5, !p3  }
0x274: {  	s26 =	sadd.s32 @!p4 $0x28, s2;
	s28 =	sand.u32 @!p2 $0x3FFF8, s24;
	s29 =	sshll.u32 @!p0 s18, $0x6  }
0x275: {  	s24 =	sand.u32 @!p2 $0x7, s24;
	[tilespmem:s2+$0x28] =	vst.add.f32.msk @!p4 $0xf, v1;
	s2 =	sadd.s32 @!p2 s1, s28;
	s28 =	sshra.s32 @!p0 s29, $0x2  }
0x276: {  	[hbm4b:s2+s24] =	stream.linear.scatter @!p2 [tilespmem:s26], [sflag:$0xA], $0x4, $0x38;
	[tilespmem:$0x1F0E8] =	vst v63  }
0x277: {  	s0 =	rddreg [dreg:$0x2];
	s2 =	sadd.s32 @!p0 $0x28, s28;
	s24 =	simm.s32 @!p0 $0x1  }
0x278: {  	[spmem:s0] =	stream.linear.scatter @!p0 [tilespmem:s2], [sflag:$0x1], $0x4, $0x38;
	[tilespmem:$0x1F0E8] =	vst v63  }
0x279: {  	s0 =	sadd.s32 @p3 $0x1, s18;
	_ =	swait.ge @!p0 [sflag:s24], $0x4  }
0x27a: {  	s2 =	sshrl.u32 @p3 s0, $0x4;
	[sflag:s24] =	ssyncset.done @!p0 $0x0  }
0x27b: {  	s2 =	smulhi.u32 @p3 $0x97B425F, s2;
	[sflag:s24] =	ssyncadd.s32 @!p0 $0xFFFFFFFC  }
0x27c: {  	s24 =	sadd.s32 $0x1, s25;
	v1 =	vld.msk @p3 [tilespmem:s21+$0x0], $0xf  }
0x27d: {  	p0 =	por @p3 !p6, !p5;
	s2 =	smul.u32 @p3 $0x1B0, s2;
	p5 =	seq.s32 s24, $0x0  }
.Ltmp15:
0x27e: {  	s25 =	simm.s32 @!p4 $0x0;
	p0 =	por !p0, !p3;
	(pc) =	sbr.rel @p5 .LBB2_17-.Ltmp15, $4  }
0x27f: {  	s26 =	sshll.u32 @!p3 s18, $0x6;
	s25 =	simm.s32 @!p0 $0x10;
	s0 =	ssub.s32 @p3 s0, s2  }
0x280: {  	s26 =	sshra.s32 @!p3 s26, $0x2;
	s28 =	sadd.s32 @!p4 $0x0, s25;
	s29 =	sshll.u32 @p3 s0, $0x4  }
0x281: {  	s2 =	simm.s32 @p3 $0x1;
	s25 =	simm.s32 $0x0;
	s28 =	smov.u32 @p4 s22;
	[tilespmem:s29+$0x28] =	vst.msk @p3 $0xf, v1  }
0x282: {  	s18 =	smov.u32 @p3 s0;
	s22 =	smov.u32 @p3 s2;
	s25 =	smov.u32 @p3 s28;
	v1 =	vld.msk @!p3 [tilespmem:s21+$0x0], $0xf  }
.LBB2_16:
0x283: {  	_ =	sdelay $0x3  }
0x284: {  	s19 =	sadd.s32 $0x1, s19;
	[tilespmem:s26+$0x28] =	vst.add.f32.msk @!p3 $0xf, v1  }
0x285: {  	v1 =	vld.msk [tilespmem:s19+$0x0], $0x1;
	_ =	sdelay $0x4  }
0x286: {  	(v2sf) =	vpush v1, $0x0;
	_ =	sdelay $0xe  }
0x287: {  	s0 =	smov.u32 s23;
	s23 =	spop (v2sf)  }
0x288: {  	p3 =	sne.s32 s0, s23  }
0x289: {  	p6 =	sne.s32 @p3 s0, s20  }
0x28a: {  	p5 =	por !p6, !p3  }
0x28b: {  	s30 =	sshll.u32 @!p5 s22, $0x6  }
0x28c: {  	s30 =	sshra.s32 @!p5 s30, $0x2  }
0x28d: {  	p0 =	sgt.u32 @!p5 s0, $0x270FF;
	v1 =	vld.msk @!p5 [tilespmem:s30+$0x1B38], $0xf  }
0x28e: {  	s31 =	sshll.u32 @!p5 s18, $0x6;
	p2 =	por @p3 p0, !p6;
	p0 =	por @p3 !p0, !p6  }
0x28f: {  	s5 =	simm.s32 @!p5 $0x0;
	s31 =	sshra.s32 @!p5 s31, $0x2;
	p0 =	por !p0, !p3  }
0x290: {  	p6 =	por p6, !p3;
	s5 =	simm.s32 @!p0 $0x10;
	p0 =	por p2, !p3  }
0x291: {  	s30 =	sadd.s32 @!p5 $0x28, s31;
	s6 =	sshll.u32 @!p6 s18, $0x6;
	s10 =	sand.u32 @!p0 $0x3FFF8, s0  }
0x292: {  	s6 =	sshra.s32 @!p6 s6, $0x2;
	s0 =	sand.u32 @!p0 $0x7, s0;
	s10 =	sadd.s32 @!p0 s1, s10;
	[tilespmem:s31+$0x28] =	vst.add.f32.msk @!p5 $0xf, v1  }
0x293: {  	[hbm4b:s10+s0] =	stream.linear.scatter @!p0 [tilespmem:s30], [sflag:$0xA], $0x4, $0x38;
	[tilespmem:$0x1F0E8] =	vst v63  }
0x294: {  	s2 =	rddreg [dreg:$0x2];
	s0 =	sadd.s32 @!p6 $0x28, s6;
	s6 =	simm.s32 @!p6 $0x1  }
0x295: {  	[spmem:s2] =	stream.linear.scatter @!p6 [tilespmem:s0], [sflag:$0x1], $0x4, $0x38;
	[tilespmem:$0x1F0E8] =	vst v63  }
0x296: {  	s28 =	sadd.s32 @p3 $0x1, s18;
	_ =	swait.ge @!p6 [sflag:s6], $0x4  }
0x297: {  	s29 =	sshrl.u32 @p3 s28, $0x4;
	[sflag:s6] =	ssyncset.done @!p6 $0x0  }
0x298: {  	s21 =	sadd.s32 $0x80, s21;
	s29 =	smulhi.u32 @p3 $0x97B425F, s29;
	[sflag:s6] =	ssyncadd.s32 @!p6 $0xFFFFFFFC  }
0x299: {  	s24 =	sadd.s32 $0x1, s24;
	v1 =	vld.msk @p3 [tilespmem:s21+$0x0], $0xf  }
0x29a: {  	p4 =	seq.s32 s24, $0x0;
	s29 =	smul.u32 @p3 $0x1B0, s29  }
.Ltmp16:
0x29b: {  	_ = 	snop;
	(pc) =	sbr.rel @!p4 .LBB2_16-.Ltmp16, $4  }
0x29c: {  	s28 =	ssub.s32 @p3 s28, s29  }
0x29d: {  	s26 =	sshll.u32 @!p3 s18, $0x6;
	s5 =	sadd.s32 @!p5 s5, s25;
	s10 =	sshll.u32 @p3 s28, $0x4  }
0x29e: {  	s9 =	sadd.s32 @p3 $0x1, s22;
	s26 =	sshra.s32 @!p3 s26, $0x2;
	s5 =	smov.u32 @p5 s25;
	[tilespmem:s10+$0x28] =	vst.msk @p3 $0xf, v1  }
0x29f: {  	s22 =	smov.u32 @p3 s9;
	s18 =	smov.u32 @p3 s28;
	s25 =	smov.u32 @p3 s5;
	v1 =	vld.msk @!p3 [tilespmem:s21+$0x0], $0xf  }
.LBB2_17:
.Ltmp17:
0x2a0: {  	_ = 	snop;
	(pc) =	sbr.rel .LBB2_19-.Ltmp17, $4  }
0x2a1: {  	s2 =	sld [smem:$0x7FC]  }
0x2a2: {  	s0 =	sshrl.u32 s25, $0x2  }
0x2a3: {  	s24 =	smov.u32 s23;
	s6 =	smov.u32 s8;
	s5 =	smov.u32 s12  }
0x2a4: {  	s8 =	smov.u32 s3;
	s3 =	rddreg [dreg:$0x3];
	p2 =	seq.s32 s2, $0x1;
	[tilespmem:s26+$0x28] =	vst.add.f32.msk @!p3 $0xf, v1  }
.LBB2_21:
0x2a5: {  	_ =	sfence.sel $0x180000  }
0x2a6: {  	s0 =	simm.s32 $0x7;
	[bflag:$0x0] =	sbarrier.arrive $0xFFFF  }
0x2a7: {  	s23 =	simm.s32 $0x8;
	[sflag:s0] =	ssyncpa.u1 $0x1  }
0x2a8: {  	s24 =	simm.s32 $0x9;
	[sflag:s23] =	ssyncpa.u1 $0x1  }
0x2a9: {  	s25 =	simm.s32 $0x2;
	[sflag:s24] =	ssyncpa.u1 $0x1  }
0x2aa: {  	[sflag:s25] =	ssyncpa.u1 $0x1  }
0x2ab: {  	v0 =	vld [tilespmem:$0x3648];
	_ =	sdelay $0x4  }
0x2ac: {  	(v2sf) =	vpush v0, $0x0  }
0x2ad: {  	(v2sf) =	vpush v0, $0x1;
	_ =	sdelay $0x1  }
0x2ae: {  	(v2sf) =	vpush v0, $0x2;
	_ =	sdelay $0xb  }
0x2af: {  	s0 =	spop (v2sf)  }
0x2b0: {  	s2 =	spop (v2sf)  }
0x2b1: {  	s3 =	smov.u32 s0;
	p0 =	sne.s32 s0, s2  }
0x2b2: {  	s4 =	spop (v2sf);
	s3 =	simm.s32 @!p0 $0xFFFFFFFF  }
0x2b3: {  	v2 =	vimm.s32 $0x1;
	v3 =	vlaneseq.u32;
	p0 =	seq.s32 s4, $0xFFFFFFFF;
	v1 =	vmov s3  }
0x2b4: {  	s26 =	stileid.u32;
	v0 =	vperm.xlane v0, v2;
	p1 =	sne.s32 @!p0 s0, s2;
	v1 =	vperm.xlane v1, v3  }
0x2b5: {  	vm0 =	vcmask $0x3F04;
	s6 =	simm.s32 $0x3648;
	s0 =	simm.s32 @!p0 $0x1;
	p1 =	por !p1, p0  }
0x2b6: {  	s3 =	sshll.u32 s26, $0x1;
	s2 =	sshll.u32 @!p0 s4, $0x6;
	s0 =	simm.s32 @p1 $0x0;
	v0 =	vsel vm0, v1, v0  }
0x2b7: {  	s5 =	sor.u32 $0x200, s3;
	s2 =	sshra.s32 @!p0 s2, $0x2;
	s0 =	sor.u32 @!p0 s0, s3;
	[tilespmem:$0x3648] =	vst v0  }
0x2b8: {  	[spmem:s5] =	stream.linear.scatter [tilespmem:s6], [sflag:$0x1], $0x2, $0x38;
	[tilespmem:$0x1F0E8] =	vst v63  }
0x2b9: {  	s2 =	sadd.s32 @!p0 $0x28, s2;
	s0 =	sshll.u32 @!p0 s0, $0x4  }
0x2ba: {  	[spmem:s0] =	stream.linear.scatter @!p0 [tilespmem:s2], [sflag:$0x1], $0x10, $0x38;
	[tilespmem:$0x1F0E8] =	vst v63  }
0x2bb: {  	s0 =	simm.s32 @!p0 $0x12  }
0x2bc: {  	s2 =	simm.s32 $0x1;
	s0 =	simm.s32 @p0 $0x2  }
0x2bd: {  	_ =	swait.ge [sflag:s2], s0  }
0x2be: {  	s0 =	ssub.s32 $0x0, s0;
	[sflag:s2] =	ssyncset.done $0x0  }
0x2bf: {  	[sflag:s2] =	ssyncadd.s32 s0  }
0x2c0: {  	_ =	sfence.stream.spmem  }
0x2c1: {  	[bflag:$0x0] =	sbarrier.arrive $0xFFFF  }
0x2c2: {  	s28 =	simm.s32 $0x3;
	s31 =	sld [smem:$0x7FD]  }
0x2c3: {  	s29 =	simm.s32 $0x4;
	[sflag:s28] =	ssyncpa.u1 $0x1  }
0x2c4: {  	s30 =	simm.s32 $0x3C;
	[sflag:s29] =	ssyncpa.u1 $0x1  }
0x2c5: {  	[sflag:s30] =	ssyncpa.u1 $0x1;
	p0 =	seq.s32 s31, $0x1  }
0x2c6: {  	_ =	sfence @p0  }
0x2c7: {  	[sflag:s2] =	ssyncpa.u1 @p0 $0x1  }
0x2c8: {  	_ =	strace @p0 $0x90000056  }
0x2c9: {  	[bflag:$0x2] =	sbarrier.arrive @p0 $0xFFFF  }
0x2ca: {  	_ =	shalt @p0  }
.LBB2_22:
0x2cb: {  	_ =	sfence.stream.spmem;
	s0 =	simm.s32 $0x5  }
0x2cc: {  	s2 =	simm.s32 $0x200;
	s3 =	simm.s32 $0x3658;
	[sflag:s0] =	ssyncpa.u1 $0x0  }
0x2cd: {  	[tilespmem:s3], [sflag:$0x5] =	stream.linear.gather [spmem:s2], $0x20, $0x38;
	[tilespmem:$0x1F0E8] =	vst v63  }
0x2ce: {  	s30 =	simm.s32 $0x3678;
	s2 =	simm.s32 $0x0  }
0x2cf: {  	[tilespmem:s30], [sflag:$0x5] =	stream.linear.gather [spmem:s2], $0x200, $0x38;
	[tilespmem:$0x1F0E8] =	vst v63  }
.Ltmp18:
0x2d0: {  	_ = 	snop;
	(pc) =	sbr.rel .LBB2_23-.Ltmp18, $4  }
0x2d1: {  	_ =	swait.ge [sflag:s0], $0x220  }
0x2d2: {  	[sflag:s0] =	ssyncset.done $0x0  }
0x2d3: {  	s31 =	simm.s32 $0x6;
	[sflag:s0] =	ssyncadd.s32 $0xFFFFFDE0  }
0x2d4: {  	s3 =	simm.s32 $0x0;
	[sflag:s31] =	ssyncpa.u1 $0x0  }
.LBB2_28:
0x2d5: {  	p0 =	slt.u32 s4, $0x27100  }
0x2d6: {  	s0 =	sand.u32 @p0 $0x3FFF8, s4  }
0x2d7: {  	s4 =	sand.u32 @p0 $0x7, s4;
	s5 =	simm.s32 @p0 $0x3638;
	s0 =	sadd.s32 @p0 s1, s0  }
0x2d8: {  	[tilespmem:s5], [sflag:$0x6] =	stream.linear.gather @p0 [hbm4b:s0+s4], $0x4, $0x38;
	[tilespmem:$0x1F0E8] =	vst v63  }
0x2d9: {  	s0 =	simm.s32 @p0 $0x6  }
0x2da: {  	_ =	swait.ge @p0 [sflag:s0], $0x4  }
0x2db: {  	[sflag:s0] =	ssyncset.done @p0 $0x0  }
0x2dc: {  	[sflag:s0] =	ssyncadd.s32 @p0 $0xFFFFFFFC  }
0x2dd: {  	v1 =	vld @p0 [tilespmem:$0x3638];
	_ =	sdelay $0x2  }
0x2de: {  	s0 =	sshll.u32 @p0 s3, $0x6  }
0x2df: {  	s5 =	sshll.u32 @!p0 s3, $0x6;
	s4 =	sshrl.u32 @p0 s0, $0x2  }
0x2e0: {  	s5 =	smov.u32 @p0 s0;
	[tilespmem:s4+$0x3678] =	vst.add.f32.msk @p0 $0xffff, v1  }
0x2e1: {  	s0 =	sshrl.u32 s5, $0x2;
	[tilespmem:s2+$0x3658] =	vst.msk $0x1, v0  }
0x2e2: {  	v0 =	vld [tilespmem:s0+$0x3678];
	_ =	sdelay $0x2  }
0x2e3: {  	s31 =	sshll.u32 s2, $0x6  }
0x2e4: {  	s0 =	sshra.s32 s31, $0x2  }
0x2e5: {  	s2 =	sadd.s32 $0x1, s2;
	[tilespmem:s0+$0x3678] =	vst v0  }
.LBB2_30:
0x2e6: {  	s3 =	sadd.s32 $0x1, s3  }
0x2e7: {  	p0 =	sne.s32 s3, $0x20  }
.Ltmp19:
0x2e8: {  	_ = 	snop;
	(pc) =	sbr.rel @!p0 .LBB2_31-.Ltmp19, $1  }
0x2e9: {  	_ =	sdelay $0x3  }
.LBB2_23:
0x2ea: {  	v0 =	vld.msk [tilespmem:s3+$0x3658], $0x1;
	_ =	sdelay $0x4  }
0x2eb: {  	(v2sf) =	vpush v0, $0x0;
	_ =	sdelay $0xe  }
0x2ec: {  	s4 =	spop (v2sf)  }
0x2ed: {  	p0 =	seq.s32 s4, $0xFFFFFFFF  }
.Ltmp20:
0x2ee: {  	_ = 	snop;
	(pc) =	sbr.rel @p0 .LBB2_30-.Ltmp20, $1  }
0x2ef: {  	_ =	sdelay $0x3  }
0x2f0: {  	p0 =	slt.s32 s2, $0x1  }
.Ltmp21:
0x2f1: {  	_ = 	snop;
	(pc) =	sbr.rel @p0 .LBB2_28-.Ltmp21, $1  }
0x2f2: {  	_ =	sdelay $0x3  }
0x2f3: {  	s5 =	simm.s32 $0x3658;
	p0 =	por $0x0, $0x0  }
0x2f4: {  	v1 =	vld.msk @!p0 [tilespmem:s5+$0x0], $0x1;
	_ =	sdelay $0x4  }
0x2f5: {  	(v2sf) =	vpush @!p0 v1, $0x0;
	_ =	sdelay $0xd  }
0x2f6: {  	p2 =	sne.s32 s2, $0x1  }
.Ltmp22:
0x2f7: {  	s0 =	spop @!p0 (v2sf);
	(pc) =	sbr.rel @!p2 .LBB2_27-.Ltmp22, $4  }
0x2f8: {  	p1 =	seq.s32 @!p0 s4, s0  }
0x2f9: {  	s6 =	simm.s32 $0x0;
	p1 =	por !p1, p0  }
0x2fa: {  	s0 =	simm.s32 $0xFFFFFFFF;
	s6 =	simm.s32 @p1 $0xFFFFFFFF  }
0x2fb: {  	s7 =	simm.s32 $0x1;
	s6 =	smov.u32 @p0 s0  }
.LBB2_26:
0x2fc: {  	s0 =	smov.u32 s6;
	p0 =	sne.s32 s6, $0xFFFFFFFF  }
0x2fd: {  	s5 =	sadd.s32 $0x1, s5;
	s6 =	smov.u32 s7;
	s7 =	sadd.s32 $0x1, s7  }
0x2fe: {  	p1 =	sne.s32 s2, s7;
	v1 =	vld.msk @!p0 [tilespmem:s5+$0x0], $0x1;
	_ =	sdelay $0x4  }
0x2ff: {  	(v2sf) =	vpush @!p0 v1, $0x0;
	_ =	sdelay $0xe  }
.Ltmp23:
0x300: {  	s8 =	spop @!p0 (v2sf);
	(pc) =	sbr.rel @p1 .LBB2_26-.Ltmp23, $4  }
0x301: {  	p2 =	seq.s32 @!p0 s4, s8  }
0x302: {  	p2 =	por !p2, p0  }
0x303: {  	s6 =	simm.s32 @p2 $0xFFFFFFFF  }
0x304: {  	s6 =	smov.u32 @p0 s0  }
.LBB2_27:
0x305: {  	p0 =	sne.s32 s6, $0xFFFFFFFF  }
.Ltmp24:
0x306: {  	_ = 	snop;
	(pc) =	sbr.rel @!p0 .LBB2_28-.Ltmp24, $1  }
0x307: {  	_ =	sdelay $0x3  }
0x308: {  	s0 =	sshll.u32 s3, $0x4  }
0x309: {  	s0 =	sand.u32 $0x3FFFFFF0, s0  }
0x30a: {  	v0 =	vld [tilespmem:s0+$0x3678]  }
.Ltmp25:
0x30b: {  	_ = 	snop;
	(pc) =	sbr.rel .LBB2_30-.Ltmp25, $4  }
0x30c: {  	_ = 	snop  }
0x30d: {  	s31 =	sshll.u32 s6, $0x6  }
0x30e: {  	s0 =	sshra.s32 s31, $0x2  }
0x30f: {  	[tilespmem:s0+$0x3678] =	vst.add.f32.msk $0xffff, v0  }
.LBB2_31:
0x310: {  	p0 =	slt.s32 s2, $0x1  }
.Ltmp26:
0x311: {  	_ = 	snop;
	(pc) =	sbr.rel @p0 .LBB2_35-.Ltmp26, $3  }
0x312: {  	_ =	sdelay $0x1  }
0x313: {  	s0 =	simm.s32 $0x6  }
0x314: {  	s3 =	simm.s32 $0x0;
	[sflag:s0] =	ssyncpa.u1 $0x1  }
0x315: {  	s0 =	simm.s32 $0x3658  }
0x316: {  	v0 =	vld.msk [tilespmem:s0+$0x0], $0x1;
	_ =	sdelay $0x4  }
0x317: {  	(v2sf) =	vpush v0, $0x0;
	_ =	sdelay $0xd  }
0x318: {  	s2 =	sadd.s32 $0xFFFFFFFF, s2  }
0x319: {  	p1 =	sne.s32 s2, $0x0;
	s0 =	spop (v2sf)  }
.Ltmp27:
0x31a: {  	p0 =	sgt.u32 s0, $0x270FF;
	(pc) =	sbr.rel @!p1 .LBB2_34-.Ltmp27, $4  }
0x31b: {  	s4 =	simm.s32 $0x3678;
	s5 =	sand.u32 @!p0 $0x3FFF8, s0  }
0x31c: {  	s6 =	simm.s32 $0x0;
	s0 =	sand.u32 @!p0 $0x7, s0;
	s5 =	sadd.s32 @!p0 s1, s5  }
0x31d: {  	[hbm4b:s5+s0] =	stream.linear.scatter @!p0 [tilespmem:s4], [sflag:$0x5], $0x4, $0x38;
	[tilespmem:$0x1F0E8] =	vst v63  }
0x31e: {  	s6 =	simm.s32 @!p0 $0x10;
	s5 =	simm.s32 $0x3659  }
.LBB2_33:
0x31f: {  	v0 =	vld.msk [tilespmem:s5+$0x0], $0x1;
	s2 =	sadd.s32 $0xFFFFFFFF, s2;
	s3 =	sadd.s32 s3, s6  }
0x320: {  	p0 =	sne.s32 s2, $0x0;
	_ =	sdelay $0x3  }
0x321: {  	(v2sf) =	vpush v0, $0x0;
	_ =	sdelay $0xe  }
.Ltmp28:
0x322: {  	s0 =	spop (v2sf);
	(pc) =	sbr.rel @p0 .LBB2_33-.Ltmp28, $4  }
0x323: {  	s6 =	simm.s32 $0x0;
	p1 =	sgt.u32 s0, $0x270FF  }
0x324: {  	s4 =	sadd.s32 $0x10, s4;
	s6 =	simm.s32 @!p1 $0x10;
	s7 =	sand.u32 @!p1 $0x3FFF8, s0  }
0x325: {  	s5 =	sadd.s32 $0x1, s5;
	s0 =	sand.u32 @!p1 $0x7, s0;
	s7 =	sadd.s32 @!p1 s1, s7  }
0x326: {  	[hbm4b:s7+s0] =	stream.linear.scatter @!p1 [tilespmem:s4], [sflag:$0x5], $0x4, $0x38;
	[tilespmem:$0x1F0E8] =	vst v63  }
.LBB2_34:
0x327: {  	s0 =	sadd.s32 s3, s6  }
0x328: {  	s3 =	sshrl.u32 s0, $0x2  }
.LBB2_35:
0x329: {  	s0 =	simm.s32 $0x5  }
0x32a: {  	_ =	swait.ge [sflag:s0], s3  }
0x32b: {  	s1 =	ssub.s32 $0x0, s3;
	[sflag:s0] =	ssyncset.done $0x0  }
0x32c: {  	[sflag:s0] =	ssyncadd.s32 s1  }
0x32d: {  	[sflag:s0] =	ssyncpa.u1 $0x1  }
0x32e: {  	s30 =	simm.s32 $0x1;
	_ =	sfence  }
0x32f: {  	[sflag:s30] =	ssyncpa.u1 $0x1  }
0x330: {  	_ =	strace $0x90000056  }
0x331: {  	[bflag:$0x2] =	sbarrier.arrive $0xFFFF  }
0x332: {  	s31 =	rddreg [dreg:$0x1]  }
0x333: {  	s0 =	sadd.s32 $0x100000, s31  }
0x334: {  	[sflag:s0] =	ssyncadd.tile.s32 $0x1;
	_ =	shalt  }
.Lfunc_end2:
_tile_overlayer_lowered:
.L_overlay_start_2:
0x335: {  	(tag) =	ssettag $0x2  }
0x336: {  	s0 =	rddreg [dreg:$0x0];
	s2 =	stileid.u32  }
0x337: {  	s1 =	rddreg [dreg:$0x1];
	p0 =	sne.s32 s2, $0x0  }
0x338: {  	s3 =	rddreg [dreg:$0x2];
	[bflag:$0x3] =	sbarrier.arrive $0xFFFF;
	s2 =	simm.s32 @!p0 $0x1C01  }
0x339: {  	[timem:s3], [sflag:s2] =	dma.local @!p0 [hbm:s0], s1  }
0x33a: {  	s0 =	simm.s32 @!p0 $0x1  }
0x33b: {  	_ =	swait.ge @!p0 [sflag:s0], s1  }
0x33c: {  	s1 =	ssub.s32 @!p0 $0x0, s1;
	[sflag:s0] =	ssyncset.done @!p0 $0x0  }
0x33d: {  	[sflag:s0] =	ssyncadd.s32 @!p0 s1  }
0x33e: {  	[bflag:$0x3] =	sbarrier.arrive $0xFFFF  }
0x33f: {  	_ =	shalt  }

// kernel: scatter_offload_async_start
scs
__scs_entry_jumppad:
0x0: {  	(pc) =	sbr.rel $0x88, $3  }
0x1: {  	(tag) =	ssettag $0x0;
	lr =	simm.s32 $0x1  }
0x2: {  	[smem:$0x3F8A] =	sst lr;
	_ =	strace $0xD0000000  }
0x3: {  	_ = 	snop  }
0x4: {  	_ = 	snop  }
0x5: {  	_ = 	snop  }
0x6: {  	_ = 	snop  }
0x7: {  	_ = 	snop  }
__scs_overlays_trampoline_lowered:
0x8: {  	[smem:$0x3F99] =	sst s0  }
0x9: {  	[smem:$0x3F9A] =	sst s1  }
0xa: {  	[smem:$0x3F9B] =	sst s2  }
0xb: {  	[smem:$0x3F9C] =	sst s3  }
0xc: {  	[smem:$0x3F9D] =	sst s4  }
0xd: {  	[smem:$0x3F9E] =	sst s5  }
0xe: {  	[smem:$0x3F9F] =	sst s6  }
0xf: {  	[smem:$0x3FA0] =	sst s7  }
0x10: {  	[smem:$0x3FA1] =	sst s8  }
0x11: {  	[smem:$0x3FA2] =	sst s9;
	s0 =	simm.s32 @!p0 $0x0  }
0x12: {  	s1 =	sld [smem:$0x3F88];
	s0 =	simm.s32 @p0 $0x1  }
0x13: {  	[smem:$0x3FA3] =	sst s0;
	s0 =	simm.s32 @!p1 $0x0  }
0x14: {  	s2 =	sld [smem:$0x3F87];
	s0 =	simm.s32 @p1 $0x1  }
0x15: {  	[smem:$0x3FA4] =	sst s0;
	s0 =	simm.s32 @!p2 $0x0  }
0x16: {  	s3 =	sld [smem:$0x3FDB];
	s0 =	simm.s32 @p2 $0x1  }
0x17: {  	s4 =	simm.s32 $0x1BF5;
	[smem:$0x3FA6] =	sst s0  }
0x18: {  	s0 =	sld [smem:$0x3F89];
	_ =	swait.ge [sflag:s4], $0x0  }
0x19: {  	s7 =	sld [smem:$0x3F8A]  }
0x1a: {  	s8 =	sadd.s32 $0xFFFFE003, lr  }
0x1b: {  	s9 =	sadd.s32 $0xFFFFFEF7, lr;
	s5 =	simm.s32 $0xFFFFFFFF;
	p2 =	slt.u32 s8, $0xFFFFF086  }
0x1c: {  	p1 =	slt.u32 s9, $0xF7A;
	s5 =	simm.s32 @!p2 $0x0  }
0x1d: {  	s5 =	simm.s32 @p1 $0x1;
	p0 =	seq.s32 s7, s2  }
0x1e: {  	s7 =	smul.u32 @!p0 $0xF7A, s2;
	p2 =	seq.s32 @!p0 s5, $0x0  }
0x1f: {  	s9 =	smul.u32 $0xF7A, s1;
	s8 =	simm.s32 @!p0 $0x1BF5;
	p2 =	por !p2, p0  }
0x20: {  	[sflag:s8] =	ssyncset.s32 @!p0 $0xFFFFF086;
	s6 =	sadd.s32 @!p0 s3, s7;
	s7 =	simm.s32 @!p0 $0x108  }
0x21: {  	s3 =	sadd.s32 s3, s9;
	s6 =	sadd.s32 @!p0 $0x88, s6;
	s7 =	simm.s32 @p2 $0x1082  }
0x22: {  	[simem:s7], [sflag:s8] =	dma.local @!p0 [hbm:s6], $0xF7A  }
0x23: {  	s9 =	sor.u32 $0xD0000000, s2;
	s6 =	simm.s32 $0x108;
	_ =	swait.ge @!p0 [sflag:s8], $0x0  }
0x24: {  	s3 =	sadd.s32 $0x88, s3;
	s6 =	simm.s32 @!p1 $0x1082;
	[sflag:s4] =	ssyncset.s32 $0xFFFFF086  }
0x25: {  	[simem:s6], [sflag:s4] =	dma.local [hbm:s3], $0xF7A  }
0x26: {  	[smem:$0x3F8A] =	sst s1;
	(tag) =	ssettag s2;
	_ =	strace s9  }
0x27: {  	s1 =	sld [smem:$0x3F9A]  }
0x28: {  	s2 =	sld [smem:$0x3F9B]  }
0x29: {  	s4 =	sld [smem:$0x3F9D]  }
0x2a: {  	p0 =	seq.s32 s5, $0x0;
	s5 =	sld [smem:$0x3F9E]  }
0x2b: {  	s6 =	sld [smem:$0x3F9F]  }
0x2c: {  	s7 =	sld [smem:$0x3FA0]  }
0x2d: {  	s3 =	simm.s32 $0x108;
	s8 =	sld [smem:$0x3FA1]  }
0x2e: {  	s3 =	simm.s32 @!p0 $0x1082;
	s9 =	sld [smem:$0x3FA2]  }
0x2f: {  	lr =	sadd.s32 s0, s3;
	s0 =	sld [smem:$0x3F99]  }
0x30: {  	s3 =	sld [smem:$0x3F9C]  }
0x31: {  	[smem:$0x3FA5] =	sst s10  }
0x32: {  	s10 =	sld [smem:$0x3FA3];
	_ =	sdelay $0x3  }
0x33: {  	p0 =	seq.s32 s10, $0x1;
	s10 =	sld [smem:$0x3FA5];
	_ =	sdelay $0x3  }
0x34: {  	[smem:$0x3FA5] =	sst s10  }
0x35: {  	s10 =	sld [smem:$0x3FA4];
	_ =	sdelay $0x3  }
0x36: {  	p1 =	seq.s32 s10, $0x1;
	s10 =	sld [smem:$0x3FA5];
	_ =	sdelay $0x3  }
0x37: {  	[smem:$0x3FA5] =	sst s10  }
0x38: {  	s10 =	sld [smem:$0x3FA6]  }
0x39: {  	_ = 	snop;
	(pc) =	sbr.ind lr, $3  }
0x3a: {  	_ = 	snop  }
0x3b: {  	_ = 	snop  }
0x3c: {  	p2 =	seq.s32 s10, $0x1;
	s10 =	sld [smem:$0x3FA5]  }
0x3d: {  	_ =	shalt  }
0x3e: {  	_ =	shalt  }
0x3f: {  	_ =	shalt  }
0x40: {  	_ =	shalt  }
0x41: {  	_ =	shalt  }
0x42: {  	_ =	shalt  }
0x43: {  	_ =	shalt  }
0x44: {  	_ =	shalt  }
0x45: {  	_ =	shalt  }
0x46: {  	_ =	shalt  }
0x47: {  	_ =	shalt  }
0x48: {  	_ =	shalt  }
0x49: {  	_ =	shalt  }
0x4a: {  	_ =	shalt  }
0x4b: {  	_ =	shalt  }
0x4c: {  	_ =	shalt  }
0x4d: {  	_ =	shalt  }
0x4e: {  	_ =	shalt  }
0x4f: {  	_ =	shalt  }
0x50: {  	_ =	shalt  }
0x51: {  	_ =	shalt  }
0x52: {  	_ =	shalt  }
0x53: {  	_ =	shalt  }
0x54: {  	_ =	shalt  }
0x55: {  	_ =	shalt  }
0x56: {  	_ =	shalt  }
0x57: {  	_ =	shalt  }
0x58: {  	_ =	shalt  }
0x59: {  	_ =	shalt  }
0x5a: {  	_ =	shalt  }
0x5b: {  	_ =	shalt  }
0x5c: {  	_ =	shalt  }
0x5d: {  	_ =	shalt  }
0x5e: {  	_ =	shalt  }
0x5f: {  	_ =	shalt  }
0x60: {  	_ =	shalt  }
0x61: {  	_ =	shalt  }
0x62: {  	_ =	shalt  }
0x63: {  	_ =	shalt  }
0x64: {  	_ =	shalt  }
0x65: {  	_ =	shalt  }
0x66: {  	_ =	shalt  }
0x67: {  	_ =	shalt  }
0x68: {  	_ =	shalt  }
0x69: {  	_ =	shalt  }
0x6a: {  	_ =	shalt  }
0x6b: {  	_ =	shalt  }
0x6c: {  	_ =	shalt  }
0x6d: {  	_ =	shalt  }
0x6e: {  	_ =	shalt  }
0x6f: {  	_ =	shalt  }
0x70: {  	_ =	shalt  }
0x71: {  	_ =	shalt  }
0x72: {  	_ =	shalt  }
0x73: {  	_ =	shalt  }
0x74: {  	_ =	shalt  }
0x75: {  	_ =	shalt  }
0x76: {  	_ =	shalt  }
0x77: {  	_ =	shalt  }
0x78: {  	_ =	shalt  }
0x79: {  	_ =	shalt  }
0x7a: {  	_ =	shalt  }
0x7b: {  	_ =	shalt  }
0x7c: {  	_ =	shalt  }
0x7d: {  	_ =	shalt  }
0x7e: {  	_ =	shalt  }
0x7f: {  	_ =	shalt  }
0x80: {  	_ =	shalt  }
0x81: {  	_ =	shalt  }
0x82: {  	_ =	shalt  }
0x83: {  	_ =	shalt  }
0x84: {  	_ =	shalt  }
0x85: {  	_ =	shalt  }
0x86: {  	_ =	shalt  }
0x87: {  	_ =	shalt  }
.Lfunc_end0:
.L_simem_size_0:
called_computation_lowered:
.L_overlay_start_0:
0x88: {  	s0 =	sld [smem:$0x3FD9]  }
0x89: {  	s1 =	sld [smem:$0x3FFE];
	_ =	sdelay $0x3  }
0x8a: {  	s0 =	sadd.s32 s1, s0  }
0x8b: {  	[smem:$0x3FB1] =	sst s0  }
0x8c: {  	_ = 	snop  }
0x8d: {  	(tm) =	ssettm $0x1  }
0x8e: {  	s14 =	sld [smem:$0x3FFB];
	_ =	sdelay $0x3  }
0x8f: {  	_ =	strace s14  }
0x90: {  	s0 =	sld [smem:$0x3FFC];
	_ =	sdelay $0x3  }
0x91: {  	_ =	strace s0  }
0x92: {  	s0 =	sld [smem:$0x3FFD];
	_ =	sdelay $0x3  }
0x93: {  	_ =	strace s0  }
0x94: {  	_ =	strace $0x8FFFFFFF  }
0x95: {  	s15 =	sld [smem:$0x3FDB];
	_ =	sdelay $0x1  }
0x96: {  	s16 =	simm.s32 $_scs_section_size  }
0x97: {  	s2 =	simm.s32 $_size__tile_overlayer_lowered;
	s3 =	simm.s32 $_tile_overlayer_lowered  }
0x98: {  	s4 =	simm.s32 $0x1BFF;
	s17 =	sshll.u32 s3, $0x1;
	s1 =	sadd.s32 s16, s15  }
0x99: {  	s18 =	simm.s32 $0x0;
	s2 =	sshll.u32 s2, $0x1;
	s3 =	sadd.s32 s17, s1  }
0x9a: {  	[timem:s18], [sflag:s4] =	dma.local [hbm:s3], s2  }
0x9b: {  	_ =	swait.ge [sflag:s4], s2  }
0x9c: {  	s2 =	ssub.s32 $0x0, s2;
	[sflag:s4] =	ssyncset.done $0x0  }
0x9d: {  	[sflag:s4] =	ssyncadd.s32 s2;
	_ =	sdelay $0x1  }
0x9e: {  	s19 =	simm.s32 $0x1B8B  }
0x9f: {  	_ =	swait.ge [sflag:s19], $0x1  }
0xa0: {  	[sflag:s19] =	ssyncset.done $0x0  }
0xa1: {  	s21 =	simm.s32 $0x1B8E;
	s20 =	sld [smem:$0x3FFE];
	[sflag:s19] =	ssyncadd.s32 $0xFFFFFFFF  }
0xa2: {  	s22 =	simm.s32 $execute0_lowered;
	[smem:$0x3FD2] =	sst s21  }
0xa3: {  	s3 =	sshll.u32 s22, $0x1;
	_ =	strace $0x8000004F;
	[dreg:$0x1] =	wrdreg $0xFFFFFFFF  }
0xa4: {  	s23 =	simm.s32 $_size_execute0_lowered;
	s3 =	sadd.s32 s1, s3;
	[dreg:$0x0] =	wrdreg $0x0  }
0xa5: {  	s4 =	sshll.u32 s23, $0x1;
	[dreg:$0x2] =	wrdreg s3  }
0xa6: {  	[dreg:$0x3] =	wrdreg s4  }
0xa7: {  	[dreg:$0x4] =	wrdreg $0xC0  }
0xa8: {  	s24 =	simm.s32 $execute1_lowered;
	_ =	task [dreg:s18], $0x5FFFF  }
0xa9: {  	s3 =	sshll.u32 s24, $0x1;
	[dreg:$0x1] =	wrdreg $0xFFFFFFFF  }
0xaa: {  	s1 =	sadd.s32 s1, s3;
	[dreg:$0x0] =	wrdreg $0x60  }
0xab: {  	[dreg:$0x2] =	wrdreg s1  }
0xac: {  	[dreg:$0x3] =	wrdreg s20  }
0xad: {  	[dreg:$0x4] =	wrdreg $0x9  }
0xae: {  	_ =	task.clear_ibuf [dreg:s18], $0x5FFFF;
	_ =	strace $0x9000004F  }
0xaf: {  	s25 =	simm.s32 $0x9;
	_ =	strace $0x80000051  }
0xb0: {  	_ =	swait.ge [sflag:s25], $0x1  }
0xb1: {  	[sflag:s25] =	ssyncadd.s32 $0xFFFFFFFF  }
0xb2: {  	_ =	strace $0x90000051  }
0xb3: {  	_ =	strace $0x80000052;
	[dreg:$0x1] =	wrdreg $0xFFFFFFFF  }
0xb4: {  	[dreg:$0x0] =	wrdreg $0x2030  }
0xb5: {  	[dreg:$0x2] =	wrdreg s20  }
0xb6: {  	[dreg:$0x3] =	wrdreg $0xA  }
0xb7: {  	_ =	task.clear_ibuf [dreg:s18], $0x4FFFF;
	_ =	strace $0x90000052  }
0xb8: {  	s26 =	simm.s32 $0xA;
	_ =	strace $0x80000054  }
0xb9: {  	_ =	swait.ge [sflag:s26], $0x1  }
0xba: {  	[sflag:s26] =	ssyncadd.s32 $0xFFFFFFFF  }
0xbb: {  	_ =	strace $0x90000054  }
0xbc: {  	_ =	sfence  }
0xbd: {  	s28 =	sld [smem:$0x0];
	_ =	sdelay $0x1  }
0xbe: {  	s29 =	srdreg.scid  }
0xbf: {  	s30 =	sshll.u32 s29, $0xD;
	s31 =	sshrl.u32 s29, $0x2  }
0xc0: {  	s2 =	sand.u32 $0x1, s29;
	s3 =	sand.u32 $0x4000, s30;
	s1 =	sadd.s32 s31, s28  }
0xc1: {  	s2 =	sor.u32 s3, s2;
	s1 =	sshll.u32 s1, $0x11  }
0xc2: {  	s1 =	sor.u32 s1, s2  }
0xc3: {  	s1 =	sadd.s32 $0x8F2B, s1  }
0xc4: {  	[sflag:s1] =	ssyncadd.remote.s32 $0x1  }
0xc5: {  	_ =	sfence.sel $0xFFFF  }
0xc6: {  	[dreg:$0x0] =	wrdreg $0xFFFFFFFF;
	(pc) =	sbr.abs _section_cstart, $3  }
0xc7: {  	[dreg:$0x1] =	wrdreg $0xFFFFFFFF  }
0xc8: {  	_ =	task.clear_ibuf [dreg:s18], $0x2FFFF;
	_ =	strace $0x9FFFFFFF  }
0xc9: {  	(tm) =	ssettm $0x7FFFFFFF  }
tec
execute0_lowered:
.L_overlay_start_1:
0x0: {  	(tag) =	ssettag $0x1  }
0x1: {  	s2 =	rddreg [dreg:$0x0]  }
0x2: {  	s5 =	rddreg [dreg:$0x1]  }
0x3: {  	s0 =	rddreg [dreg:$0x2];
	s3 =	stileid.u32  }
0x4: {  	[bflag:$0x3] =	sbarrier.arrive $0xFFFF;
	s1 =	simm.s32 $_size_execute1_lowered;
	s31 =	simm.s32 $0x2  }
0x5: {  	s13 =	simm.s32 $0x0;
	s8 =	simm.s32 $0x20;
	s9 =	simm.s32 $0x80  }
0x6: {  	s11 =	simm.s32 $0x0;
	s12 =	simm.s32 $0x0;
	p0 =	sne.s32 s3, $0x0  }
0x7: {  	s1 =	sshll.u32 s1, $0x1;
	s3 =	sshll.u32 s3, $0x9;
	s4 =	simm.s32 @!p0 $0x1C3F  }
.Ltmp0:
0x8: {  	s6 =	simm.s32 @!p0 $0x4060;
	s7 =	ssub.s32 $0x2600, s3;
	(pc) =	sbr.rel .LBB2_1-.Ltmp0, $4  }
0x9: {  	[timem:s6], [sflag:s4] =	dma.local @!p0 [hbm:s2], s1  }
0xa: {  	s10 =	smov.u32 s3;
	s4 =	simm.s32 $0x1;
	_ =	strace $0x80000050  }
0xb: {  	s2 =	sadd.s32 $0x116000, s5;
	s6 =	sshrl.u32 s7, $0xD;
	[sflag:s4] =	ssyncpa.u1 $0x0  }
0xc: {  	s5 =	sadd.s32 $0x13D200, s5;
	s7 =	sor.u32 $0x2, s6;
	[sflag:s31] =	ssyncpa.u1 $0x0  }
.LBB2_5:
0xd: {  	_ =	sdelay $0x3  }
0xe: {  	[tilespmem:v1+s16+$0x0 ss:$0x1] =	vst.idx.msk $0xffff, v2  }
.LBB2_6:
0xf: {  	s16 =	sand.u32 $0x1FFFFFF, s11  }
0x10: {  	s17 =	smulhi.u32 $0x1A36E2F, s16;
	_ =	sdelay $0x1  }
0x11: {  	s17 =	sshrl.u32 s17, $0x6  }
0x12: {  	s17 =	smul.u32 $0x2710, s17;
	_ =	sdelay $0x1  }
0x13: {  	s16 =	ssub.s32 s16, s17  }
0x14: {  	s16 =	sshll.u32 s16, $0x4  }
0x15: {  	s16 =	sadd.s32 s5, s16  }
0x16: {  	[hbm4b:s16+s8] =	stream.strided.scatter [tilespmem:s15], [sflag:$0x2], s14, s9, s8, $0x38;
	[tilespmem:$0x10000] =	vst v63  }
.LBB2_7:
0x17: {  	p1 =	slt.u32 s12, $0x2  }
0x18: {  	p2 =	sgt.s32 @!p1 s13, $0x2510  }
0x19: {  	s14 =	smov.u32 s13;
	s15 =	sshra.s32 @!p1 s13, $0x1F;
	p2 =	por !p2, p1  }
0x1a: {  	s13 =	sand.u32 @!p1 s15, s13;
	s14 =	simm.s32 @p2 $0x2510  }
0x1b: {  	s13 =	ssub.s32 @!p1 s14, s13  }
0x1c: {  	s13 =	sadd.s32 @!p1 $0xFFFFDAF0, s13  }
0x1d: {  	s14 =	sshll.u32 @!p1 s13, $0x7  }
0x1e: {  	p2 =	sgt.s32 @!p1 s13, $0x1FF;
	s13 =	ssub.s32 @!p1 $0x10000, s14  }
0x1f: {  	s15 =	sadd.s32 $0x2000, s10;
	p2 =	por !p2, p1;
	s13 =	sshrl.u32 @!p1 s13, $0x2  }
0x20: {  	s13 =	simm.s32 @!p2 $0x0;
	p2 =	sgt.s32 s15, $0x270F  }
0x21: {  	s15 =	smov.u32 @p2 s3;
	p2 =	sne.s32 s12, s7  }
.Ltmp1:
0x22: {  	_ = 	snop;
	(pc) =	sbr.rel @!p2 .LBB2_8-.Ltmp1, $4  }
0x23: {  	s14 =	simm.s32 @!p1 $0x2  }
0x24: {  	_ =	swait.ge @!p1 [sflag:s14], s13;
	s16 =	ssub.s32 @!p1 $0x0, s13  }
0x25: {  	s13 =	smov.u32 s11;
	s12 =	sadd.s32 $0x1, s12;
	[sflag:s14] =	ssyncset.done @!p1 $0x0  }
0x26: {  	s11 =	smov.u32 s10;
	s10 =	smov.u32 s15;
	[sflag:s14] =	ssyncadd.s32 @!p1 s16  }
.LBB2_1:
0x27: {  	p1 =	sgt.u32 s12, s6  }
0x28: {  	s15 =	smov.u32 s10;
	p2 =	sgt.s32 @!p1 s10, $0x2510  }
0x29: {  	s14 =	sand.u32 @!p1 $0x1FFFFFF, s10;
	s16 =	sshra.s32 @!p1 s10, $0x1F;
	p2 =	por !p2, p1  }
0x2a: {  	s17 =	smulhi.u32 @!p1 $0x1A36E2F, s14;
	s16 =	sand.u32 @!p1 s16, s10;
	s15 =	simm.s32 @p2 $0x2510  }
0x2b: {  	s15 =	ssub.s32 @!p1 s15, s16  }
0x2c: {  	s16 =	sshrl.u32 @!p1 s17, $0x6;
	s15 =	sadd.s32 @!p1 $0xFFFFDAF0, s15  }
0x2d: {  	s17 =	sxor.u32 @!p1 $0xFFFFFFFF, s12;
	s16 =	smul.u32 @!p1 $0x2710, s16;
	s18 =	sshll.u32 @!p1 s15, $0x7  }
0x2e: {  	s17 =	sshll.u32 @!p1 s17, $0xE;
	p2 =	sgt.s32 @!p1 s15, $0x1FF;
	s15 =	ssub.s32 @!p1 $0x10000, s18  }
0x2f: {  	s14 =	ssub.s32 @!p1 s14, s16;
	p2 =	por !p2, p1;
	s16 =	sand.u32 @!p1 $0x4000, s17  }
0x30: {  	s17 =	simm.s32 @!p1 $0x20;
	s15 =	sshrl.u32 @!p1 s15, $0x2;
	s14 =	sshll.u32 @!p1 s14, $0x4  }
0x31: {  	s18 =	simm.s32 @!p1 $0x80;
	s15 =	simm.s32 @!p2 $0x0;
	s14 =	sadd.s32 @!p1 s2, s14  }
0x32: {  	[tilespmem:s16], [sflag:$0x1] =	stream.strided.gather @!p1 [hbm4b:s14+s17], s15, s18, s17, $0x38;
	[tilespmem:$0x10000] =	vst v63  }
0x33: {  	p1 =	seq.s32 s12, $0x0  }
0x34: {  	p2 =	sge.u32 @!p1 s12, s7  }
0x35: {  	p1 =	por p1, p2  }
.Ltmp2:
0x36: {  	_ = 	snop;
	(pc) =	sbr.rel @p1 .LBB2_7-.Ltmp2, $1  }
0x37: {  	_ =	sdelay $0x3  }
0x38: {  	p1 =	sgt.s32 s11, $0x2510;
	s14 =	smov.u32 s11;
	s15 =	sshra.s32 s11, $0x1F  }
0x39: {  	s14 =	simm.s32 @!p1 $0x2510;
	s15 =	sand.u32 s15, s11  }
0x3a: {  	s14 =	ssub.s32 s14, s15  }
0x3b: {  	s14 =	sadd.s32 $0xFFFFDAF0, s14  }
0x3c: {  	s31 =	sshll.u32 s14, $0x7  }
0x3d: {  	s15 =	ssub.s32 $0x10000, s31  }
0x3e: {  	p1 =	sgt.s32 s14, $0x1FF;
	s14 =	sshrl.u32 s15, $0x2;
	s15 =	sadd.s32 $0x200, s11  }
0x3f: {  	s14 =	simm.s32 @p1 $0x0;
	p1 =	slt.s32 s15, $0x2710  }
0x40: {  	s15 =	simm.s32 @!p1 $0x2710  }
0x41: {  	s17 =	ssub.s32 s15, s11  }
0x42: {  	p1 =	slt.s32 s17, $0x1  }
.Ltmp3:
0x43: {  	_ = 	snop;
	(pc) =	sbr.rel @p1 .LBB2_6-.Ltmp3, $4  }
0x44: {  	_ = 	snop  }
0x45: {  	s16 =	sshll.u32 s12, $0xE;
	_ =	swait.ge [sflag:s4], s14  }
0x46: {  	s16 =	sand.u32 $0x4000, s16;
	s18 =	ssub.s32 $0x0, s14;
	[sflag:s4] =	ssyncset.done $0x0  }
0x47: {  	s15 =	sor.u32 $0x8000, s16;
	[sflag:s4] =	ssyncadd.s32 s18  }
0x48: {  	v0 =	vmov s16;
	_ =	sdelay $0x2  }
0x49: {  	s31 =	simm.s32 $0x0;
	p1 =	sne.s32 s17, $0x1  }
.Ltmp4:
0x4a: {  	s16 =	sand.u32 $0x3FE0, s31;
	(pc) =	sbr.rel @!p1 .LBB2_5-.Ltmp4, $2  }
0x4b: {  	v1 =	vmov s15;
	v2 =	vld.idx.msk [tilespmem:v0+s16+$0x0 ss:$0x1], $0xffff;
	_ =	sdelay $0x2  }
0x4c: {  	s17 =	sadd.s32 $0xFFFFFFFF, s17;
	s18 =	simm.s32 $0x20  }
.LBB2_4:
0x4d: {  	s19 =	sand.u32 $0x3FE0, s18;
	p1 =	sne.s32 s17, $0x1;
	s17 =	sadd.s32 $0xFFFFFFFF, s17  }
.Ltmp5:
0x4e: {  	[tilespmem:v1+s16+$0x0 ss:$0x1] =	vst.idx.msk $0xffff, v2;
	v2 =	vld.idx.msk [tilespmem:v0+s19+$0x0 ss:$0x1], $0xffff;
	s16 =	smov.u32 s19;
	(pc) =	sbr.rel @p1 .LBB2_4-.Ltmp5, $2  }
0x4f: {  	_ =	sdelay $0x2  }
0x50: {  	s18 =	sadd.s32 $0x20, s18  }
.Ltmp6:
0x51: {  	_ = 	snop;
	(pc) =	sbr.rel .LBB2_5-.Ltmp6, $1  }
0x52: {  	_ =	sdelay $0x3  }
.LBB2_8:
0x53: {  	_ =	sfence.sel $0x180000  }
0x54: {  	s2 =	simm.s32 $0x1;
	[bflag:$0x0] =	sbarrier.arrive $0xFFFF  }
0x55: {  	s31 =	simm.s32 $0x2;
	[sflag:s2] =	ssyncpa.u1 $0x1  }
0x56: {  	[sflag:s31] =	ssyncpa.u1 $0x1  }
0x57: {  	_ =	strace $0x90000050  }
0x58: {  	s0 =	sadd.s32 @!p0 $0x100000, s0;
	[bflag:$0x2] =	sbarrier.arrive $0xFFFF  }
0x59: {  	[sflag:s0] =	ssyncadd.tile.s32 @!p0 $0x1;
	s0 =	simm.s32 @!p0 $0x3F  }
0x5a: {  	_ =	swait.ge @!p0 [sflag:s0], s1  }
0x5b: {  	s1 =	ssub.s32 @!p0 $0x0, s1;
	[sflag:s0] =	ssyncset.done @!p0 $0x0  }
0x5c: {  	[sflag:s0] =	ssyncadd.s32 @!p0 s1  }
0x5d: {  	[bflag:$0x3] =	sbarrier.arrive $0xFFFF  }
0x5e: {  	_ =	shalt  }
.Lfunc_end2:
execute1_lowered:
.L_overlay_start_2:
0x5f: {  	(tag) =	ssettag $0x2  }
0x60: {  	s8 =	rddreg [dreg:$0x0];
	_ =	strace $0x80000053;
	s11 =	simm.s32 $0x1  }
0x61: {  	v0 =	vimm.s32 $0x0;
	[sflag:s11] =	ssyncpa.u1 $0x0  }
0x62: {  	[tilespmem:$0x28] =	vst v0  }
0x63: {  	[tilespmem:$0x38] =	vst v0  }
0x64: {  	[tilespmem:$0x48] =	vst v0  }
0x65: {  	[tilespmem:$0x58] =	vst v0  }
0x66: {  	[tilespmem:$0x68] =	vst v0  }
0x67: {  	[tilespmem:$0x78] =	vst v0  }
0x68: {  	[tilespmem:$0x88] =	vst v0  }
0x69: {  	[tilespmem:$0x98] =	vst v0  }
0x6a: {  	[tilespmem:$0xA8] =	vst v0  }
0x6b: {  	[tilespmem:$0xB8] =	vst v0  }
0x6c: {  	[tilespmem:$0xC8] =	vst v0  }
0x6d: {  	[tilespmem:$0xD8] =	vst v0  }
0x6e: {  	[tilespmem:$0xE8] =	vst v0  }
0x6f: {  	[tilespmem:$0xF8] =	vst v0  }
0x70: {  	[tilespmem:$0x108] =	vst v0  }
0x71: {  	[tilespmem:$0x118] =	vst v0  }
0x72: {  	[tilespmem:$0x128] =	vst v0  }
0x73: {  	[tilespmem:$0x138] =	vst v0  }
0x74: {  	[tilespmem:$0x148] =	vst v0  }
0x75: {  	[tilespmem:$0x158] =	vst v0  }
0x76: {  	[tilespmem:$0x168] =	vst v0  }
0x77: {  	[tilespmem:$0x178] =	vst v0  }
0x78: {  	[tilespmem:$0x188] =	vst v0  }
0x79: {  	[tilespmem:$0x198] =	vst v0  }
0x7a: {  	[tilespmem:$0x1A8] =	vst v0  }
0x7b: {  	[tilespmem:$0x1B8] =	vst v0  }
0x7c: {  	[tilespmem:$0x1C8] =	vst v0  }
0x7d: {  	[tilespmem:$0x1D8] =	vst v0  }
0x7e: {  	[tilespmem:$0x1E8] =	vst v0  }
0x7f: {  	[tilespmem:$0x1F8] =	vst v0  }
0x80: {  	[tilespmem:$0x208] =	vst v0  }
0x81: {  	[tilespmem:$0x218] =	vst v0  }
0x82: {  	[tilespmem:$0x228] =	vst v0  }
0x83: {  	[tilespmem:$0x238] =	vst v0  }
0x84: {  	[tilespmem:$0x248] =	vst v0  }
0x85: {  	[tilespmem:$0x258] =	vst v0  }
0x86: {  	[tilespmem:$0x268] =	vst v0  }
0x87: {  	[tilespmem:$0x278] =	vst v0  }
0x88: {  	[tilespmem:$0x288] =	vst v0  }
0x89: {  	[tilespmem:$0x298] =	vst v0  }
0x8a: {  	[tilespmem:$0x2A8] =	vst v0  }
0x8b: {  	[tilespmem:$0x2B8] =	vst v0  }
0x8c: {  	[tilespmem:$0x2C8] =	vst v0  }
0x8d: {  	[tilespmem:$0x2D8] =	vst v0  }
0x8e: {  	[tilespmem:$0x2E8] =	vst v0  }
0x8f: {  	[tilespmem:$0x2F8] =	vst v0  }
0x90: {  	[tilespmem:$0x308] =	vst v0  }
0x91: {  	[tilespmem:$0x318] =	vst v0  }
0x92: {  	[tilespmem:$0x328] =	vst v0  }
0x93: {  	[tilespmem:$0x338] =	vst v0  }
0x94: {  	[tilespmem:$0x348] =	vst v0  }
0x95: {  	[tilespmem:$0x358] =	vst v0  }
0x96: {  	[tilespmem:$0x368] =	vst v0  }
0x97: {  	[tilespmem:$0x378] =	vst v0  }
0x98: {  	[tilespmem:$0x388] =	vst v0  }
0x99: {  	[tilespmem:$0x398] =	vst v0  }
0x9a: {  	[tilespmem:$0x3A8] =	vst v0  }
0x9b: {  	[tilespmem:$0x3B8] =	vst v0  }
0x9c: {  	[tilespmem:$0x3C8] =	vst v0  }
0x9d: {  	[tilespmem:$0x3D8] =	vst v0  }
0x9e: {  	[tilespmem:$0x3E8] =	vst v0  }
0x9f: {  	[tilespmem:$0x3F8] =	vst v0  }
0xa0: {  	[tilespmem:$0x408] =	vst v0  }
0xa1: {  	[tilespmem:$0x418] =	vst v0  }
0xa2: {  	[tilespmem:$0x428] =	vst v0  }
0xa3: {  	[tilespmem:$0x438] =	vst v0  }
0xa4: {  	[tilespmem:$0x448] =	vst v0  }
0xa5: {  	[tilespmem:$0x458] =	vst v0  }
0xa6: {  	[tilespmem:$0x468] =	vst v0  }
0xa7: {  	[tilespmem:$0x478] =	vst v0  }
0xa8: {  	[tilespmem:$0x488] =	vst v0  }
0xa9: {  	[tilespmem:$0x498] =	vst v0  }
0xaa: {  	[tilespmem:$0x4A8] =	vst v0  }
0xab: {  	[tilespmem:$0x4B8] =	vst v0  }
0xac: {  	[tilespmem:$0x4C8] =	vst v0  }
0xad: {  	[tilespmem:$0x4D8] =	vst v0  }
0xae: {  	[tilespmem:$0x4E8] =	vst v0  }
0xaf: {  	[tilespmem:$0x4F8] =	vst v0  }
0xb0: {  	[tilespmem:$0x508] =	vst v0  }
0xb1: {  	[tilespmem:$0x518] =	vst v0  }
0xb2: {  	[tilespmem:$0x528] =	vst v0  }
0xb3: {  	[tilespmem:$0x538] =	vst v0  }
0xb4: {  	[tilespmem:$0x548] =	vst v0  }
0xb5: {  	[tilespmem:$0x558] =	vst v0  }
0xb6: {  	[tilespmem:$0x568] =	vst v0  }
0xb7: {  	[tilespmem:$0x578] =	vst v0  }
0xb8: {  	[tilespmem:$0x588] =	vst v0  }
0xb9: {  	[tilespmem:$0x598] =	vst v0  }
0xba: {  	[tilespmem:$0x5A8] =	vst v0  }
0xbb: {  	[tilespmem:$0x5B8] =	vst v0  }
0xbc: {  	[tilespmem:$0x5C8] =	vst v0  }
0xbd: {  	[tilespmem:$0x5D8] =	vst v0  }
0xbe: {  	[tilespmem:$0x5E8] =	vst v0  }
0xbf: {  	[tilespmem:$0x5F8] =	vst v0  }
0xc0: {  	[tilespmem:$0x608] =	vst v0  }
0xc1: {  	[tilespmem:$0x618] =	vst v0  }
0xc2: {  	[tilespmem:$0x628] =	vst v0  }
0xc3: {  	[tilespmem:$0x638] =	vst v0  }
0xc4: {  	[tilespmem:$0x648] =	vst v0  }
0xc5: {  	[tilespmem:$0x658] =	vst v0  }
0xc6: {  	[tilespmem:$0x668] =	vst v0  }
0xc7: {  	[tilespmem:$0x678] =	vst v0  }
0xc8: {  	[tilespmem:$0x688] =	vst v0  }
0xc9: {  	[tilespmem:$0x698] =	vst v0  }
0xca: {  	[tilespmem:$0x6A8] =	vst v0  }
0xcb: {  	[tilespmem:$0x6B8] =	vst v0  }
0xcc: {  	[tilespmem:$0x6C8] =	vst v0  }
0xcd: {  	[tilespmem:$0x6D8] =	vst v0  }
0xce: {  	[tilespmem:$0x6E8] =	vst v0  }
0xcf: {  	[tilespmem:$0x6F8] =	vst v0  }
0xd0: {  	[tilespmem:$0x708] =	vst v0  }
0xd1: {  	[tilespmem:$0x718] =	vst v0  }
0xd2: {  	[tilespmem:$0x728] =	vst v0  }
0xd3: {  	[tilespmem:$0x738] =	vst v0  }
0xd4: {  	[tilespmem:$0x748] =	vst v0  }
0xd5: {  	[tilespmem:$0x758] =	vst v0  }
0xd6: {  	[tilespmem:$0x768] =	vst v0  }
0xd7: {  	[tilespmem:$0x778] =	vst v0  }
0xd8: {  	[tilespmem:$0x788] =	vst v0  }
0xd9: {  	[tilespmem:$0x798] =	vst v0  }
0xda: {  	[tilespmem:$0x7A8] =	vst v0  }
0xdb: {  	[tilespmem:$0x7B8] =	vst v0  }
0xdc: {  	[tilespmem:$0x7C8] =	vst v0  }
0xdd: {  	[tilespmem:$0x7D8] =	vst v0  }
0xde: {  	[tilespmem:$0x7E8] =	vst v0  }
0xdf: {  	[tilespmem:$0x7F8] =	vst v0  }
0xe0: {  	[tilespmem:$0x808] =	vst v0  }
0xe1: {  	[tilespmem:$0x818] =	vst v0  }
0xe2: {  	[tilespmem:$0x828] =	vst v0  }
0xe3: {  	[tilespmem:$0x838] =	vst v0  }
0xe4: {  	[tilespmem:$0x848] =	vst v0  }
0xe5: {  	[tilespmem:$0x858] =	vst v0  }
0xe6: {  	[tilespmem:$0x868] =	vst v0  }
0xe7: {  	[tilespmem:$0x878] =	vst v0  }
0xe8: {  	[tilespmem:$0x888] =	vst v0  }
0xe9: {  	[tilespmem:$0x898] =	vst v0  }
0xea: {  	[tilespmem:$0x8A8] =	vst v0  }
0xeb: {  	[tilespmem:$0x8B8] =	vst v0  }
0xec: {  	[tilespmem:$0x8C8] =	vst v0  }
0xed: {  	[tilespmem:$0x8D8] =	vst v0  }
0xee: {  	[tilespmem:$0x8E8] =	vst v0  }
0xef: {  	[tilespmem:$0x8F8] =	vst v0  }
0xf0: {  	[tilespmem:$0x908] =	vst v0  }
0xf1: {  	[tilespmem:$0x918] =	vst v0  }
0xf2: {  	[tilespmem:$0x928] =	vst v0  }
0xf3: {  	[tilespmem:$0x938] =	vst v0  }
0xf4: {  	[tilespmem:$0x948] =	vst v0  }
0xf5: {  	[tilespmem:$0x958] =	vst v0  }
0xf6: {  	[tilespmem:$0x968] =	vst v0  }
0xf7: {  	[tilespmem:$0x978] =	vst v0  }
0xf8: {  	[tilespmem:$0x988] =	vst v0  }
0xf9: {  	[tilespmem:$0x998] =	vst v0  }
0xfa: {  	[tilespmem:$0x9A8] =	vst v0  }
0xfb: {  	[tilespmem:$0x9B8] =	vst v0  }
0xfc: {  	[tilespmem:$0x9C8] =	vst v0  }
0xfd: {  	[tilespmem:$0x9D8] =	vst v0  }
0xfe: {  	[tilespmem:$0x9E8] =	vst v0  }
0xff: {  	[tilespmem:$0x9F8] =	vst v0  }
0x100: {  	[tilespmem:$0xA08] =	vst v0  }
0x101: {  	[tilespmem:$0xA18] =	vst v0  }
0x102: {  	[tilespmem:$0xA28] =	vst v0  }
0x103: {  	[tilespmem:$0xA38] =	vst v0  }
0x104: {  	[tilespmem:$0xA48] =	vst v0  }
0x105: {  	[tilespmem:$0xA58] =	vst v0  }
0x106: {  	[tilespmem:$0xA68] =	vst v0  }
0x107: {  	[tilespmem:$0xA78] =	vst v0  }
0x108: {  	[tilespmem:$0xA88] =	vst v0  }
0x109: {  	[tilespmem:$0xA98] =	vst v0  }
0x10a: {  	[tilespmem:$0xAA8] =	vst v0  }
0x10b: {  	[tilespmem:$0xAB8] =	vst v0  }
0x10c: {  	[tilespmem:$0xAC8] =	vst v0  }
0x10d: {  	[tilespmem:$0xAD8] =	vst v0  }
0x10e: {  	[tilespmem:$0xAE8] =	vst v0  }
0x10f: {  	[tilespmem:$0xAF8] =	vst v0  }
0x110: {  	[tilespmem:$0xB08] =	vst v0  }
0x111: {  	[tilespmem:$0xB18] =	vst v0  }
0x112: {  	[tilespmem:$0xB28] =	vst v0  }
0x113: {  	[tilespmem:$0xB38] =	vst v0  }
0x114: {  	[tilespmem:$0xB48] =	vst v0  }
0x115: {  	[tilespmem:$0xB58] =	vst v0  }
0x116: {  	[tilespmem:$0xB68] =	vst v0  }
0x117: {  	[tilespmem:$0xB78] =	vst v0  }
0x118: {  	[tilespmem:$0xB88] =	vst v0  }
0x119: {  	[tilespmem:$0xB98] =	vst v0  }
0x11a: {  	[tilespmem:$0xBA8] =	vst v0  }
0x11b: {  	[tilespmem:$0xBB8] =	vst v0  }
0x11c: {  	[tilespmem:$0xBC8] =	vst v0  }
0x11d: {  	[tilespmem:$0xBD8] =	vst v0  }
0x11e: {  	[tilespmem:$0xBE8] =	vst v0  }
0x11f: {  	[tilespmem:$0xBF8] =	vst v0  }
0x120: {  	[tilespmem:$0xC08] =	vst v0  }
0x121: {  	[tilespmem:$0xC18] =	vst v0  }
0x122: {  	[tilespmem:$0xC28] =	vst v0  }
0x123: {  	[tilespmem:$0xC38] =	vst v0  }
0x124: {  	[tilespmem:$0xC48] =	vst v0  }
0x125: {  	[tilespmem:$0xC58] =	vst v0  }
0x126: {  	[tilespmem:$0xC68] =	vst v0  }
0x127: {  	[tilespmem:$0xC78] =	vst v0  }
0x128: {  	[tilespmem:$0xC88] =	vst v0  }
0x129: {  	[tilespmem:$0xC98] =	vst v0  }
0x12a: {  	[tilespmem:$0xCA8] =	vst v0  }
0x12b: {  	[tilespmem:$0xCB8] =	vst v0  }
0x12c: {  	[tilespmem:$0xCC8] =	vst v0  }
0x12d: {  	[tilespmem:$0xCD8] =	vst v0  }
0x12e: {  	[tilespmem:$0xCE8] =	vst v0  }
0x12f: {  	[tilespmem:$0xCF8] =	vst v0  }
0x130: {  	[tilespmem:$0xD08] =	vst v0  }
0x131: {  	[tilespmem:$0xD18] =	vst v0  }
0x132: {  	[tilespmem:$0xD28] =	vst v0  }
0x133: {  	[tilespmem:$0xD38] =	vst v0  }
0x134: {  	[tilespmem:$0xD48] =	vst v0  }
0x135: {  	[tilespmem:$0xD58] =	vst v0  }
0x136: {  	[tilespmem:$0xD68] =	vst v0  }
0x137: {  	[tilespmem:$0xD78] =	vst v0  }
0x138: {  	[tilespmem:$0xD88] =	vst v0  }
0x139: {  	[tilespmem:$0xD98] =	vst v0  }
0x13a: {  	[tilespmem:$0xDA8] =	vst v0  }
0x13b: {  	[tilespmem:$0xDB8] =	vst v0  }
0x13c: {  	[tilespmem:$0xDC8] =	vst v0  }
0x13d: {  	[tilespmem:$0xDD8] =	vst v0  }
0x13e: {  	[tilespmem:$0xDE8] =	vst v0  }
0x13f: {  	[tilespmem:$0xDF8] =	vst v0  }
0x140: {  	[tilespmem:$0xE08] =	vst v0  }
0x141: {  	[tilespmem:$0xE18] =	vst v0  }
0x142: {  	[tilespmem:$0xE28] =	vst v0  }
0x143: {  	[tilespmem:$0xE38] =	vst v0  }
0x144: {  	[tilespmem:$0xE48] =	vst v0  }
0x145: {  	[tilespmem:$0xE58] =	vst v0  }
0x146: {  	[tilespmem:$0xE68] =	vst v0  }
0x147: {  	[tilespmem:$0xE78] =	vst v0  }
0x148: {  	[tilespmem:$0xE88] =	vst v0  }
0x149: {  	[tilespmem:$0xE98] =	vst v0  }
0x14a: {  	[tilespmem:$0xEA8] =	vst v0  }
0x14b: {  	[tilespmem:$0xEB8] =	vst v0  }
0x14c: {  	[tilespmem:$0xEC8] =	vst v0  }
0x14d: {  	[tilespmem:$0xED8] =	vst v0  }
0x14e: {  	[tilespmem:$0xEE8] =	vst v0  }
0x14f: {  	[tilespmem:$0xEF8] =	vst v0  }
0x150: {  	[tilespmem:$0xF08] =	vst v0  }
0x151: {  	[tilespmem:$0xF18] =	vst v0  }
0x152: {  	[tilespmem:$0xF28] =	vst v0  }
0x153: {  	[tilespmem:$0xF38] =	vst v0  }
0x154: {  	[tilespmem:$0xF48] =	vst v0  }
0x155: {  	[tilespmem:$0xF58] =	vst v0  }
0x156: {  	[tilespmem:$0xF68] =	vst v0  }
0x157: {  	[tilespmem:$0xF78] =	vst v0  }
0x158: {  	[tilespmem:$0xF88] =	vst v0  }
0x159: {  	[tilespmem:$0xF98] =	vst v0  }
0x15a: {  	[tilespmem:$0xFA8] =	vst v0  }
0x15b: {  	[tilespmem:$0xFB8] =	vst v0  }
0x15c: {  	[tilespmem:$0xFC8] =	vst v0  }
0x15d: {  	[tilespmem:$0xFD8] =	vst v0  }
0x15e: {  	[tilespmem:$0xFE8] =	vst v0  }
0x15f: {  	[tilespmem:$0xFF8] =	vst v0  }
0x160: {  	[tilespmem:$0x1018] =	vst v0  }
0x161: {  	[tilespmem:$0x10D8] =	vst v0  }
0x162: {  	[tilespmem:$0x1B28] =	vst v0  }
0x163: {  	[tilespmem:$0x1B18] =	vst v0  }
0x164: {  	[tilespmem:$0x1B08] =	vst v0  }
0x165: {  	[tilespmem:$0x1AF8] =	vst v0  }
0x166: {  	[tilespmem:$0x1AE8] =	vst v0  }
0x167: {  	[tilespmem:$0x1AD8] =	vst v0  }
0x168: {  	[tilespmem:$0x1AC8] =	vst v0  }
0x169: {  	[tilespmem:$0x1AB8] =	vst v0  }
0x16a: {  	[tilespmem:$0x1AA8] =	vst v0  }
0x16b: {  	[tilespmem:$0x1A98] =	vst v0  }
0x16c: {  	[tilespmem:$0x1A88] =	vst v0  }
0x16d: {  	[tilespmem:$0x1A78] =	vst v0  }
0x16e: {  	[tilespmem:$0x1A68] =	vst v0  }
0x16f: {  	[tilespmem:$0x1A58] =	vst v0  }
0x170: {  	[tilespmem:$0x1A48] =	vst v0  }
0x171: {  	[tilespmem:$0x1A38] =	vst v0  }
0x172: {  	[tilespmem:$0x1A28] =	vst v0  }
0x173: {  	[tilespmem:$0x1A18] =	vst v0  }
0x174: {  	[tilespmem:$0x1A08] =	vst v0  }
0x175: {  	[tilespmem:$0x19F8] =	vst v0  }
0x176: {  	[tilespmem:$0x19E8] =	vst v0  }
0x177: {  	[tilespmem:$0x19D8] =	vst v0  }
0x178: {  	[tilespmem:$0x19C8] =	vst v0  }
0x179: {  	[tilespmem:$0x19B8] =	vst v0  }
0x17a: {  	[tilespmem:$0x19A8] =	vst v0  }
0x17b: {  	[tilespmem:$0x1998] =	vst v0  }
0x17c: {  	[tilespmem:$0x1988] =	vst v0  }
0x17d: {  	[tilespmem:$0x1978] =	vst v0  }
0x17e: {  	[tilespmem:$0x1968] =	vst v0  }
0x17f: {  	[tilespmem:$0x1958] =	vst v0  }
0x180: {  	[tilespmem:$0x1948] =	vst v0  }
0x181: {  	[tilespmem:$0x1938] =	vst v0  }
0x182: {  	[tilespmem:$0x1928] =	vst v0  }
0x183: {  	[tilespmem:$0x1918] =	vst v0  }
0x184: {  	[tilespmem:$0x1908] =	vst v0  }
0x185: {  	[tilespmem:$0x18F8] =	vst v0  }
0x186: {  	[tilespmem:$0x18E8] =	vst v0  }
0x187: {  	[tilespmem:$0x18D8] =	vst v0  }
0x188: {  	[tilespmem:$0x18C8] =	vst v0  }
0x189: {  	[tilespmem:$0x18B8] =	vst v0  }
0x18a: {  	[tilespmem:$0x18A8] =	vst v0  }
0x18b: {  	[tilespmem:$0x1898] =	vst v0  }
0x18c: {  	[tilespmem:$0x1888] =	vst v0  }
0x18d: {  	[tilespmem:$0x1878] =	vst v0  }
0x18e: {  	[tilespmem:$0x1868] =	vst v0  }
0x18f: {  	[tilespmem:$0x1858] =	vst v0  }
0x190: {  	[tilespmem:$0x1848] =	vst v0  }
0x191: {  	[tilespmem:$0x1838] =	vst v0  }
0x192: {  	[tilespmem:$0x1828] =	vst v0  }
0x193: {  	[tilespmem:$0x1818] =	vst v0  }
0x194: {  	[tilespmem:$0x1808] =	vst v0  }
0x195: {  	[tilespmem:$0x17F8] =	vst v0  }
0x196: {  	[tilespmem:$0x17E8] =	vst v0  }
0x197: {  	[tilespmem:$0x17D8] =	vst v0  }
0x198: {  	[tilespmem:$0x17C8] =	vst v0  }
0x199: {  	[tilespmem:$0x17B8] =	vst v0  }
0x19a: {  	[tilespmem:$0x17A8] =	vst v0  }
0x19b: {  	[tilespmem:$0x1798] =	vst v0  }
0x19c: {  	[tilespmem:$0x1788] =	vst v0  }
0x19d: {  	[tilespmem:$0x1778] =	vst v0  }
0x19e: {  	[tilespmem:$0x1768] =	vst v0  }
0x19f: {  	[tilespmem:$0x1758] =	vst v0  }
0x1a0: {  	[tilespmem:$0x1748] =	vst v0  }
0x1a1: {  	[tilespmem:$0x1738] =	vst v0  }
0x1a2: {  	[tilespmem:$0x1728] =	vst v0  }
0x1a3: {  	[tilespmem:$0x1718] =	vst v0  }
0x1a4: {  	[tilespmem:$0x1708] =	vst v0  }
0x1a5: {  	[tilespmem:$0x16F8] =	vst v0  }
0x1a6: {  	[tilespmem:$0x16E8] =	vst v0  }
0x1a7: {  	[tilespmem:$0x16D8] =	vst v0  }
0x1a8: {  	[tilespmem:$0x16C8] =	vst v0  }
0x1a9: {  	[tilespmem:$0x16B8] =	vst v0  }
0x1aa: {  	[tilespmem:$0x16A8] =	vst v0  }
0x1ab: {  	[tilespmem:$0x1698] =	vst v0  }
0x1ac: {  	[tilespmem:$0x1688] =	vst v0  }
0x1ad: {  	[tilespmem:$0x1678] =	vst v0  }
0x1ae: {  	[tilespmem:$0x1668] =	vst v0  }
0x1af: {  	[tilespmem:$0x1658] =	vst v0  }
0x1b0: {  	[tilespmem:$0x1648] =	vst v0  }
0x1b1: {  	[tilespmem:$0x1638] =	vst v0  }
0x1b2: {  	[tilespmem:$0x1628] =	vst v0  }
0x1b3: {  	[tilespmem:$0x1618] =	vst v0  }
0x1b4: {  	[tilespmem:$0x1608] =	vst v0  }
0x1b5: {  	[tilespmem:$0x15F8] =	vst v0  }
0x1b6: {  	[tilespmem:$0x15E8] =	vst v0  }
0x1b7: {  	[tilespmem:$0x15D8] =	vst v0  }
0x1b8: {  	[tilespmem:$0x15C8] =	vst v0  }
0x1b9: {  	[tilespmem:$0x15B8] =	vst v0  }
0x1ba: {  	[tilespmem:$0x15A8] =	vst v0  }
0x1bb: {  	[tilespmem:$0x1598] =	vst v0  }
0x1bc: {  	[tilespmem:$0x1588] =	vst v0  }
0x1bd: {  	[tilespmem:$0x1578] =	vst v0  }
0x1be: {  	[tilespmem:$0x1568] =	vst v0  }
0x1bf: {  	[tilespmem:$0x1558] =	vst v0  }
0x1c0: {  	[tilespmem:$0x1548] =	vst v0  }
0x1c1: {  	[tilespmem:$0x1538] =	vst v0  }
0x1c2: {  	[tilespmem:$0x1528] =	vst v0  }
0x1c3: {  	[tilespmem:$0x1518] =	vst v0  }
0x1c4: {  	[tilespmem:$0x1508] =	vst v0  }
0x1c5: {  	[tilespmem:$0x14F8] =	vst v0  }
0x1c6: {  	[tilespmem:$0x14E8] =	vst v0  }
0x1c7: {  	[tilespmem:$0x14D8] =	vst v0  }
0x1c8: {  	[tilespmem:$0x14C8] =	vst v0  }
0x1c9: {  	[tilespmem:$0x14B8] =	vst v0  }
0x1ca: {  	[tilespmem:$0x14A8] =	vst v0  }
0x1cb: {  	[tilespmem:$0x1498] =	vst v0  }
0x1cc: {  	[tilespmem:$0x1488] =	vst v0  }
0x1cd: {  	[tilespmem:$0x1478] =	vst v0  }
0x1ce: {  	[tilespmem:$0x1468] =	vst v0  }
0x1cf: {  	[tilespmem:$0x1458] =	vst v0  }
0x1d0: {  	[tilespmem:$0x1448] =	vst v0  }
0x1d1: {  	[tilespmem:$0x1438] =	vst v0  }
0x1d2: {  	[tilespmem:$0x1428] =	vst v0  }
0x1d3: {  	[tilespmem:$0x1418] =	vst v0  }
0x1d4: {  	[tilespmem:$0x1408] =	vst v0  }
0x1d5: {  	[tilespmem:$0x13F8] =	vst v0  }
0x1d6: {  	[tilespmem:$0x13E8] =	vst v0  }
0x1d7: {  	[tilespmem:$0x13D8] =	vst v0  }
0x1d8: {  	[tilespmem:$0x13C8] =	vst v0  }
0x1d9: {  	[tilespmem:$0x13B8] =	vst v0  }
0x1da: {  	[tilespmem:$0x13A8] =	vst v0  }
0x1db: {  	[tilespmem:$0x1398] =	vst v0  }
0x1dc: {  	[tilespmem:$0x1388] =	vst v0  }
0x1dd: {  	[tilespmem:$0x1378] =	vst v0  }
0x1de: {  	[tilespmem:$0x1368] =	vst v0  }
0x1df: {  	[tilespmem:$0x1358] =	vst v0  }
0x1e0: {  	[tilespmem:$0x1348] =	vst v0  }
0x1e1: {  	[tilespmem:$0x1338] =	vst v0  }
0x1e2: {  	[tilespmem:$0x1328] =	vst v0  }
0x1e3: {  	[tilespmem:$0x1318] =	vst v0  }
0x1e4: {  	[tilespmem:$0x1308] =	vst v0  }
0x1e5: {  	[tilespmem:$0x12F8] =	vst v0  }
0x1e6: {  	[tilespmem:$0x12E8] =	vst v0  }
0x1e7: {  	[tilespmem:$0x12D8] =	vst v0  }
0x1e8: {  	[tilespmem:$0x12C8] =	vst v0  }
0x1e9: {  	[tilespmem:$0x12B8] =	vst v0  }
0x1ea: {  	[tilespmem:$0x12A8] =	vst v0  }
0x1eb: {  	[tilespmem:$0x1298] =	vst v0  }
0x1ec: {  	[tilespmem:$0x1288] =	vst v0  }
0x1ed: {  	[tilespmem:$0x1278] =	vst v0  }
0x1ee: {  	[tilespmem:$0x1268] =	vst v0  }
0x1ef: {  	[tilespmem:$0x1258] =	vst v0  }
0x1f0: {  	[tilespmem:$0x1248] =	vst v0  }
0x1f1: {  	[tilespmem:$0x1238] =	vst v0  }
0x1f2: {  	[tilespmem:$0x1228] =	vst v0  }
0x1f3: {  	[tilespmem:$0x1218] =	vst v0  }
0x1f4: {  	[tilespmem:$0x1208] =	vst v0  }
0x1f5: {  	[tilespmem:$0x11F8] =	vst v0  }
0x1f6: {  	[tilespmem:$0x11E8] =	vst v0  }
0x1f7: {  	[tilespmem:$0x11D8] =	vst v0  }
0x1f8: {  	[tilespmem:$0x11C8] =	vst v0  }
0x1f9: {  	[tilespmem:$0x11B8] =	vst v0  }
0x1fa: {  	[tilespmem:$0x11A8] =	vst v0  }
0x1fb: {  	[tilespmem:$0x1198] =	vst v0  }
0x1fc: {  	[tilespmem:$0x1188] =	vst v0  }
0x1fd: {  	[tilespmem:$0x1178] =	vst v0  }
0x1fe: {  	[tilespmem:$0x1168] =	vst v0  }
0x1ff: {  	[tilespmem:$0x1158] =	vst v0  }
0x200: {  	[tilespmem:$0x1148] =	vst v0  }
0x201: {  	[tilespmem:$0x1138] =	vst v0  }
0x202: {  	[tilespmem:$0x1128] =	vst v0  }
0x203: {  	[tilespmem:$0x1118] =	vst v0  }
0x204: {  	s2 =	stileid.u32;
	[tilespmem:$0x1108] =	vst v0  }
0x205: {  	s0 =	simm.s32 $0x1;
	p0 =	sne.s32 s2, $0x0;
	s1 =	smul.u32 $0x5E, s2;
	[tilespmem:$0x10F8] =	vst v0  }
0x206: {  	[tilespmem:$0x10E8] =	vst v0;
	s0 =	simm.s32 @!p0 $0x0;
	s3 =	simm.s32 @!p0 $0x0  }
0x207: {  	[tilespmem:$0x10B8] =	vst v0;
	s3 =	simm.s32 @p0 $0x1;
	s0 =	sor.u32 s0, s1;
	s1 =	simm.s32 $0xA050  }
0x208: {  	[tilespmem:$0x10C8] =	vst v0;
	p0 =	seq.s32 s2, $0x0;
	[smem:$0x7FD] =	sst s3;
	s3 =	smul.u32 $0x1B0, s0  }
0x209: {  	s1 =	simm.s32 @!p0 $0x9EA0;
	[tilespmem:$0x10A8] =	vst v0  }
0x20a: {  	[tilespmem:$0x1038] =	vst v0;
	s0 =	sadd.s32 s1, s3  }
0x20b: {  	[tilespmem:$0x1098] =	vst v0;
	s4 =	smin.u32 s0, $0x9EB10  }
0x20c: {  	[tilespmem:$0x1088] =	vst v0;
	s0 =	ssub.s32 s4, s3  }
0x20d: {  	s5 =	simm.s32 $0x2;
	s29 =	simm.s32 $0x7;
	[tilespmem:$0x1078] =	vst v0;
	p0 =	sgt.s32 s0, $0x0  }
0x20e: {  	s13 =	simm.s32 $0x8;
	s30 =	simm.s32 $0x9;
	[tilespmem:$0x1068] =	vst v0;
	s0 =	simm.s32 @!p0 $0x0  }
0x20f: {  	p1 =	por $0x1, $0x1;
	p2 =	por $0x0, $0x0;
	[tilespmem:$0x1058] =	vst v0;
	s6 =	smulhi.u32 $0x4BDA12F7, s0  }
0x210: {  	s14 =	simm.s32 $0xA;
	s18 =	simm.s32 $0x0;
	s15 =	simm.s32 $0x0;
	[tilespmem:$0x1048] =	vst v0  }
0x211: {  	s17 =	simm.s32 $0x0;
	s7 =	sadd.s32 $0xB63400, s8;
	[tilespmem:$0x1028] =	vst v0;
	s12 =	sshrl.u32 s6, $0x7  }
0x212: {  	s31 =	sshll.u32 s2, $0x5;
	[tilespmem:$0x1008] =	vst v0;
	[sflag:s5] =	ssyncpa.u1 $0x0;
	v0 =	vimm.s32 $0xFFFFFFFF;
	s10 =	smul.u32 $0x1B0, s12  }
.Ltmp7:
0x213: {  	s5 =	sadd.s32 $0x102200, s8;
	[tilespmem:$0x3648] =	vst v0;
	[sflag:s29] =	ssyncpa.u1 $0x0;
	(pc) =	sbr.rel .LBB3_1-.Ltmp7, $4  }
0x214: {  	[dreg:$0x2] =	wrdreg s31;
	[sflag:s13] =	ssyncpa.u1 $0x0;
	p0 =	sne.s32 s0, s10  }
0x215: {  	s13 =	simm.s32 $0x0;
	[sflag:s30] =	ssyncpa.u1 $0x0;
	s11 =	simm.s32 @!p0 $0x0  }
0x216: {  	s1 =	sadd.s32 $0x13D200, s8;
	s16 =	smov.u32 s3;
	s11 =	sadd.s32 s11, s12  }
0x217: {  	v0 =	vlaneseq.u32;
	[dreg:$0x3] =	wrdreg s3;
	s6 =	sadd.s32 $0x2F400, s8;
	s8 =	sadd.s32 $0x1, s11  }
.LBB3_18:
0x218: {  	s0 =	simm.s32 $0x2  }
0x219: {  	_ =	swait.ge [sflag:s0], $0x0  }
0x21a: {  	[sflag:s0] =	ssyncset.done $0x0;
	s0 =	simm.s32 $0x0  }
.LBB3_19:
0x21b: {  	_ =	swait.ge [sflag:s14], s0  }
0x21c: {  	s31 =	ssub.s32 $0x0, s0;
	v1 =	vmov s20;
	vm0 =	veq.s32 v0, $0x0;
	[sflag:s14] =	ssyncset.done $0x0  }
0x21d: {  	vm15 =	veq.s32 v0, $0x2;
	v1 =	vsel vm0, s24, v1;
	[sflag:s14] =	ssyncadd.s32 s31  }
0x21e: {  	v1 =	vsel vm15, s18, v1;
	[sflag:s14] =	ssyncpa.u1 $0x1  }
0x21f: {  	[tilespmem:$0x3648] =	vst v1  }
.LBB3_20:
0x220: {  	s0 =	sadd.s32 $0x1B0, s16  }
0x221: {  	s2 =	smov.u32 s3;
	p0 =	slt.s32 s0, s4  }
0x222: {  	s2 =	smov.u32 @p0 s0;
	p0 =	sne.s32 s17, s8  }
.Ltmp8:
0x223: {  	_ = 	snop;
	(pc) =	sbr.rel @!p0 .LBB3_21-.Ltmp8, $4  }
0x224: {  	_ = 	snop  }
0x225: {  	s18 =	smov.u32 s15  }
0x226: {  	s31 =	sadd.s32 $0x1, s17;
	s15 =	smov.u32 s16;
	p1 =	por !p1, !p1  }
0x227: {  	p2 =	por !p2, !p2;
	s17 =	smov.u32 s31;
	s16 =	smov.u32 s2  }
.LBB3_1:
0x228: {  	p3 =	sge.u32 s17, s11  }
0x229: {  	s0 =	smulhi.u32 @!p3 $0xAAAAAAAB, s17  }
0x22a: {  	s19 =	smov.u32 s16;
	p0 =	sgt.s32 @!p3 s16, $0x9E960  }
0x22b: {  	s20 =	sshra.s32 @!p3 s16, $0x1F;
	p0 =	por !p0, p3;
	s0 =	sshrl.u32 @!p3 s0, $0x1  }
0x22c: {  	s20 =	sand.u32 @!p3 s20, s16;
	s19 =	simm.s32 @p0 $0x9E960;
	s0 =	smul.u32 @!p3 $0x3, s0  }
0x22d: {  	s19 =	ssub.s32 @!p3 s19, s20  }
0x22e: {  	s19 =	sadd.s32 @!p3 $0xFFF616A0, s19;
	s0 =	ssub.s32 @!p3 s17, s0  }
0x22f: {  	s20 =	sshll.u32 @!p3 s19, $0x2;
	p0 =	sgt.s32 @!p3 s19, $0x1AF;
	s0 =	smul.u32 @!p3 $0x6C0, s0  }
0x230: {  	s21 =	sand.u32 @!p3 $0x7, s16;
	s19 =	ssub.s32 @!p3 $0x6C0, s20;
	p0 =	por !p0, p3  }
0x231: {  	s20 =	sshrl.u32 @!p3 s16, $0x3;
	s19 =	sshrl.u32 @!p3 s19, $0x2;
	s0 =	sshrl.u32 @!p3 s0, $0x2  }
0x232: {  	s20 =	sadd.s32 @!p3 s5, s20;
	s19 =	simm.s32 @!p0 $0x0;
	s0 =	sadd.s32 @!p3 $0x3878, s0  }
0x233: {  	[tilespmem:s0], [sflag:$0x8] =	stream.linear.gather @!p3 [hbm4b:s20+s21], s19, $0x38;
	[tilespmem:$0x1F0E8] =	vst v63  }
0x234: {  	s20 =	sadd.s32 $0xFFFFFFFF, s17  }
0x235: {  	p3 =	sge.u32 s20, s11  }
0x236: {  	p0 =	sgt.s32 @!p3 s15, $0x9E960  }
0x237: {  	s0 =	smov.u32 s15;
	s19 =	sshra.s32 @!p3 s15, $0x1F;
	p0 =	por !p0, p3  }
0x238: {  	s19 =	sand.u32 @!p3 s19, s15;
	s0 =	simm.s32 @p0 $0x9E960  }
0x239: {  	s0 =	ssub.s32 @!p3 s0, s19  }
0x23a: {  	s0 =	sadd.s32 @!p3 $0xFFF616A0, s0  }
0x23b: {  	s19 =	sshll.u32 @!p3 s0, $0x2  }
0x23c: {  	p0 =	sgt.s32 @!p3 s0, $0x1AF;
	s0 =	ssub.s32 @!p3 $0x6C0, s19  }
0x23d: {  	p0 =	por !p0, p3;
	s0 =	sshrl.u32 @!p3 s0, $0x2  }
0x23e: {  	s21 =	simm.s32 @!p3 $0x8;
	s19 =	sand.u32 @!p3 $0x1, s20;
	s0 =	simm.s32 @!p0 $0x0  }
0x23f: {  	s19 =	smul.u32 @!p3 $0x6C0, s19;
	_ =	swait.ge @!p3 [sflag:s21], s0  }
0x240: {  	s22 =	ssub.s32 @!p3 $0x0, s0;
	[sflag:s21] =	ssyncset.done @!p3 $0x0  }
0x241: {  	s19 =	sshrl.u32 @!p3 s19, $0x2;
	[sflag:s21] =	ssyncadd.s32 @!p3 s22;
	s21 =	sshrl.u32 @!p3 s15, $0x3  }
0x242: {  	s19 =	sadd.s32 @!p3 $0x3D88, s19;
	s22 =	sand.u32 @!p3 $0x7, s15;
	s21 =	sadd.s32 @!p3 s6, s21  }
0x243: {  	[tilespmem:s19], [sflag:$0x9] =	stream.linear.gather @!p3 [hbm4b:s21+s22], s0, $0x38;
	[tilespmem:$0x1F0E8] =	vst v63  }
0x244: {  	s19 =	ssub.s32 @!p3 $0x9EB10, s15  }
0x245: {  	p0 =	slt.s32 @!p3 s19, $0x1  }
0x246: {  	p0 =	por p3, p0  }
.Ltmp9:
0x247: {  	_ = 	snop;
	(pc) =	sbr.rel @p0 .LBB3_7-.Ltmp9, $1  }
0x248: {  	_ =	sdelay $0x3  }
0x249: {  	s0 =	smulhi.u32 $0xAAAAAAAB, s20;
	_ =	sdelay $0x1  }
0x24a: {  	s0 =	sshrl.u32 s0, $0x1  }
0x24b: {  	s0 =	smul.u32 $0x3, s0;
	_ =	sdelay $0x1  }
0x24c: {  	s0 =	ssub.s32 s20, s0  }
0x24d: {  	s21 =	simm.s32 $0x1;
	s0 =	smul.u32 $0x6C0, s0  }
.Ltmp10:
0x24e: {  	s21 =	simm.s32 @!p1 $0x0;
	(pc) =	sbr.rel .LBB3_4-.Ltmp10, $4  }
0x24f: {  	s31 =	smul.u32 $0x36000, s21  }
0x250: {  	p0 =	slt.s32 @!p3 s19, $0x1B0;
	s0 =	sshrl.u32 s0, $0x2  }
0x251: {  	p0 =	por !p0, p3;
	s20 =	sshrl.u32 s31, $0x2;
	s0 =	sadd.s32 $0x3878, s0  }
0x252: {  	s19 =	simm.s32 @p0 $0x1B0;
	s21 =	simm.s32 $0x0;
	s20 =	sadd.s32 $0x40E8, s20;
	v1 =	vmov s0  }
.LBB3_3:
0x253: {  	p0 =	sge.s32 s21, s19  }
.Ltmp11:
0x254: {  	_ = 	snop;
	(pc) =	sbr.rel @p0 .LBB3_7-.Ltmp11, $2  }
0x255: {  	_ =	sdelay $0x2  }
0x256: {  	s20 =	sadd.s32 $0x800, s20  }
.LBB3_4:
0x257: {  	p0 =	sle.s32 s19, s21  }
.Ltmp12:
0x258: {  	_ = 	snop;
	(pc) =	sbr.rel @p0 .LBB3_3-.Ltmp12, $2  }
0x259: {  	_ =	sdelay $0x2  }
0x25a: {  	s22 =	smov.u32 s21;
	s21 =	sadd.s32 $0x10, s21  }
0x25b: {  	s0 =	ssub.s32 s19, s22  }
0x25c: {  	p0 =	slt.s32 s0, $0x10  }
0x25d: {  	s0 =	simm.s32 @!p0 $0x10  }
0x25e: {  	v2 =	vmov s0  }
0x25f: {  	vm0 =	vgt.s32 v2, v0;
	_ =	sdelay $0x5  }
0x260: {  	v2 =	vld.idx.msk [tilespmem:v1+s22+$0x0 ss:$0x1], vm0;
	_ =	sdelay $0x2  }
0x261: {  	s23 =	smov.u32 s19;
	p0 =	slt.s32 s21, s19  }
0x262: {  	s24 =	smov.u32 s20;
	s25 =	simm.s32 $0x0;
	s23 =	smov.u32 @p0 s21  }
.LBB3_6:
0x263: {  	(v2sf) =	vpush v2, s25;
	_ =	sdelay $0xc  }
0x264: {  	s25 =	sadd.s32 $0x1, s25  }
0x265: {  	s31 =	sadd.s32 s25, s22  }
0x266: {  	p0 =	slt.s32 s31, s23;
	s0 =	spop (v2sf)  }
.Ltmp13:
0x267: {  	s0 =	sshll.u32 s0, $0x4;
	(pc) =	sbr.rel @p0 .LBB3_6-.Ltmp13, $4  }
0x268: {  	s0 =	sand.u32 $0x1FFFFFF0, s0  }
0x269: {  	s0 =	sadd.s32 s7, s0  }
0x26a: {  	[tilespmem:s24], [sflag:$0x7] =	stream.linear.gather [hbm4b:s0+s13], $0x4, $0x38;
	[tilespmem:$0x1F0E8] =	vst v63  }
0x26b: {  	s24 =	sadd.s32 $0x80, s24  }
.Ltmp14:
0x26c: {  	_ = 	snop;
	(pc) =	sbr.rel .LBB3_3-.Ltmp14, $1  }
0x26d: {  	_ =	sdelay $0x3  }
.LBB3_7:
0x26e: {  	p0 =	slt.u32 s17, $0x2  }
.Ltmp15:
0x26f: {  	_ = 	snop;
	(pc) =	sbr.rel @p0 .LBB3_20-.Ltmp15, $1  }
0x270: {  	_ =	sdelay $0x3  }
0x271: {  	p0 =	sgt.s32 s18, $0x9E960;
	s0 =	smov.u32 s18  }
0x272: {  	s19 =	sshra.s32 s18, $0x1F;
	s20 =	ssub.s32 $0x9EB10, s18;
	s0 =	simm.s32 @!p0 $0x9E960  }
0x273: {  	s19 =	sand.u32 s19, s18;
	p0 =	slt.s32 s20, $0x1B0;
	s21 =	smov.u32 s20  }
0x274: {  	s0 =	ssub.s32 s0, s19;
	s21 =	simm.s32 @!p0 $0x1B0  }
0x275: {  	s0 =	sadd.s32 $0xFFF616A0, s0;
	s26 =	sshll.u32 s21, $0x2  }
0x276: {  	s2 =	simm.s32 $0x7;
	s28 =	sshll.u32 s0, $0x2;
	s19 =	sand.u32 $0x3FFFFFFC, s26  }
0x277: {  	p0 =	sgt.s32 s0, $0x1AF;
	s29 =	ssub.s32 $0x6C0, s28;
	_ =	swait.ge [sflag:s2], s19  }
0x278: {  	s19 =	ssub.s32 $0x0, s19;
	[sflag:s2] =	ssyncset.done $0x0;
	s0 =	sshrl.u32 s29, $0x2  }
0x279: {  	s30 =	simm.s32 $0x9;
	[sflag:s2] =	ssyncadd.s32 s19;
	s0 =	simm.s32 @p0 $0x0  }
0x27a: {  	_ =	swait.ge [sflag:s30], s0  }
0x27b: {  	s0 =	ssub.s32 $0x0, s0;
	[sflag:s30] =	ssyncset.done $0x0  }
0x27c: {  	[sflag:s30] =	ssyncadd.s32 s0  }
0x27d: {  	v1 =	vld [tilespmem:$0x3648];
	_ =	sdelay $0x4  }
0x27e: {  	(v2sf) =	vpush v1, $0x0  }
0x27f: {  	(v2sf) =	vpush v1, $0x1  }
0x280: {  	(v2sf) =	vpush v1, $0x2;
	_ =	sdelay $0x3  }
0x281: {  	s0 =	sadd.s32 $0x1B0, s18  }
0x282: {  	p0 =	slt.s32 s4, s0  }
0x283: {  	s0 =	smov.u32 @p0 s4;
	p0 =	sgt.s32 s20, $0x0  }
0x284: {  	s22 =	ssub.s32 s0, s18;
	s20 =	simm.s32 @!p0 $0x0  }
0x285: {  	p0 =	slt.s32 s20, s22  }
0x286: {  	s22 =	smov.u32 @p0 s20  }
0x287: {  	s21 =	simm.s32 $0x1;
	p3 =	slt.s32 s22, $0x1  }
.Ltmp16:
0x288: {  	s21 =	simm.s32 @!p2 $0x0;
	(pc) =	sbr.rel @p3 .LBB3_12-.Ltmp16, $4  }
0x289: {  	s31 =	smul.u32 $0x6C0, s21  }
0x28a: {  	s23 =	spop (v2sf)  }
0x28b: {  	s0 =	sshrl.u32 s31, $0x2;
	s25 =	spop (v2sf)  }
0x28c: {  	s19 =	sadd.s32 $0x3D88, s0;
	s18 =	spop (v2sf)  }
0x28d: {  	s0 =	smin.u32 s22, $0x10  }
0x28e: {  	v1 =	vmov s0  }
0x28f: {  	p0 =	sgt.s32 s22, $0x10;
	vm1 =	vgt.u32 v1, v0  }
.Ltmp17:
0x290: {  	_ = 	snop;
	(pc) =	sbr.rel @!p0 .LBB3_11-.Ltmp17, $2  }
0x291: {  	_ =	sdelay $0x2  }
0x292: {  	s24 =	simm.s32 $0x10;
	s26 =	sadd.s32 $0xFFFFFFF0, s22;
	s20 =	smov.u32 s19;
	vm0 =	vmmov vm1  }
.LBB3_10:
0x293: {  	s0 =	smin.u32 s26, $0x10;
	s24 =	sadd.s32 $0x10, s24;
	v1 =	vld.msk [tilespmem:s20+$0x0 ss:$0x1], vm1  }
0x294: {  	v2 =	vmov s0;
	p0 =	slt.s32 s24, s22  }
0x295: {  	vm1 =	vgt.u32 v2, v0  }
.Ltmp18:
0x296: {  	(pc) =	sbr.rel @p0 .LBB3_10-.Ltmp18, $3  }
0x297: {  	_ =	sdelay $0x1  }
0x298: {  	v1 =	vshll.u32 v1, $0x4  }
0x299: {  	s26 =	sadd.s32 $0xFFFFFFF0, s26;
	[tilespmem:s20+$0x0] =	vst.msk vm0, v1;
	s20 =	sadd.s32 $0x10, s20;
	vm0 =	vmmov vm1  }
.LBB3_11:
0x29a: {  	_ =	sdelay $0x4  }
0x29b: {  	v1 =	vld.msk [tilespmem:s20+$0x0 ss:$0x1], vm1;
	_ =	sdelay $0x4  }
0x29c: {  	v1 =	vshll.u32 v1, $0x4  }
0x29d: {  	[tilespmem:s20+$0x0] =	vst.msk vm0, v1  }
.LBB3_12:
0x29e: {  	s0 =	sand.u32 $0x1, s17  }
0x29f: {  	s0 =	smul.u32 $0x1B0, s0  }
0x2a0: {  	p0 =	sne.s32 s25, $0xFFFFFFFF  }
0x2a1: {  	v1 =	vld.msk @!p0 [tilespmem:s0+$0x3D88], $0x1;
	_ =	sdelay $0x4  }
0x2a2: {  	(v2sf) =	vpush @!p0 v1, $0x0;
	_ =	sdelay $0xc  }
.Ltmp19:
0x2a3: {  	_ = 	snop;
	(pc) =	sbr.rel @p3 .LBB3_18-.Ltmp19, $4  }
0x2a4: {  	_ = 	snop  }
0x2a5: {  	s24 =	spop @!p0 (v2sf)  }
0x2a6: {  	s18 =	simm.s32 @!p0 $0x0;
	s20 =	smov.u32 s24  }
0x2a7: {  	[sflag:s14] =	ssyncpa.u1 $0x0;
	s24 =	smov.u32 @p0 s23;
	s20 =	smov.u32 @p0 s25  }
0x2a8: {  	v1 =	vld.msk [tilespmem:s19+$0x0], $0x1;
	_ =	sdelay $0x4  }
0x2a9: {  	(v2sf) =	vpush v1, $0x0;
	_ =	sdelay $0xd  }
0x2aa: {  	s0 =	simm.s32 @!p2 $0x0  }
0x2ab: {  	s26 =	smul.u32 $0x36000, s21;
	s25 =	ssub.s32 $0x0, s22;
	s28 =	spop (v2sf)  }
0x2ac: {  	s0 =	simm.s32 @p2 $0x1;
	s23 =	sadd.s32 $0x1, s25;
	p3 =	seq.s32 s24, s28  }
0x2ad: {  	[smem:$0x7FC] =	sst s0;
	s0 =	sshrl.u32 s26, $0x2;
	p0 =	sgt.s32 @!p3 s24, $0x0  }
0x2ae: {  	s21 =	sadd.s32 $0x40E8, s0;
	s0 =	smov.u32 s24;
	p0 =	por !p0, p3  }
0x2af: {  	s0 =	simm.s32 @p0 $0x0;
	p0 =	seq.s32 s23, $0x0  }
.Ltmp20:
0x2b0: {  	_ = 	snop;
	(pc) =	sbr.rel @p0 .LBB3_15-.Ltmp20, $4  }
0x2b1: {  	s3 =	smov.u32 s8;
	s12 =	smov.u32 s5;
	s8 =	smov.u32 s6  }
0x2b2: {  	s22 =	simm.s32 $0x0;
	s29 =	simm.s32 @!p3 $0x1;
	s0 =	smin.u32 @!p3 s0, $0x270FF  }
0x2b3: {  	s30 =	simm.s32 @!p3 $0x1B38;
	s29 =	smov.u32 @p3 s22;
	s26 =	sand.u32 @!p3 $0x3FFF8, s0  }
0x2b4: {  	s31 =	sand.u32 @!p3 $0x7, s0;
	s0 =	sadd.s32 @!p3 s1, s26;
	s26 =	sadd.s32 $0x1, s19  }
.LBB3_14:
0x2b5: {  	s2 =	smov.u32 s29  }
0x2b6: {  	[tilespmem:s30], [sflag:$0x2] =	stream.linear.gather @!p3 [hbm4b:s0+s31], $0x4, $0x38;
	[tilespmem:$0x1F0E8] =	vst v63  }
0x2b7: {  	s23 =	sadd.s32 $0x1, s23;
	s0 =	smov.u32 s28;
	v1 =	vld.msk [tilespmem:s26+$0x0], $0x1  }
0x2b8: {  	p4 =	seq.s32 s23, $0x0;
	_ =	sdelay $0x3  }
0x2b9: {  	(v2sf) =	vpush v1, $0x0;
	_ =	sdelay $0xe  }
0x2ba: {  	s28 =	spop (v2sf)  }
0x2bb: {  	p3 =	seq.s32 s0, s28  }
0x2bc: {  	p0 =	sgt.s32 @!p3 s0, $0x0;
	s30 =	sshll.u32 @!p3 s29, $0x6;
	s29 =	sadd.s32 @!p3 $0x1, s29  }
.Ltmp21:
0x2bd: {  	p0 =	por !p0, p3;
	s30 =	sshra.s32 @!p3 s30, $0x2;
	(pc) =	sbr.rel @!p4 .LBB3_14-.Ltmp21, $4  }
0x2be: {  	s29 =	smov.u32 @p3 s2;
	s0 =	simm.s32 @p0 $0x0;
	s30 =	sadd.s32 @!p3 $0x1B38, s30  }
0x2bf: {  	s0 =	smin.u32 @!p3 s0, $0x270FF  }
0x2c0: {  	s2 =	sand.u32 @!p3 $0x3FFF8, s0;
	s31 =	sand.u32 @!p3 $0x7, s0  }
0x2c1: {  	s26 =	sadd.s32 $0x1, s26;
	s0 =	sadd.s32 @!p3 s1, s2  }
.LBB3_15:
0x2c2: {  	[tilespmem:s30], [sflag:$0x2] =	stream.linear.gather @!p3 [hbm4b:s0+s31], $0x4, $0x38;
	[tilespmem:$0x1F0E8] =	vst v63  }
0x2c3: {  	s31 =	sshll.u32 s29, $0x2  }
0x2c4: {  	s2 =	simm.s32 $0x2;
	s0 =	sand.u32 $0x3FFFFFFC, s31  }
0x2c5: {  	_ =	swait.ge [sflag:s2], s0  }
0x2c6: {  	s0 =	ssub.s32 $0x0, s0;
	[sflag:s2] =	ssyncset.done $0x0  }
0x2c7: {  	[sflag:s2] =	ssyncadd.s32 s0  }
0x2c8: {  	v1 =	vld.msk [tilespmem:s19+$0x0], $0x1;
	_ =	sdelay $0x4  }
0x2c9: {  	(v2sf) =	vpush v1, $0x0;
	_ =	sdelay $0xe  }
0x2ca: {  	s23 =	spop (v2sf)  }
0x2cb: {  	p3 =	sne.s32 s24, s23  }
0x2cc: {  	p5 =	sne.s32 @p3 s24, s20  }
0x2cd: {  	p4 =	por !p5, !p3  }
0x2ce: {  	s0 =	simm.s32 @!p4 $0x0  }
0x2cf: {  	v1 =	vld.msk @!p4 [tilespmem:s0+$0x1B38], $0xf  }
0x2d0: {  	p6 =	sgt.u32 @!p4 s24, $0x270FF  }
0x2d1: {  	s2 =	sshll.u32 @!p4 s18, $0x6;
	p0 =	por @p3 p6, !p5  }
0x2d2: {  	s2 =	sshra.s32 @!p4 s2, $0x2;
	p2 =	por p0, !p3;
	p0 =	por p5, !p3  }
0x2d3: {  	s26 =	sadd.s32 @!p4 $0x28, s2;
	s28 =	sand.u32 @!p2 $0x3FFF8, s24;
	s29 =	sshll.u32 @!p0 s18, $0x6  }
0x2d4: {  	s24 =	sand.u32 @!p2 $0x7, s24;
	[tilespmem:s2+$0x28] =	vst.add.f32.msk @!p4 $0xf, v1;
	s2 =	sadd.s32 @!p2 s1, s28;
	s28 =	sshra.s32 @!p0 s29, $0x2  }
0x2d5: {  	[hbm4b:s2+s24] =	stream.linear.scatter @!p2 [tilespmem:s26], [sflag:$0xA], $0x4, $0x38;
	[tilespmem:$0x1F0E8] =	vst v63  }
0x2d6: {  	s0 =	rddreg [dreg:$0x2];
	s2 =	sadd.s32 @!p0 $0x28, s28;
	s24 =	simm.s32 @!p0 $0x1  }
0x2d7: {  	[spmem:s0] =	stream.linear.scatter @!p0 [tilespmem:s2], [sflag:$0x1], $0x4, $0x38;
	[tilespmem:$0x1F0E8] =	vst v63  }
0x2d8: {  	s0 =	sadd.s32 @p3 $0x1, s18;
	_ =	swait.ge @!p0 [sflag:s24], $0x4  }
0x2d9: {  	s2 =	sshrl.u32 @p3 s0, $0x4;
	[sflag:s24] =	ssyncset.done @!p0 $0x0  }
0x2da: {  	s2 =	smulhi.u32 @p3 $0x97B425F, s2;
	[sflag:s24] =	ssyncadd.s32 @!p0 $0xFFFFFFFC  }
0x2db: {  	s24 =	sadd.s32 $0x1, s25;
	v1 =	vld.msk @p3 [tilespmem:s21+$0x0], $0xf  }
0x2dc: {  	p0 =	por @p3 !p6, !p5;
	s2 =	smul.u32 @p3 $0x1B0, s2;
	p5 =	seq.s32 s24, $0x0  }
.Ltmp22:
0x2dd: {  	s25 =	simm.s32 @!p4 $0x0;
	p0 =	por !p0, !p3;
	(pc) =	sbr.rel @p5 .LBB3_17-.Ltmp22, $4  }
0x2de: {  	s26 =	sshll.u32 @!p3 s18, $0x6;
	s25 =	simm.s32 @!p0 $0x10;
	s0 =	ssub.s32 @p3 s0, s2  }
0x2df: {  	s26 =	sshra.s32 @!p3 s26, $0x2;
	s28 =	sadd.s32 @!p4 $0x0, s25;
	s29 =	sshll.u32 @p3 s0, $0x4  }
0x2e0: {  	s2 =	simm.s32 @p3 $0x1;
	s25 =	simm.s32 $0x0;
	s28 =	smov.u32 @p4 s22;
	[tilespmem:s29+$0x28] =	vst.msk @p3 $0xf, v1  }
0x2e1: {  	s18 =	smov.u32 @p3 s0;
	s22 =	smov.u32 @p3 s2;
	s25 =	smov.u32 @p3 s28;
	v1 =	vld.msk @!p3 [tilespmem:s21+$0x0], $0xf  }
.LBB3_16:
0x2e2: {  	_ =	sdelay $0x3  }
0x2e3: {  	s19 =	sadd.s32 $0x1, s19;
	[tilespmem:s26+$0x28] =	vst.add.f32.msk @!p3 $0xf, v1  }
0x2e4: {  	v1 =	vld.msk [tilespmem:s19+$0x0], $0x1;
	_ =	sdelay $0x4  }
0x2e5: {  	(v2sf) =	vpush v1, $0x0;
	_ =	sdelay $0xe  }
0x2e6: {  	s0 =	smov.u32 s23;
	s23 =	spop (v2sf)  }
0x2e7: {  	p3 =	sne.s32 s0, s23  }
0x2e8: {  	p6 =	sne.s32 @p3 s0, s20  }
0x2e9: {  	p5 =	por !p6, !p3  }
0x2ea: {  	s30 =	sshll.u32 @!p5 s22, $0x6  }
0x2eb: {  	s30 =	sshra.s32 @!p5 s30, $0x2  }
0x2ec: {  	p0 =	sgt.u32 @!p5 s0, $0x270FF;
	v1 =	vld.msk @!p5 [tilespmem:s30+$0x1B38], $0xf  }
0x2ed: {  	s31 =	sshll.u32 @!p5 s18, $0x6;
	p2 =	por @p3 p0, !p6;
	p0 =	por @p3 !p0, !p6  }
0x2ee: {  	s5 =	simm.s32 @!p5 $0x0;
	s31 =	sshra.s32 @!p5 s31, $0x2;
	p0 =	por !p0, !p3  }
0x2ef: {  	p6 =	por p6, !p3;
	s5 =	simm.s32 @!p0 $0x10;
	p0 =	por p2, !p3  }
0x2f0: {  	s30 =	sadd.s32 @!p5 $0x28, s31;
	s6 =	sshll.u32 @!p6 s18, $0x6;
	s10 =	sand.u32 @!p0 $0x3FFF8, s0  }
0x2f1: {  	s6 =	sshra.s32 @!p6 s6, $0x2;
	s0 =	sand.u32 @!p0 $0x7, s0;
	s10 =	sadd.s32 @!p0 s1, s10;
	[tilespmem:s31+$0x28] =	vst.add.f32.msk @!p5 $0xf, v1  }
0x2f2: {  	[hbm4b:s10+s0] =	stream.linear.scatter @!p0 [tilespmem:s30], [sflag:$0xA], $0x4, $0x38;
	[tilespmem:$0x1F0E8] =	vst v63  }
0x2f3: {  	s2 =	rddreg [dreg:$0x2];
	s0 =	sadd.s32 @!p6 $0x28, s6;
	s6 =	simm.s32 @!p6 $0x1  }
0x2f4: {  	[spmem:s2] =	stream.linear.scatter @!p6 [tilespmem:s0], [sflag:$0x1], $0x4, $0x38;
	[tilespmem:$0x1F0E8] =	vst v63  }
0x2f5: {  	s28 =	sadd.s32 @p3 $0x1, s18;
	_ =	swait.ge @!p6 [sflag:s6], $0x4  }
0x2f6: {  	s29 =	sshrl.u32 @p3 s28, $0x4;
	[sflag:s6] =	ssyncset.done @!p6 $0x0  }
0x2f7: {  	s21 =	sadd.s32 $0x80, s21;
	s29 =	smulhi.u32 @p3 $0x97B425F, s29;
	[sflag:s6] =	ssyncadd.s32 @!p6 $0xFFFFFFFC  }
0x2f8: {  	s24 =	sadd.s32 $0x1, s24;
	v1 =	vld.msk @p3 [tilespmem:s21+$0x0], $0xf  }
0x2f9: {  	p4 =	seq.s32 s24, $0x0;
	s29 =	smul.u32 @p3 $0x1B0, s29  }
.Ltmp23:
0x2fa: {  	_ = 	snop;
	(pc) =	sbr.rel @!p4 .LBB3_16-.Ltmp23, $4  }
0x2fb: {  	s28 =	ssub.s32 @p3 s28, s29  }
0x2fc: {  	s26 =	sshll.u32 @!p3 s18, $0x6;
	s5 =	sadd.s32 @!p5 s5, s25;
	s10 =	sshll.u32 @p3 s28, $0x4  }
0x2fd: {  	s9 =	sadd.s32 @p3 $0x1, s22;
	s26 =	sshra.s32 @!p3 s26, $0x2;
	s5 =	smov.u32 @p5 s25;
	[tilespmem:s10+$0x28] =	vst.msk @p3 $0xf, v1  }
0x2fe: {  	s22 =	smov.u32 @p3 s9;
	s18 =	smov.u32 @p3 s28;
	s25 =	smov.u32 @p3 s5;
	v1 =	vld.msk @!p3 [tilespmem:s21+$0x0], $0xf  }
.LBB3_17:
.Ltmp24:
0x2ff: {  	_ = 	snop;
	(pc) =	sbr.rel .LBB3_19-.Ltmp24, $4  }
0x300: {  	s2 =	sld [smem:$0x7FC]  }
0x301: {  	s0 =	sshrl.u32 s25, $0x2  }
0x302: {  	s24 =	smov.u32 s23;
	s6 =	smov.u32 s8;
	s5 =	smov.u32 s12  }
0x303: {  	s8 =	smov.u32 s3;
	s3 =	rddreg [dreg:$0x3];
	p2 =	seq.s32 s2, $0x1;
	[tilespmem:s26+$0x28] =	vst.add.f32.msk @!p3 $0xf, v1  }
.LBB3_21:
0x304: {  	_ =	sfence.sel $0x180000  }
0x305: {  	s0 =	simm.s32 $0x7;
	[bflag:$0x0] =	sbarrier.arrive $0xFFFF  }
0x306: {  	s23 =	simm.s32 $0x8;
	[sflag:s0] =	ssyncpa.u1 $0x1  }
0x307: {  	s24 =	simm.s32 $0x9;
	[sflag:s23] =	ssyncpa.u1 $0x1  }
0x308: {  	s25 =	simm.s32 $0x2;
	[sflag:s24] =	ssyncpa.u1 $0x1  }
0x309: {  	[sflag:s25] =	ssyncpa.u1 $0x1  }
0x30a: {  	v0 =	vld [tilespmem:$0x3648];
	_ =	sdelay $0x4  }
0x30b: {  	(v2sf) =	vpush v0, $0x0  }
0x30c: {  	(v2sf) =	vpush v0, $0x1;
	_ =	sdelay $0x1  }
0x30d: {  	(v2sf) =	vpush v0, $0x2;
	_ =	sdelay $0xb  }
0x30e: {  	s0 =	spop (v2sf)  }
0x30f: {  	s2 =	spop (v2sf)  }
0x310: {  	s3 =	smov.u32 s0;
	p0 =	sne.s32 s0, s2  }
0x311: {  	s4 =	spop (v2sf);
	s3 =	simm.s32 @!p0 $0xFFFFFFFF  }
0x312: {  	v2 =	vimm.s32 $0x1;
	v3 =	vlaneseq.u32;
	p0 =	seq.s32 s4, $0xFFFFFFFF;
	v1 =	vmov s3  }
0x313: {  	s26 =	stileid.u32;
	v0 =	vperm.xlane v0, v2;
	p1 =	sne.s32 @!p0 s0, s2;
	v1 =	vperm.xlane v1, v3  }
0x314: {  	vm0 =	vcmask $0x3F04;
	s6 =	simm.s32 $0x3648;
	s0 =	simm.s32 @!p0 $0x1;
	p1 =	por !p1, p0  }
0x315: {  	s3 =	sshll.u32 s26, $0x1;
	s2 =	sshll.u32 @!p0 s4, $0x6;
	s0 =	simm.s32 @p1 $0x0;
	v0 =	vsel vm0, v1, v0  }
0x316: {  	s5 =	sor.u32 $0x200, s3;
	s2 =	sshra.s32 @!p0 s2, $0x2;
	s0 =	sor.u32 @!p0 s0, s3;
	[tilespmem:$0x3648] =	vst v0  }
0x317: {  	[spmem:s5] =	stream.linear.scatter [tilespmem:s6], [sflag:$0x1], $0x2, $0x38;
	[tilespmem:$0x1F0E8] =	vst v63  }
0x318: {  	s2 =	sadd.s32 @!p0 $0x28, s2;
	s0 =	sshll.u32 @!p0 s0, $0x4  }
0x319: {  	[spmem:s0] =	stream.linear.scatter @!p0 [tilespmem:s2], [sflag:$0x1], $0x10, $0x38;
	[tilespmem:$0x1F0E8] =	vst v63  }
0x31a: {  	s0 =	simm.s32 @!p0 $0x12  }
0x31b: {  	s2 =	simm.s32 $0x1;
	s0 =	simm.s32 @p0 $0x2  }
0x31c: {  	_ =	swait.ge [sflag:s2], s0  }
0x31d: {  	s0 =	ssub.s32 $0x0, s0;
	[sflag:s2] =	ssyncset.done $0x0  }
0x31e: {  	[sflag:s2] =	ssyncadd.s32 s0  }
0x31f: {  	_ =	sfence.stream.spmem  }
0x320: {  	[bflag:$0x0] =	sbarrier.arrive $0xFFFF  }
0x321: {  	s28 =	simm.s32 $0x3;
	s31 =	sld [smem:$0x7FD]  }
0x322: {  	s29 =	simm.s32 $0x4;
	[sflag:s28] =	ssyncpa.u1 $0x1  }
0x323: {  	s30 =	simm.s32 $0x3C;
	[sflag:s29] =	ssyncpa.u1 $0x1  }
0x324: {  	[sflag:s30] =	ssyncpa.u1 $0x1;
	p0 =	seq.s32 s31, $0x1  }
0x325: {  	_ =	sfence @p0  }
0x326: {  	[sflag:s2] =	ssyncpa.u1 @p0 $0x1  }
0x327: {  	_ =	strace @p0 $0x90000053  }
0x328: {  	[bflag:$0x2] =	sbarrier.arrive @p0 $0xFFFF  }
0x329: {  	_ =	shalt @p0  }
.LBB3_22:
0x32a: {  	_ =	sfence.stream.spmem;
	s0 =	simm.s32 $0x5  }
0x32b: {  	s2 =	simm.s32 $0x200;
	s3 =	simm.s32 $0x3658;
	[sflag:s0] =	ssyncpa.u1 $0x0  }
0x32c: {  	[tilespmem:s3], [sflag:$0x5] =	stream.linear.gather [spmem:s2], $0x20, $0x38;
	[tilespmem:$0x1F0E8] =	vst v63  }
0x32d: {  	s30 =	simm.s32 $0x3678;
	s2 =	simm.s32 $0x0  }
0x32e: {  	[tilespmem:s30], [sflag:$0x5] =	stream.linear.gather [spmem:s2], $0x200, $0x38;
	[tilespmem:$0x1F0E8] =	vst v63  }
.Ltmp25:
0x32f: {  	_ = 	snop;
	(pc) =	sbr.rel .LBB3_23-.Ltmp25, $4  }
0x330: {  	_ =	swait.ge [sflag:s0], $0x220  }
0x331: {  	[sflag:s0] =	ssyncset.done $0x0  }
0x332: {  	s31 =	simm.s32 $0x6;
	[sflag:s0] =	ssyncadd.s32 $0xFFFFFDE0  }
0x333: {  	s3 =	simm.s32 $0x0;
	[sflag:s31] =	ssyncpa.u1 $0x0  }
.LBB3_28:
0x334: {  	p0 =	slt.u32 s4, $0x27100  }
0x335: {  	s0 =	sand.u32 @p0 $0x3FFF8, s4  }
0x336: {  	s4 =	sand.u32 @p0 $0x7, s4;
	s5 =	simm.s32 @p0 $0x3638;
	s0 =	sadd.s32 @p0 s1, s0  }
0x337: {  	[tilespmem:s5], [sflag:$0x6] =	stream.linear.gather @p0 [hbm4b:s0+s4], $0x4, $0x38;
	[tilespmem:$0x1F0E8] =	vst v63  }
0x338: {  	s0 =	simm.s32 @p0 $0x6  }
0x339: {  	_ =	swait.ge @p0 [sflag:s0], $0x4  }
0x33a: {  	[sflag:s0] =	ssyncset.done @p0 $0x0  }
0x33b: {  	[sflag:s0] =	ssyncadd.s32 @p0 $0xFFFFFFFC  }
0x33c: {  	v1 =	vld @p0 [tilespmem:$0x3638];
	_ =	sdelay $0x2  }
0x33d: {  	s0 =	sshll.u32 @p0 s3, $0x6  }
0x33e: {  	s5 =	sshll.u32 @!p0 s3, $0x6;
	s4 =	sshrl.u32 @p0 s0, $0x2  }
0x33f: {  	s5 =	smov.u32 @p0 s0;
	[tilespmem:s4+$0x3678] =	vst.add.f32.msk @p0 $0xffff, v1  }
0x340: {  	s0 =	sshrl.u32 s5, $0x2;
	[tilespmem:s2+$0x3658] =	vst.msk $0x1, v0  }
0x341: {  	v0 =	vld [tilespmem:s0+$0x3678];
	_ =	sdelay $0x2  }
0x342: {  	s31 =	sshll.u32 s2, $0x6  }
0x343: {  	s0 =	sshra.s32 s31, $0x2  }
0x344: {  	s2 =	sadd.s32 $0x1, s2;
	[tilespmem:s0+$0x3678] =	vst v0  }
.LBB3_30:
0x345: {  	s3 =	sadd.s32 $0x1, s3  }
0x346: {  	p0 =	sne.s32 s3, $0x20  }
.Ltmp26:
0x347: {  	_ = 	snop;
	(pc) =	sbr.rel @!p0 .LBB3_31-.Ltmp26, $1  }
0x348: {  	_ =	sdelay $0x3  }
.LBB3_23:
0x349: {  	v0 =	vld.msk [tilespmem:s3+$0x3658], $0x1;
	_ =	sdelay $0x4  }
0x34a: {  	(v2sf) =	vpush v0, $0x0;
	_ =	sdelay $0xe  }
0x34b: {  	s4 =	spop (v2sf)  }
0x34c: {  	p0 =	seq.s32 s4, $0xFFFFFFFF  }
.Ltmp27:
0x34d: {  	_ = 	snop;
	(pc) =	sbr.rel @p0 .LBB3_30-.Ltmp27, $1  }
0x34e: {  	_ =	sdelay $0x3  }
0x34f: {  	p0 =	slt.s32 s2, $0x1  }
.Ltmp28:
0x350: {  	_ = 	snop;
	(pc) =	sbr.rel @p0 .LBB3_28-.Ltmp28, $1  }
0x351: {  	_ =	sdelay $0x3  }
0x352: {  	s5 =	simm.s32 $0x3658;
	p0 =	por $0x0, $0x0  }
0x353: {  	v1 =	vld.msk @!p0 [tilespmem:s5+$0x0], $0x1;
	_ =	sdelay $0x4  }
0x354: {  	(v2sf) =	vpush @!p0 v1, $0x0;
	_ =	sdelay $0xd  }
0x355: {  	p2 =	sne.s32 s2, $0x1  }
.Ltmp29:
0x356: {  	s0 =	spop @!p0 (v2sf);
	(pc) =	sbr.rel @!p2 .LBB3_27-.Ltmp29, $4  }
0x357: {  	p1 =	seq.s32 @!p0 s4, s0  }
0x358: {  	s6 =	simm.s32 $0x0;
	p1 =	por !p1, p0  }
0x359: {  	s0 =	simm.s32 $0xFFFFFFFF;
	s6 =	simm.s32 @p1 $0xFFFFFFFF  }
0x35a: {  	s7 =	simm.s32 $0x1;
	s6 =	smov.u32 @p0 s0  }
.LBB3_26:
0x35b: {  	s0 =	smov.u32 s6;
	p0 =	sne.s32 s6, $0xFFFFFFFF  }
0x35c: {  	s5 =	sadd.s32 $0x1, s5;
	s6 =	smov.u32 s7;
	s7 =	sadd.s32 $0x1, s7  }
0x35d: {  	p1 =	sne.s32 s2, s7;
	v1 =	vld.msk @!p0 [tilespmem:s5+$0x0], $0x1;
	_ =	sdelay $0x4  }
0x35e: {  	(v2sf) =	vpush @!p0 v1, $0x0;
	_ =	sdelay $0xe  }
.Ltmp30:
0x35f: {  	s8 =	spop @!p0 (v2sf);
	(pc) =	sbr.rel @p1 .LBB3_26-.Ltmp30, $4  }
0x360: {  	p2 =	seq.s32 @!p0 s4, s8  }
0x361: {  	p2 =	por !p2, p0  }
0x362: {  	s6 =	simm.s32 @p2 $0xFFFFFFFF  }
0x363: {  	s6 =	smov.u32 @p0 s0  }
.LBB3_27:
0x364: {  	p0 =	sne.s32 s6, $0xFFFFFFFF  }
.Ltmp31:
0x365: {  	_ = 	snop;
	(pc) =	sbr.rel @!p0 .LBB3_28-.Ltmp31, $1  }
0x366: {  	_ =	sdelay $0x3  }
0x367: {  	s0 =	sshll.u32 s3, $0x4  }
0x368: {  	s0 =	sand.u32 $0x3FFFFFF0, s0  }
0x369: {  	v0 =	vld [tilespmem:s0+$0x3678]  }
.Ltmp32:
0x36a: {  	_ = 	snop;
	(pc) =	sbr.rel .LBB3_30-.Ltmp32, $4  }
0x36b: {  	_ = 	snop  }
0x36c: {  	s31 =	sshll.u32 s6, $0x6  }
0x36d: {  	s0 =	sshra.s32 s31, $0x2  }
0x36e: {  	[tilespmem:s0+$0x3678] =	vst.add.f32.msk $0xffff, v0  }
.LBB3_31:
0x36f: {  	p0 =	slt.s32 s2, $0x1  }
.Ltmp33:
0x370: {  	_ = 	snop;
	(pc) =	sbr.rel @p0 .LBB3_35-.Ltmp33, $3  }
0x371: {  	_ =	sdelay $0x1  }
0x372: {  	s0 =	simm.s32 $0x6  }
0x373: {  	s3 =	simm.s32 $0x0;
	[sflag:s0] =	ssyncpa.u1 $0x1  }
0x374: {  	s0 =	simm.s32 $0x3658  }
0x375: {  	v0 =	vld.msk [tilespmem:s0+$0x0], $0x1;
	_ =	sdelay $0x4  }
0x376: {  	(v2sf) =	vpush v0, $0x0;
	_ =	sdelay $0xd  }
0x377: {  	s2 =	sadd.s32 $0xFFFFFFFF, s2  }
0x378: {  	p1 =	sne.s32 s2, $0x0;
	s0 =	spop (v2sf)  }
.Ltmp34:
0x379: {  	p0 =	sgt.u32 s0, $0x270FF;
	(pc) =	sbr.rel @!p1 .LBB3_34-.Ltmp34, $4  }
0x37a: {  	s4 =	simm.s32 $0x3678;
	s5 =	sand.u32 @!p0 $0x3FFF8, s0  }
0x37b: {  	s6 =	simm.s32 $0x0;
	s0 =	sand.u32 @!p0 $0x7, s0;
	s5 =	sadd.s32 @!p0 s1, s5  }
0x37c: {  	[hbm4b:s5+s0] =	stream.linear.scatter @!p0 [tilespmem:s4], [sflag:$0x5], $0x4, $0x38;
	[tilespmem:$0x1F0E8] =	vst v63  }
0x37d: {  	s6 =	simm.s32 @!p0 $0x10;
	s5 =	simm.s32 $0x3659  }
.LBB3_33:
0x37e: {  	v0 =	vld.msk [tilespmem:s5+$0x0], $0x1;
	s2 =	sadd.s32 $0xFFFFFFFF, s2;
	s3 =	sadd.s32 s3, s6  }
0x37f: {  	p0 =	sne.s32 s2, $0x0;
	_ =	sdelay $0x3  }
0x380: {  	(v2sf) =	vpush v0, $0x0;
	_ =	sdelay $0xe  }
.Ltmp35:
0x381: {  	s0 =	spop (v2sf);
	(pc) =	sbr.rel @p0 .LBB3_33-.Ltmp35, $4  }
0x382: {  	s6 =	simm.s32 $0x0;
	p1 =	sgt.u32 s0, $0x270FF  }
0x383: {  	s4 =	sadd.s32 $0x10, s4;
	s6 =	simm.s32 @!p1 $0x10;
	s7 =	sand.u32 @!p1 $0x3FFF8, s0  }
0x384: {  	s5 =	sadd.s32 $0x1, s5;
	s0 =	sand.u32 @!p1 $0x7, s0;
	s7 =	sadd.s32 @!p1 s1, s7  }
0x385: {  	[hbm4b:s7+s0] =	stream.linear.scatter @!p1 [tilespmem:s4], [sflag:$0x5], $0x4, $0x38;
	[tilespmem:$0x1F0E8] =	vst v63  }
.LBB3_34:
0x386: {  	s0 =	sadd.s32 s3, s6  }
0x387: {  	s3 =	sshrl.u32 s0, $0x2  }
.LBB3_35:
0x388: {  	s0 =	simm.s32 $0x5  }
0x389: {  	_ =	swait.ge [sflag:s0], s3  }
0x38a: {  	s1 =	ssub.s32 $0x0, s3;
	[sflag:s0] =	ssyncset.done $0x0  }
0x38b: {  	[sflag:s0] =	ssyncadd.s32 s1  }
0x38c: {  	[sflag:s0] =	ssyncpa.u1 $0x1  }
0x38d: {  	s30 =	simm.s32 $0x1;
	_ =	sfence  }
0x38e: {  	[sflag:s30] =	ssyncpa.u1 $0x1  }
0x38f: {  	_ =	strace $0x90000053  }
0x390: {  	[bflag:$0x2] =	sbarrier.arrive $0xFFFF  }
0x391: {  	s31 =	rddreg [dreg:$0x1]  }
0x392: {  	s0 =	sadd.s32 $0x100000, s31  }
0x393: {  	[sflag:s0] =	ssyncadd.tile.s32 $0x1;
	_ =	shalt  }
.Lfunc_end3:
_tile_overlayer_lowered:
.L_overlay_start_3:
0x394: {  	(tag) =	ssettag $0x3  }
0x395: {  	s0 =	rddreg [dreg:$0x0];
	s2 =	stileid.u32  }
0x396: {  	s1 =	rddreg [dreg:$0x1];
	p0 =	sne.s32 s2, $0x0  }
0x397: {  	s3 =	rddreg [dreg:$0x2];
	[bflag:$0x3] =	sbarrier.arrive $0xFFFF;
	s2 =	simm.s32 @!p0 $0x1C01  }
0x398: {  	[timem:s3], [sflag:s2] =	dma.local @!p0 [hbm:s0], s1  }
0x399: {  	s0 =	simm.s32 @!p0 $0x1  }
0x39a: {  	_ =	swait.ge @!p0 [sflag:s0], s1  }
0x39b: {  	s1 =	ssub.s32 @!p0 $0x0, s1;
	[sflag:s0] =	ssyncset.done @!p0 $0x0  }
0x39c: {  	[sflag:s0] =	ssyncadd.s32 @!p0 s1  }
0x39d: {  	[bflag:$0x3] =	sbarrier.arrive $0xFFFF  }
0x39e: {  	_ =	shalt  }

</sc_bundles>
